<compile_context>
chip_gen: v7x
topology: tpu7x:2x2x1
jax: 0.10.2.dev20260603
libtpu: 0.0.44.dev20260713+nightly
codegen_flags: <defaults>
</compile_context>

<pallas_src>
import functools

import jax
import jax.numpy as jnp
from jax import lax
from jax.experimental import pallas as pl
from jax.experimental.pallas import tpu as pltpu
from jax.experimental.pallas import tpu_sc as plsc

NC = 2
NS = 16
NW = NC * NS
CH = 128


def _leaky(v, slope=0.01):
    return jnp.where(v >= 0, v, slope * v)


def _mlp3(v, W1, b1, W2, b2, W3, b3):
    v = _leaky(jnp.dot(v, W1, preferred_element_type=jnp.float32) + b1)
    v = _leaky(jnp.dot(v, W2, preferred_element_type=jnp.float32) + b2)
    return jnp.dot(v, W3, preferred_element_type=jnp.float32) + b3


def _prep_body(x_ref, W1, b1, W2, b2, W3, b3, out_ref):
    xa = x_ref[...]
    out_ref[0] = xa
    out_ref[1] = _mlp3(xa, W1[...], b1[...], W2[...], b2[...], W3[...], b3[...])


def _idx_body(n, src_ref, r_ref, out_ref):
    out_ref[...] = src_ref[...] + n * (r_ref[...] == 1).astype(jnp.int32)


def _final_body(sum_ref, deg_ref, inv_ref,
                Wa1, ba1, Wa2, ba2, Wa3, ba3,
                Wi1, bi1, Wi2, bi2, Wi3, bi3, out_ref):
    ssum = sum_ref[0] + sum_ref[1]
    deg = deg_ref[0] + deg_ref[1]
    neigh = ssum / jnp.maximum(deg, 1.0)
    a = _mlp3(neigh, Wa1[...], ba1[...], Wa2[...], ba2[...], Wa3[...], ba3[...])
    b = _mlp3(a, Wi1[...], bi1[...], Wi2[...], bi2[...], Wi3[...], bi3[...])
    out_ref[...] = jnp.where(inv_ref[...] == 1, b, a)


def kernel(x, edge_index, edge_r, node_inv,
           Wi1, bi1, Wi2, bi2, Wi3, bi3,
           Wa1, ba1, Wa2, ba2, Wa3, ba3):
    N, D = x.shape
    H = Wi1.shape[1]
    E = edge_index.shape[1]
    src = edge_index[0]
    dst = edge_index[1]

    bi1r, bi2r, bi3r = bi1.reshape(1, H), bi2.reshape(1, H), bi3.reshape(1, D)
    ba1r, ba2r, ba3r = ba1.reshape(1, H), ba2.reshape(1, H), ba3.reshape(1, D)

    BN = 1000
    grid = N // BN
    table = pl.pallas_call(
        _prep_body,
        grid=(grid,),
        in_specs=[
            pl.BlockSpec((BN, D), lambda i: (i, 0)),
            pl.BlockSpec((D, H), lambda i: (0, 0)),
            pl.BlockSpec((1, H), lambda i: (0, 0)),
            pl.BlockSpec((H, H), lambda i: (0, 0)),
            pl.BlockSpec((1, H), lambda i: (0, 0)),
            pl.BlockSpec((H, D), lambda i: (0, 0)),
            pl.BlockSpec((1, D), lambda i: (0, 0)),
        ],
        out_specs=pl.BlockSpec((2, BN, D), lambda i: (0, i, 0)),
        out_shape=jax.ShapeDtypeStruct((2, N, D), jnp.float32),
    )(x, Wi1, bi1r, Wi2, bi2r, Wi3, bi3r)
    table2n = table.reshape(2 * N, D)

    ER = E // 128
    idx = pl.pallas_call(
        functools.partial(_idx_body, N),
        out_shape=jax.ShapeDtypeStruct((ER, 128), jnp.int32),
    )(src.reshape(ER, 128), edge_r.reshape(ER, 128)).reshape(E)

    nchunk = -(-E // (NW * CH))
    if nchunk % 2:
        nchunk += 1
    epw = nchunk * CH
    epad = NW * epw
    npad = -(-(N + 1) // 128) * 128
    pad = epad - E
    idx_p = jnp.concatenate([idx, jnp.zeros((pad,), jnp.int32)])
    dst_p = jnp.concatenate([dst, jnp.full((pad,), N, jnp.int32)])
    zrows = jnp.zeros((128, D), jnp.float32)
    orows = jnp.ones((CH, D), jnp.float32)
    zpt = npad // NS

    def zero_acc(src_stage, acc, s):
        off = 0
        while off < zpt:
            ln = min(128, zpt - off)
            pltpu.sync_copy(src_stage.at[pl.ds(0, ln)],
                            acc.at[pl.ds(s * zpt + off, ln)])
            off += ln

    def export_acc(acc, stage, out_hbm, c, s):
        off = 0
        while off < zpt:
            ln = min(128, zpt - off)
            pltpu.sync_copy(acc.at[pl.ds(s * zpt + off, ln)],
                            stage.at[pl.ds(0, ln)])
            pltpu.sync_copy(stage.at[pl.ds(0, ln)],
                            out_hbm.at[c, pl.ds(s * zpt + off, ln)])
            off += ln

    SLAB = 8
    idx2d = idx_p.reshape(epad // CH, CH)
    dst2d = dst_p.reshape(epad // CH, CH)

    def sum_body(table, idx2, dst2, zrows_r, sum_out,
                 idxb, dstb, rows0, rows1, acc, sem0, sem1):
        c = lax.axis_index("c")
        s = lax.axis_index("s")
        pltpu.sync_copy(zrows_r, rows0)
        zero_acc(rows0, acc, s)
        plsc.subcore_barrier()

        wbase = (c * NS + s) * nchunk
        rows = [rows0, rows1]
        sems = [sem0, sem1]

        def slab(t, carry):
            rb = wbase + t * SLAB
            pltpu.sync_copy(idx2.at[pl.ds(rb, SLAB)], idxb)
            pltpu.sync_copy(dst2.at[pl.ds(rb, SLAB)], dstb)
            pltpu.async_copy(table.at[idxb.at[0]], rows[0], sems[0])
            for j in range(SLAB):
                if j + 1 < SLAB:
                    pltpu.async_copy(table.at[idxb.at[j + 1]],
                                     rows[(j + 1) % 2], sems[(j + 1) % 2])
                pltpu.make_async_copy(table.at[idxb.at[j]],
                                      rows[j % 2], sems[j % 2]).wait()
                pltpu.sync_copy(rows[j % 2], acc.at[dstb.at[j]], add=True)
            return carry

        lax.fori_loop(0, nchunk // SLAB, slab, 0, unroll=False)
        plsc.subcore_barrier()
        export_acc(acc, rows0, sum_out, c, s)

    def deg_body(dstp, zrows_r, orows_r, deg_out,
                 dst0, dst1, rows0, acc, sem0, sem1):
        c = lax.axis_index("c")
        s = lax.axis_index("s")
        pltpu.sync_copy(zrows_r, rows0)
        zero_acc(rows0, acc, s)
        plsc.subcore_barrier()
        pltpu.sync_copy(orows_r, rows0)

        ebase = (c * NS + s) * epw
        pltpu.sync_copy(dstp.at[pl.ds(ebase, CH)], dst0)

        def pair(p, carry):
            eb = ebase + 2 * p * CH
            a1 = pltpu.async_copy(dstp.at[pl.ds(eb + CH, CH)], dst1, sem1)
            pltpu.sync_copy(rows0, acc.at[dst0], add=True)
            a1.wait()
            ebn = jnp.minimum(eb + 2 * CH, ebase + (nchunk - 1) * CH)
            a0 = pltpu.async_copy(dstp.at[pl.ds(ebn, CH)], dst0, sem0)
            pltpu.sync_copy(rows0, acc.at[dst1], add=True)
            a0.wait()
            return carry

        lax.fori_loop(0, nchunk // 2, pair, 0, unroll=False)
        plsc.subcore_barrier()
        export_acc(acc, rows0, deg_out, c, s)

    mesh = plsc.VectorSubcoreMesh(
        core_axis_name="c", subcore_axis_name="s",
        num_cores=NC, num_subcores=NS)
    sum_call = pl.kernel(
        sum_body,
        out_type=jax.ShapeDtypeStruct((NC, npad, D), jnp.float32),
        mesh=mesh,
        scratch_types=[
            pltpu.VMEM((SLAB, CH), jnp.int32),
            pltpu.VMEM((SLAB, CH), jnp.int32),
            pltpu.VMEM((CH, D), jnp.float32),
            pltpu.VMEM((CH, D), jnp.float32),
            pltpu.VMEM_SHARED((npad, D), jnp.float32),
            pltpu.SemaphoreType.DMA,
            pltpu.SemaphoreType.DMA,
        ],
    )
    sum_p = sum_call(table2n, idx2d, dst2d, zrows)

    deg_call = pl.kernel(
        deg_body,
        out_type=jax.ShapeDtypeStruct((NC, npad, D), jnp.float32),
        mesh=mesh,
        scratch_types=[
            pltpu.VMEM((CH,), jnp.int32),
            pltpu.VMEM((CH,), jnp.int32),
            pltpu.VMEM((CH, D), jnp.float32),
            pltpu.VMEM_SHARED((npad, D), jnp.float32),
            pltpu.SemaphoreType.DMA,
            pltpu.SemaphoreType.DMA,
        ],
    )
    deg_p = deg_call(dst_p, zrows, orows)

    sum_p = sum_p[:, :N]
    deg_p = deg_p[:, :N, 0:1]

    inv2d = node_inv.reshape(N, 1)
    out = pl.pallas_call(
        _final_body,
        grid=(grid,),
        in_specs=[
            pl.BlockSpec((NC, BN, D), lambda i: (0, i, 0)),
            pl.BlockSpec((NC, BN, 1), lambda i: (0, i, 0)),
            pl.BlockSpec((BN, 1), lambda i: (i, 0)),
            pl.BlockSpec((D, H), lambda i: (0, 0)),
            pl.BlockSpec((1, H), lambda i: (0, 0)),
            pl.BlockSpec((H, H), lambda i: (0, 0)),
            pl.BlockSpec((1, H), lambda i: (0, 0)),
            pl.BlockSpec((H, D), lambda i: (0, 0)),
            pl.BlockSpec((1, D), lambda i: (0, 0)),
            pl.BlockSpec((D, H), lambda i: (0, 0)),
            pl.BlockSpec((1, H), lambda i: (0, 0)),
            pl.BlockSpec((H, H), lambda i: (0, 0)),
            pl.BlockSpec((1, H), lambda i: (0, 0)),
            pl.BlockSpec((H, D), lambda i: (0, 0)),
            pl.BlockSpec((1, D), lambda i: (0, 0)),
        ],
        out_specs=pl.BlockSpec((BN, D), lambda i: (i, 0)),
        out_shape=jax.ShapeDtypeStruct((N, D), jnp.float32),
    )(sum_p, deg_p, inv2d,
      Wa1, ba1r, Wa2, ba2r, Wa3, ba3r,
      Wi1, bi1r, Wi2, bi2r, Wi3, bi3r)
    return out

# --- scband reference (transcript-rebuilt; emitter-appended) ---
"""Pipeline reference for scband-func-conv-52209622450432 (READ-ONLY COPY).

The authoritative reference and input builder live on the scoring server;
editing this copy changes nothing except your own understanding.
"""

import jax, jax.numpy as jnp
import numpy as np

N = 10000
E = 320000
D = 128
H = 64


def _leaky(v, slope=0.01):
    return jnp.where(v >= 0, v, slope * v)


def _mlp3(v, W1, b1, W2, b2, W3, b3):
    v = _leaky(v @ W1 + b1)
    v = _leaky(v @ W2 + b2)
    return v @ W3 + b3


def _lin(k, fi, fo):
    W = jax.random.normal(k, (fi, fo), dtype=jnp.float32) * (1.0 / np.sqrt(fi))
    b = jnp.zeros((fo,), dtype=jnp.float32)
    return W, b


def setup_inputs(seed: int = 0) -> dict:
    key = jax.random.key(seed)
    ks = jax.random.split(key, 16)
    x = jax.random.normal(ks[0], (N, D), dtype=jnp.float32)
    edge_index = jax.random.randint(ks[1], (2, E), 0, N, dtype=jnp.int32)
    edge_r = jax.random.randint(ks[2], (E,), 0, 2, dtype=jnp.int32)
    node_inv = jax.random.randint(ks[3], (N,), 0, 2, dtype=jnp.int32)
    # func_inv MLP: sizes (D, H, H, D)
    Wi1, bi1 = _lin(ks[4], D, H)
    Wi2, bi2 = _lin(ks[5], H, H)
    Wi3, bi3 = _lin(ks[6], H, D)
    # func_and MLP: sizes (D, H, H, D)
    Wa1, ba1 = _lin(ks[7], D, H)
    Wa2, ba2 = _lin(ks[8], H, H)
    Wa3, ba3 = _lin(ks[9], H, D)
    return {
        "x": x, "edge_index": edge_index, "edge_r": edge_r, "node_inv": node_inv,
        "Wi1": Wi1, "bi1": bi1, "Wi2": Wi2, "bi2": bi2, "Wi3": Wi3, "bi3": bi3,
        "Wa1": Wa1, "ba1": ba1, "Wa2": Wa2, "ba2": ba2, "Wa3": Wa3, "ba3": ba3,
    }


def reference(x, edge_index, edge_r, node_inv,
              Wi1, bi1, Wi2, bi2, Wi3, bi3,
              Wa1, ba1, Wa2, ba2, Wa3, ba3):
    # FuncConv.forward_local with a single block (one message-passing step),
    # flag_proj=False, flag_inv=True.
    def func_inv(v):
        return _mlp3(v, Wi1, bi1, Wi2, bi2, Wi3, bi3)

    def func_and(v):
        return _mlp3(v, Wa1, ba1, Wa2, ba2, Wa3, ba3)

    src = edge_index[0]
    dst = edge_index[1]
    # edge_msg: msg = h[src]; msg[r == 1] = func_inv(msg[r == 1])
    msg = jnp.take(x, src, axis=0)
    msg = jnp.where((edge_r == 1)[:, None], func_inv(msg), msg)
    # fn.mean('m', 'neigh'): scatter-mean over destination nodes
    deg = jax.ops.segment_sum(jnp.ones((msg.shape[0],), dtype=jnp.float32), dst, num_segments=N)
    neigh = jax.ops.segment_sum(msg, dst, num_segments=N) / jnp.maximum(deg, 1.0)[:, None]
    # apply_nodes_func: res = func_and(neigh); res[inv == 1] = func_inv(res[inv == 1])
    res = func_and(neigh)
    res = jnp.where((node_inv == 1)[:, None], func_inv(res), res)
    return res

if __name__ == "__main__":
    import jax
    _d = setup_inputs()
    print(jax.jit(kernel)(*tuple(_d.values())))

</pallas_src>

<mosaic_0001>
#map = affine_map<(d0, d1) -> (0)>
#map1 = affine_map<(d0, d1) -> (0, 0)>
#map2 = affine_map<(d0, d1) -> (0, 0, 0)>
module attributes {stable_mosaic.version = 14 : i64} {
  func.func @deg_body(%arg0: i32, %arg1: i32, %arg2: memref<327680xi32, #tpu.memory_space<hbm>>, %arg3: memref<128x128xf32, #tpu.memory_space<hbm>>, %arg4: memref<128x128xf32, #tpu.memory_space<hbm>>, %arg5: memref<2x10112x128xf32, #tpu.memory_space<hbm>>, %arg6: memref<128xi32, #tpu.memory_space<vmem>>, %arg7: memref<128xi32, #tpu.memory_space<vmem>>, %arg8: memref<128x128xf32, #tpu.memory_space<vmem>>, %arg9: memref<10112x128xf32, #tpu.memory_space<vmem_shared>>, %arg10: memref<!tpu.dma_semaphore, #tpu.memory_space<semaphore_mem>>, %arg11: memref<!tpu.dma_semaphore, #tpu.memory_space<semaphore_mem>>) attributes {dimension_semantics = [#tpu.dimension_semantics<core_parallel>, #tpu.dimension_semantics<subcore_parallel>], iteration_bounds = array<i64: 2, 16>, scalar_prefetch = 0 : i64, scratch_operands = 6 : i64, tpu.core_type = #tpu.core_type<sc_vector_subcore>, window_params = [{transform_indices = #map}, {transform_indices = #map1}, {transform_indices = #map1}, {transform_indices = #map2}]} {
    "tpu.region"() ({
      %run_scoped3A = tpu.sem_alloc : memref<!tpu.dma_semaphore, #tpu.memory_space<semaphore_mem>>
      tpu.enqueue_dma source(%arg3 : memref<128x128xf32, #tpu.memory_space<hbm>>) target(%arg8 : memref<128x128xf32, #tpu.memory_space<vmem>>) target_semaphore(%run_scoped3A : memref<!tpu.dma_semaphore, #tpu.memory_space<semaphore_mem>>)
      tpu.wait_dma2 semaphore(%run_scoped3A : memref<!tpu.dma_semaphore, #tpu.memory_space<semaphore_mem>>) src(%arg3 : memref<128x128xf32, #tpu.memory_space<hbm>>) dst(%arg8 : memref<128x128xf32, #tpu.memory_space<vmem>>)
      tpu.yield
    }) : () -> ()
    %mul3A = arith.constant 632 : i32
    %mul3A_0 = arith.muli %arg1, %mul3A : i32
    %add3A = arith.constant 0 : i32
    %add3A_1 = arith.addi %mul3A_0, %add3A : i32
    "tpu.region"() ({
      %run_scoped3A = tpu.sem_alloc : memref<!tpu.dma_semaphore, #tpu.memory_space<semaphore_mem>>
      %dma_start3A = arith.constant 0 : i32
      %dma_start3A_69 = arith.constant 0 : i32
      %dma_start3A_70 = tpu.memref_slice %arg8[%dma_start3A, %dma_start3A_69] : memref<128x128xf32, #tpu.memory_space<vmem>> -> memref<128x128xf32, #tpu.memory_space<vmem>>
      %dma_start3A_71 = arith.constant 0 : i32
      %dma_start3A_72 = tpu.memref_slice %arg9[%add3A_1, %dma_start3A_71] : memref<10112x128xf32, #tpu.memory_space<vmem_shared>> -> memref<128x128xf32, #tpu.memory_space<vmem_shared>>
      %dma_start3A_73 = arith.constant 0 : i32
      %dma_start3A_74 = tpu.memref_slice %arg9[%add3A_1, %dma_start3A_73] : memref<10112x128xf32, #tpu.memory_space<vmem_shared>> -> memref<128x128xf32, #tpu.memory_space<vmem_shared>>
      %dma_start3A_75 = arith.constant 0 : i32
      %dma_start3A_76 = arith.constant 0 : i32
      %dma_start3A_77 = tpu.memref_slice %arg8[%dma_start3A_75, %dma_start3A_76] : memref<128x128xf32, #tpu.memory_space<vmem>> -> memref<128x128xf32, #tpu.memory_space<vmem>>
      tpu.enqueue_dma source(%dma_start3A_77 : memref<128x128xf32, #tpu.memory_space<vmem>>) target(%dma_start3A_74 : memref<128x128xf32, #tpu.memory_space<vmem_shared>>) target_semaphore(%run_scoped3A : memref<!tpu.dma_semaphore, #tpu.memory_space<semaphore_mem>>)
      %dma_wait3A = arith.constant 0 : i32
      %dma_wait3A_78 = arith.constant 0 : i32
      %dma_wait3A_79 = tpu.memref_slice %arg8[%dma_wait3A, %dma_wait3A_78] : memref<128x128xf32, #tpu.memory_space<vmem>> -> memref<128x128xf32, #tpu.memory_space<vmem>>
      %dma_wait3A_80 = arith.constant 0 : i32
      %dma_wait3A_81 = tpu.memref_slice %arg9[%add3A_1, %dma_wait3A_80] : memref<10112x128xf32, #tpu.memory_space<vmem_shared>> -> memref<128x128xf32, #tpu.memory_space<vmem_shared>>
      %dma_wait3A_82 = arith.constant 0 : i32
      %dma_wait3A_83 = tpu.memref_slice %arg9[%add3A_1, %dma_wait3A_82] : memref<10112x128xf32, #tpu.memory_space<vmem_shared>> -> memref<128x128xf32, #tpu.memory_space<vmem_shared>>
      %dma_wait3A_84 = arith.constant 0 : i32
      %dma_wait3A_85 = arith.constant 0 : i32
      %dma_wait3A_86 = tpu.memref_slice %arg8[%dma_wait3A_84, %dma_wait3A_85] : memref<128x128xf32, #tpu.memory_space<vmem>> -> memref<128x128xf32, #tpu.memory_space<vmem>>
      tpu.wait_dma2 semaphore(%run_scoped3A : memref<!tpu.dma_semaphore, #tpu.memory_space<semaphore_mem>>) src(%dma_wait3A_86 : memref<128x128xf32, #tpu.memory_space<vmem>>) dst(%dma_wait3A_83 : memref<128x128xf32, #tpu.memory_space<vmem_shared>>)
      tpu.yield
    }) : () -> ()
    %mul3A_2 = arith.constant 632 : i32
    %mul3A_3 = arith.muli %arg1, %mul3A_2 : i32
    %add3A_4 = arith.constant 128 : i32
    %add3A_5 = arith.addi %mul3A_3, %add3A_4 : i32
    "tpu.region"() ({
      %run_scoped3A = tpu.sem_alloc : memref<!tpu.dma_semaphore, #tpu.memory_space<semaphore_mem>>
      %dma_start3A = arith.constant 0 : i32
      %dma_start3A_69 = arith.constant 0 : i32
      %dma_start3A_70 = tpu.memref_slice %arg8[%dma_start3A, %dma_start3A_69] : memref<128x128xf32, #tpu.memory_space<vmem>> -> memref<128x128xf32, #tpu.memory_space<vmem>>
      %dma_start3A_71 = arith.constant 0 : i32
      %dma_start3A_72 = tpu.memref_slice %arg9[%add3A_5, %dma_start3A_71] : memref<10112x128xf32, #tpu.memory_space<vmem_shared>> -> memref<128x128xf32, #tpu.memory_space<vmem_shared>>
      %dma_start3A_73 = arith.constant 0 : i32
      %dma_start3A_74 = tpu.memref_slice %arg9[%add3A_5, %dma_start3A_73] : memref<10112x128xf32, #tpu.memory_space<vmem_shared>> -> memref<128x128xf32, #tpu.memory_space<vmem_shared>>
      %dma_start3A_75 = arith.constant 0 : i32
      %dma_start3A_76 = arith.constant 0 : i32
      %dma_start3A_77 = tpu.memref_slice %arg8[%dma_start3A_75, %dma_start3A_76] : memref<128x128xf32, #tpu.memory_space<vmem>> -> memref<128x128xf32, #tpu.memory_space<vmem>>
      tpu.enqueue_dma source(%dma_start3A_77 : memref<128x128xf32, #tpu.memory_space<vmem>>) target(%dma_start3A_74 : memref<128x128xf32, #tpu.memory_space<vmem_shared>>) target_semaphore(%run_scoped3A : memref<!tpu.dma_semaphore, #tpu.memory_space<semaphore_mem>>)
      %dma_wait3A = arith.constant 0 : i32
      %dma_wait3A_78 = arith.constant 0 : i32
      %dma_wait3A_79 = tpu.memref_slice %arg8[%dma_wait3A, %dma_wait3A_78] : memref<128x128xf32, #tpu.memory_space<vmem>> -> memref<128x128xf32, #tpu.memory_space<vmem>>
      %dma_wait3A_80 = arith.constant 0 : i32
      %dma_wait3A_81 = tpu.memref_slice %arg9[%add3A_5, %dma_wait3A_80] : memref<10112x128xf32, #tpu.memory_space<vmem_shared>> -> memref<128x128xf32, #tpu.memory_space<vmem_shared>>
      %dma_wait3A_82 = arith.constant 0 : i32
      %dma_wait3A_83 = tpu.memref_slice %arg9[%add3A_5, %dma_wait3A_82] : memref<10112x128xf32, #tpu.memory_space<vmem_shared>> -> memref<128x128xf32, #tpu.memory_space<vmem_shared>>
      %dma_wait3A_84 = arith.constant 0 : i32
      %dma_wait3A_85 = arith.constant 0 : i32
      %dma_wait3A_86 = tpu.memref_slice %arg8[%dma_wait3A_84, %dma_wait3A_85] : memref<128x128xf32, #tpu.memory_space<vmem>> -> memref<128x128xf32, #tpu.memory_space<vmem>>
      tpu.wait_dma2 semaphore(%run_scoped3A : memref<!tpu.dma_semaphore, #tpu.memory_space<semaphore_mem>>) src(%dma_wait3A_86 : memref<128x128xf32, #tpu.memory_space<vmem>>) dst(%dma_wait3A_83 : memref<128x128xf32, #tpu.memory_space<vmem_shared>>)
      tpu.yield
    }) : () -> ()
    %mul3A_6 = arith.constant 632 : i32
    %mul3A_7 = arith.muli %arg1, %mul3A_6 : i32
    %add3A_8 = arith.constant 256 : i32
    %add3A_9 = arith.addi %mul3A_7, %add3A_8 : i32
    "tpu.region"() ({
      %run_scoped3A = tpu.sem_alloc : memref<!tpu.dma_semaphore, #tpu.memory_space<semaphore_mem>>
      %dma_start3A = arith.constant 0 : i32
      %dma_start3A_69 = arith.constant 0 : i32
      %dma_start3A_70 = tpu.memref_slice %arg8[%dma_start3A, %dma_start3A_69] : memref<128x128xf32, #tpu.memory_space<vmem>> -> memref<128x128xf32, #tpu.memory_space<vmem>>
      %dma_start3A_71 = arith.constant 0 : i32
      %dma_start3A_72 = tpu.memref_slice %arg9[%add3A_9, %dma_start3A_71] : memref<10112x128xf32, #tpu.memory_space<vmem_shared>> -> memref<128x128xf32, #tpu.memory_space<vmem_shared>>
      %dma_start3A_73 = arith.constant 0 : i32
      %dma_start3A_74 = tpu.memref_slice %arg9[%add3A_9, %dma_start3A_73] : memref<10112x128xf32, #tpu.memory_space<vmem_shared>> -> memref<128x128xf32, #tpu.memory_space<vmem_shared>>
      %dma_start3A_75 = arith.constant 0 : i32
      %dma_start3A_76 = arith.constant 0 : i32
      %dma_start3A_77 = tpu.memref_slice %arg8[%dma_start3A_75, %dma_start3A_76] : memref<128x128xf32, #tpu.memory_space<vmem>> -> memref<128x128xf32, #tpu.memory_space<vmem>>
      tpu.enqueue_dma source(%dma_start3A_77 : memref<128x128xf32, #tpu.memory_space<vmem>>) target(%dma_start3A_74 : memref<128x128xf32, #tpu.memory_space<vmem_shared>>) target_semaphore(%run_scoped3A : memref<!tpu.dma_semaphore, #tpu.memory_space<semaphore_mem>>)
      %dma_wait3A = arith.constant 0 : i32
      %dma_wait3A_78 = arith.constant 0 : i32
      %dma_wait3A_79 = tpu.memref_slice %arg8[%dma_wait3A, %dma_wait3A_78] : memref<128x128xf32, #tpu.memory_space<vmem>> -> memref<128x128xf32, #tpu.memory_space<vmem>>
      %dma_wait3A_80 = arith.constant 0 : i32
      %dma_wait3A_81 = tpu.memref_slice %arg9[%add3A_9, %dma_wait3A_80] : memref<10112x128xf32, #tpu.memory_space<vmem_shared>> -> memref<128x128xf32, #tpu.memory_space<vmem_shared>>
      %dma_wait3A_82 = arith.constant 0 : i32
      %dma_wait3A_83 = tpu.memref_slice %arg9[%add3A_9, %dma_wait3A_82] : memref<10112x128xf32, #tpu.memory_space<vmem_shared>> -> memref<128x128xf32, #tpu.memory_space<vmem_shared>>
      %dma_wait3A_84 = arith.constant 0 : i32
      %dma_wait3A_85 = arith.constant 0 : i32
      %dma_wait3A_86 = tpu.memref_slice %arg8[%dma_wait3A_84, %dma_wait3A_85] : memref<128x128xf32, #tpu.memory_space<vmem>> -> memref<128x128xf32, #tpu.memory_space<vmem>>
      tpu.wait_dma2 semaphore(%run_scoped3A : memref<!tpu.dma_semaphore, #tpu.memory_space<semaphore_mem>>) src(%dma_wait3A_86 : memref<128x128xf32, #tpu.memory_space<vmem>>) dst(%dma_wait3A_83 : memref<128x128xf32, #tpu.memory_space<vmem_shared>>)
      tpu.yield
    }) : () -> ()
    %mul3A_10 = arith.constant 632 : i32
    %mul3A_11 = arith.muli %arg1, %mul3A_10 : i32
    %add3A_12 = arith.constant 384 : i32
    %add3A_13 = arith.addi %mul3A_11, %add3A_12 : i32
    "tpu.region"() ({
      %run_scoped3A = tpu.sem_alloc : memref<!tpu.dma_semaphore, #tpu.memory_space<semaphore_mem>>
      %dma_start3A = arith.constant 0 : i32
      %dma_start3A_69 = arith.constant 0 : i32
      %dma_start3A_70 = tpu.memref_slice %arg8[%dma_start3A, %dma_start3A_69] : memref<128x128xf32, #tpu.memory_space<vmem>> -> memref<128x128xf32, #tpu.memory_space<vmem>>
      %dma_start3A_71 = arith.constant 0 : i32
      %dma_start3A_72 = tpu.memref_slice %arg9[%add3A_13, %dma_start3A_71] : memref<10112x128xf32, #tpu.memory_space<vmem_shared>> -> memref<128x128xf32, #tpu.memory_space<vmem_shared>>
      %dma_start3A_73 = arith.constant 0 : i32
      %dma_start3A_74 = tpu.memref_slice %arg9[%add3A_13, %dma_start3A_73] : memref<10112x128xf32, #tpu.memory_space<vmem_shared>> -> memref<128x128xf32, #tpu.memory_space<vmem_shared>>
      %dma_start3A_75 = arith.constant 0 : i32
      %dma_start3A_76 = arith.constant 0 : i32
      %dma_start3A_77 = tpu.memref_slice %arg8[%dma_start3A_75, %dma_start3A_76] : memref<128x128xf32, #tpu.memory_space<vmem>> -> memref<128x128xf32, #tpu.memory_space<vmem>>
      tpu.enqueue_dma source(%dma_start3A_77 : memref<128x128xf32, #tpu.memory_space<vmem>>) target(%dma_start3A_74 : memref<128x128xf32, #tpu.memory_space<vmem_shared>>) target_semaphore(%run_scoped3A : memref<!tpu.dma_semaphore, #tpu.memory_space<semaphore_mem>>)
      %dma_wait3A = arith.constant 0 : i32
      %dma_wait3A_78 = arith.constant 0 : i32
      %dma_wait3A_79 = tpu.memref_slice %arg8[%dma_wait3A, %dma_wait3A_78] : memref<128x128xf32, #tpu.memory_space<vmem>> -> memref<128x128xf32, #tpu.memory_space<vmem>>
      %dma_wait3A_80 = arith.constant 0 : i32
      %dma_wait3A_81 = tpu.memref_slice %arg9[%add3A_13, %dma_wait3A_80] : memref<10112x128xf32, #tpu.memory_space<vmem_shared>> -> memref<128x128xf32, #tpu.memory_space<vmem_shared>>
      %dma_wait3A_82 = arith.constant 0 : i32
      %dma_wait3A_83 = tpu.memref_slice %arg9[%add3A_13, %dma_wait3A_82] : memref<10112x128xf32, #tpu.memory_space<vmem_shared>> -> memref<128x128xf32, #tpu.memory_space<vmem_shared>>
      %dma_wait3A_84 = arith.constant 0 : i32
      %dma_wait3A_85 = arith.constant 0 : i32
      %dma_wait3A_86 = tpu.memref_slice %arg8[%dma_wait3A_84, %dma_wait3A_85] : memref<128x128xf32, #tpu.memory_space<vmem>> -> memref<128x128xf32, #tpu.memory_space<vmem>>
      tpu.wait_dma2 semaphore(%run_scoped3A : memref<!tpu.dma_semaphore, #tpu.memory_space<semaphore_mem>>) src(%dma_wait3A_86 : memref<128x128xf32, #tpu.memory_space<vmem>>) dst(%dma_wait3A_83 : memref<128x128xf32, #tpu.memory_space<vmem_shared>>)
      tpu.yield
    }) : () -> ()
    %mul3A_14 = arith.constant 632 : i32
    %mul3A_15 = arith.muli %arg1, %mul3A_14 : i32
    %add3A_16 = arith.constant 512 : i32
    %add3A_17 = arith.addi %mul3A_15, %add3A_16 : i32
    "tpu.region"() ({
      %run_scoped3A = tpu.sem_alloc : memref<!tpu.dma_semaphore, #tpu.memory_space<semaphore_mem>>
      %dma_start3A = arith.constant 0 : i32
      %dma_start3A_69 = arith.constant 0 : i32
      %dma_start3A_70 = tpu.memref_slice %arg8[%dma_start3A, %dma_start3A_69] : memref<128x128xf32, #tpu.memory_space<vmem>> -> memref<120x128xf32, #tpu.memory_space<vmem>>
      %dma_start3A_71 = arith.constant 0 : i32
      %dma_start3A_72 = tpu.memref_slice %arg9[%add3A_17, %dma_start3A_71] : memref<10112x128xf32, #tpu.memory_space<vmem_shared>> -> memref<120x128xf32, #tpu.memory_space<vmem_shared>>
      %dma_start3A_73 = arith.constant 0 : i32
      %dma_start3A_74 = tpu.memref_slice %arg9[%add3A_17, %dma_start3A_73] : memref<10112x128xf32, #tpu.memory_space<vmem_shared>> -> memref<120x128xf32, #tpu.memory_space<vmem_shared>>
      %dma_start3A_75 = arith.constant 0 : i32
      %dma_start3A_76 = arith.constant 0 : i32
      %dma_start3A_77 = tpu.memref_slice %arg8[%dma_start3A_75, %dma_start3A_76] : memref<128x128xf32, #tpu.memory_space<vmem>> -> memref<120x128xf32, #tpu.memory_space<vmem>>
      tpu.enqueue_dma source(%dma_start3A_77 : memref<120x128xf32, #tpu.memory_space<vmem>>) target(%dma_start3A_74 : memref<120x128xf32, #tpu.memory_space<vmem_shared>>) target_semaphore(%run_scoped3A : memref<!tpu.dma_semaphore, #tpu.memory_space<semaphore_mem>>)
      %dma_wait3A = arith.constant 0 : i32
      %dma_wait3A_78 = arith.constant 0 : i32
      %dma_wait3A_79 = tpu.memref_slice %arg8[%dma_wait3A, %dma_wait3A_78] : memref<128x128xf32, #tpu.memory_space<vmem>> -> memref<120x128xf32, #tpu.memory_space<vmem>>
      %dma_wait3A_80 = arith.constant 0 : i32
      %dma_wait3A_81 = tpu.memref_slice %arg9[%add3A_17, %dma_wait3A_80] : memref<10112x128xf32, #tpu.memory_space<vmem_shared>> -> memref<120x128xf32, #tpu.memory_space<vmem_shared>>
      %dma_wait3A_82 = arith.constant 0 : i32
      %dma_wait3A_83 = tpu.memref_slice %arg9[%add3A_17, %dma_wait3A_82] : memref<10112x128xf32, #tpu.memory_space<vmem_shared>> -> memref<120x128xf32, #tpu.memory_space<vmem_shared>>
      %dma_wait3A_84 = arith.constant 0 : i32
      %dma_wait3A_85 = arith.constant 0 : i32
      %dma_wait3A_86 = tpu.memref_slice %arg8[%dma_wait3A_84, %dma_wait3A_85] : memref<128x128xf32, #tpu.memory_space<vmem>> -> memref<120x128xf32, #tpu.memory_space<vmem>>
      tpu.wait_dma2 semaphore(%run_scoped3A : memref<!tpu.dma_semaphore, #tpu.memory_space<semaphore_mem>>) src(%dma_wait3A_86 : memref<120x128xf32, #tpu.memory_space<vmem>>) dst(%dma_wait3A_83 : memref<120x128xf32, #tpu.memory_space<vmem_shared>>)
      tpu.yield
    }) : () -> ()
    %barrier3A = arith.constant 0 : index
    tpu.barrier barrier_id(%barrier3A)
    "tpu.region"() ({
      %run_scoped3A = tpu.sem_alloc : memref<!tpu.dma_semaphore, #tpu.memory_space<semaphore_mem>>
      tpu.enqueue_dma source(%arg4 : memref<128x128xf32, #tpu.memory_space<hbm>>) target(%arg8 : memref<128x128xf32, #tpu.memory_space<vmem>>) target_semaphore(%run_scoped3A : memref<!tpu.dma_semaphore, #tpu.memory_space<semaphore_mem>>)
      tpu.wait_dma2 semaphore(%run_scoped3A : memref<!tpu.dma_semaphore, #tpu.memory_space<semaphore_mem>>) src(%arg4 : memref<128x128xf32, #tpu.memory_space<hbm>>) dst(%arg8 : memref<128x128xf32, #tpu.memory_space<vmem>>)
      tpu.yield
    }) : () -> ()
    %mul3A_18 = arith.constant 16 : i32
    %mul3A_19 = arith.muli %arg0, %mul3A_18 : i32
    %add3A_20 = arith.addi %mul3A_19, %arg1 : i32
    %mul3A_21 = arith.constant 10240 : i32
    %mul3A_22 = arith.muli %add3A_20, %mul3A_21 : i32
    "tpu.region"() ({
      %run_scoped3A = tpu.sem_alloc : memref<!tpu.dma_semaphore, #tpu.memory_space<semaphore_mem>>
      %dma_start3A = tpu.memref_slice %arg2[%mul3A_22] : memref<327680xi32, #tpu.memory_space<hbm>> -> memref<128xi32, #tpu.memory_space<hbm>>
      %dma_start3A_69 = tpu.memref_slice %arg2[%mul3A_22] : memref<327680xi32, #tpu.memory_space<hbm>> -> memref<128xi32, #tpu.memory_space<hbm>>
      tpu.enqueue_dma source(%dma_start3A_69 : memref<128xi32, #tpu.memory_space<hbm>>) target(%arg6 : memref<128xi32, #tpu.memory_space<vmem>>) target_semaphore(%run_scoped3A : memref<!tpu.dma_semaphore, #tpu.memory_space<semaphore_mem>>)
      %dma_wait3A = tpu.memref_slice %arg2[%mul3A_22] : memref<327680xi32, #tpu.memory_space<hbm>> -> memref<128xi32, #tpu.memory_space<hbm>>
      %dma_wait3A_70 = tpu.memref_slice %arg2[%mul3A_22] : memref<327680xi32, #tpu.memory_space<hbm>> -> memref<128xi32, #tpu.memory_space<hbm>>
      tpu.wait_dma2 semaphore(%run_scoped3A : memref<!tpu.dma_semaphore, #tpu.memory_space<semaphore_mem>>) src(%dma_wait3A_70 : memref<128xi32, #tpu.memory_space<hbm>>) dst(%arg6 : memref<128xi32, #tpu.memory_space<vmem>>)
      tpu.yield
    }) : () -> ()
    %scan3A = arith.constant 0 : i32
    %scan3A_23 = arith.constant 0 : i32
    %scan3A_24 = arith.constant 40 : i32
    %scan3A_25 = arith.addi %scan3A_23, %scan3A_24 : i32
    %scan3A_26 = arith.constant 1 : i32
    scf.for %scan3A_69 = %scan3A_23 to %scan3A_25 step %scan3A_26  : i32 {
      %mul3A_70 = arith.constant 2 : i32
      %mul3A_71 = arith.muli %mul3A_70, %scan3A_69 : i32
      %mul3A_72 = arith.constant 128 : i32
      %mul3A_73 = arith.muli %mul3A_71, %mul3A_72 : i32
      %add3A_74 = arith.addi %mul3A_22, %mul3A_73 : i32
      %add3A_75 = arith.constant 128 : i32
      %add3A_76 = arith.addi %add3A_74, %add3A_75 : i32
      %dma_start3A = tpu.memref_slice %arg2[%add3A_76] : memref<327680xi32, #tpu.memory_space<hbm>> -> memref<128xi32, #tpu.memory_space<hbm>>
      %dma_start3A_77 = tpu.memref_slice %arg2[%add3A_76] : memref<327680xi32, #tpu.memory_space<hbm>> -> memref<128xi32, #tpu.memory_space<hbm>>
      tpu.enqueue_dma source(%dma_start3A_77 : memref<128xi32, #tpu.memory_space<hbm>>) target(%arg7 : memref<128xi32, #tpu.memory_space<vmem>>) target_semaphore(%arg11 : memref<!tpu.dma_semaphore, #tpu.memory_space<semaphore_mem>>)
      "tpu.region"() ({
        %run_scoped3A = tpu.sem_alloc : memref<!tpu.dma_semaphore, #tpu.memory_space<semaphore_mem>>
        %dma_start3A_87 = arith.constant 0 : i32
        %dma_start3A_88 = arith.constant 0 : i32
        %dma_start3A_89 = tpu.memref_slice %arg9[%dma_start3A_87, %dma_start3A_88] : memref<10112x128xf32, #tpu.memory_space<vmem_shared>> -> memref<10112x128xf32, #tpu.memory_space<vmem_shared>>
        tpu.enqueue_indirect_dma source(%arg8 : memref<128x128xf32, #tpu.memory_space<vmem>>) target(%dma_start3A_89 : memref<10112x128xf32, #tpu.memory_space<vmem_shared>>) offsets(%arg6 : memref<128xi32, #tpu.memory_space<vmem>>) semaphore(%run_scoped3A : memref<!tpu.dma_semaphore, #tpu.memory_space<semaphore_mem>>) {add = true}
        %dma_wait3A_90 = arith.constant 0 : i32
        %dma_wait3A_91 = arith.constant 0 : i32
        %dma_wait3A_92 = tpu.memref_slice %arg9[%dma_wait3A_90, %dma_wait3A_91] : memref<10112x128xf32, #tpu.memory_space<vmem_shared>> -> memref<10112x128xf32, #tpu.memory_space<vmem_shared>>
        tpu.wait_indirect_dma semaphore(%run_scoped3A : memref<!tpu.dma_semaphore, #tpu.memory_space<semaphore_mem>>) src(%arg8 : memref<128x128xf32, #tpu.memory_space<vmem>>) dst(%dma_wait3A_92 : memref<10112x128xf32, #tpu.memory_space<vmem_shared>>)
        tpu.yield
      }) : () -> ()
      %dma_wait3A = tpu.memref_slice %arg2[%add3A_76] : memref<327680xi32, #tpu.memory_space<hbm>> -> memref<128xi32, #tpu.memory_space<hbm>>
      %dma_wait3A_78 = tpu.memref_slice %arg2[%add3A_76] : memref<327680xi32, #tpu.memory_space<hbm>> -> memref<128xi32, #tpu.memory_space<hbm>>
      tpu.wait_dma2 semaphore(%arg11 : memref<!tpu.dma_semaphore, #tpu.memory_space<semaphore_mem>>) src(%dma_wait3A_78 : memref<128xi32, #tpu.memory_space<hbm>>) dst(%arg7 : memref<128xi32, #tpu.memory_space<vmem>>)
      %add3A_79 = arith.constant 256 : i32
      %add3A_80 = arith.addi %add3A_74, %add3A_79 : i32
      %add3A_81 = arith.constant 10112 : i32
      %add3A_82 = arith.addi %mul3A_22, %add3A_81 : i32
      %min3A = arith.minsi %add3A_80, %add3A_82 : i32
      %dma_start3A_83 = tpu.memref_slice %arg2[%min3A] : memref<327680xi32, #tpu.memory_space<hbm>> -> memref<128xi32, #tpu.memory_space<hbm>>
      %dma_start3A_84 = tpu.memref_slice %arg2[%min3A] : memref<327680xi32, #tpu.memory_space<hbm>> -> memref<128xi32, #tpu.memory_space<hbm>>
      tpu.enqueue_dma source(%dma_start3A_84 : memref<128xi32, #tpu.memory_space<hbm>>) target(%arg6 : memref<128xi32, #tpu.memory_space<vmem>>) target_semaphore(%arg10 : memref<!tpu.dma_semaphore, #tpu.memory_space<semaphore_mem>>)
      "tpu.region"() ({
        %run_scoped3A = tpu.sem_alloc : memref<!tpu.dma_semaphore, #tpu.memory_space<semaphore_mem>>
        %dma_start3A_87 = arith.constant 0 : i32
        %dma_start3A_88 = arith.constant 0 : i32
        %dma_start3A_89 = tpu.memref_slice %arg9[%dma_start3A_87, %dma_start3A_88] : memref<10112x128xf32, #tpu.memory_space<vmem_shared>> -> memref<10112x128xf32, #tpu.memory_space<vmem_shared>>
        tpu.enqueue_indirect_dma source(%arg8 : memref<128x128xf32, #tpu.memory_space<vmem>>) target(%dma_start3A_89 : memref<10112x128xf32, #tpu.memory_space<vmem_shared>>) offsets(%arg7 : memref<128xi32, #tpu.memory_space<vmem>>) semaphore(%run_scoped3A : memref<!tpu.dma_semaphore, #tpu.memory_space<semaphore_mem>>) {add = true}
        %dma_wait3A_90 = arith.constant 0 : i32
        %dma_wait3A_91 = arith.constant 0 : i32
        %dma_wait3A_92 = tpu.memref_slice %arg9[%dma_wait3A_90, %dma_wait3A_91] : memref<10112x128xf32, #tpu.memory_space<vmem_shared>> -> memref<10112x128xf32, #tpu.memory_space<vmem_shared>>
        tpu.wait_indirect_dma semaphore(%run_scoped3A : memref<!tpu.dma_semaphore, #tpu.memory_space<semaphore_mem>>) src(%arg8 : memref<128x128xf32, #tpu.memory_space<vmem>>) dst(%dma_wait3A_92 : memref<10112x128xf32, #tpu.memory_space<vmem_shared>>)
        tpu.yield
      }) : () -> ()
      %dma_wait3A_85 = tpu.memref_slice %arg2[%min3A] : memref<327680xi32, #tpu.memory_space<hbm>> -> memref<128xi32, #tpu.memory_space<hbm>>
      %dma_wait3A_86 = tpu.memref_slice %arg2[%min3A] : memref<327680xi32, #tpu.memory_space<hbm>> -> memref<128xi32, #tpu.memory_space<hbm>>
      tpu.wait_dma2 semaphore(%arg10 : memref<!tpu.dma_semaphore, #tpu.memory_space<semaphore_mem>>) src(%dma_wait3A_86 : memref<128xi32, #tpu.memory_space<hbm>>) dst(%arg6 : memref<128xi32, #tpu.memory_space<vmem>>)
    }
    %scan3A_27 = arith.constant 40 : i32
    %barrier3A_28 = arith.constant 0 : index
    tpu.barrier barrier_id(%barrier3A_28)
    %mul3A_29 = arith.constant 632 : i32
    %mul3A_30 = arith.muli %arg1, %mul3A_29 : i32
    %add3A_31 = arith.constant 0 : i32
    %add3A_32 = arith.addi %mul3A_30, %add3A_31 : i32
    "tpu.region"() ({
      %run_scoped3A = tpu.sem_alloc : memref<!tpu.dma_semaphore, #tpu.memory_space<semaphore_mem>>
      %dma_start3A = arith.constant 0 : i32
      %dma_start3A_69 = arith.constant 0 : i32
      %dma_start3A_70 = tpu.memref_slice %arg8[%dma_start3A, %dma_start3A_69] : memref<128x128xf32, #tpu.memory_space<vmem>> -> memref<128x128xf32, #tpu.memory_space<vmem>>
      %dma_start3A_71 = arith.constant 0 : i32
      %dma_start3A_72 = tpu.memref_slice %arg9[%add3A_32, %dma_start3A_71] : memref<10112x128xf32, #tpu.memory_space<vmem_shared>> -> memref<128x128xf32, #tpu.memory_space<vmem_shared>>
      %dma_start3A_73 = arith.constant 0 : i32
      %dma_start3A_74 = arith.constant 0 : i32
      %dma_start3A_75 = tpu.memref_slice %arg8[%dma_start3A_73, %dma_start3A_74] : memref<128x128xf32, #tpu.memory_space<vmem>> -> memref<128x128xf32, #tpu.memory_space<vmem>>
      %dma_start3A_76 = arith.constant 0 : i32
      %dma_start3A_77 = tpu.memref_slice %arg9[%add3A_32, %dma_start3A_76] : memref<10112x128xf32, #tpu.memory_space<vmem_shared>> -> memref<128x128xf32, #tpu.memory_space<vmem_shared>>
      tpu.enqueue_dma source(%dma_start3A_77 : memref<128x128xf32, #tpu.memory_space<vmem_shared>>) target(%dma_start3A_75 : memref<128x128xf32, #tpu.memory_space<vmem>>) target_semaphore(%run_scoped3A : memref<!tpu.dma_semaphore, #tpu.memory_space<semaphore_mem>>)
      %dma_wait3A = arith.constant 0 : i32
      %dma_wait3A_78 = arith.constant 0 : i32
      %dma_wait3A_79 = tpu.memref_slice %arg8[%dma_wait3A, %dma_wait3A_78] : memref<128x128xf32, #tpu.memory_space<vmem>> -> memref<128x128xf32, #tpu.memory_space<vmem>>
      %dma_wait3A_80 = arith.constant 0 : i32
      %dma_wait3A_81 = tpu.memref_slice %arg9[%add3A_32, %dma_wait3A_80] : memref<10112x128xf32, #tpu.memory_space<vmem_shared>> -> memref<128x128xf32, #tpu.memory_space<vmem_shared>>
      %dma_wait3A_82 = arith.constant 0 : i32
      %dma_wait3A_83 = arith.constant 0 : i32
      %dma_wait3A_84 = tpu.memref_slice %arg8[%dma_wait3A_82, %dma_wait3A_83] : memref<128x128xf32, #tpu.memory_space<vmem>> -> memref<128x128xf32, #tpu.memory_space<vmem>>
      %dma_wait3A_85 = arith.constant 0 : i32
      %dma_wait3A_86 = tpu.memref_slice %arg9[%add3A_32, %dma_wait3A_85] : memref<10112x128xf32, #tpu.memory_space<vmem_shared>> -> memref<128x128xf32, #tpu.memory_space<vmem_shared>>
      tpu.wait_dma2 semaphore(%run_scoped3A : memref<!tpu.dma_semaphore, #tpu.memory_space<semaphore_mem>>) src(%dma_wait3A_86 : memref<128x128xf32, #tpu.memory_space<vmem_shared>>) dst(%dma_wait3A_84 : memref<128x128xf32, #tpu.memory_space<vmem>>)
      tpu.yield
    }) : () -> ()
    %mul3A_33 = arith.constant 632 : i32
    %mul3A_34 = arith.muli %arg1, %mul3A_33 : i32
    %add3A_35 = arith.constant 0 : i32
    %add3A_36 = arith.addi %mul3A_34, %add3A_35 : i32
    "tpu.region"() ({
      %run_scoped3A = tpu.sem_alloc : memref<!tpu.dma_semaphore, #tpu.memory_space<semaphore_mem>>
      %dma_start3A = arith.constant 0 : i32
      %dma_start3A_69 = arith.constant 0 : i32
      %dma_start3A_70 = tpu.memref_slice %arg8[%dma_start3A, %dma_start3A_69] : memref<128x128xf32, #tpu.memory_space<vmem>> -> memref<128x128xf32, #tpu.memory_space<vmem>>
      %dma_start3A_71 = arith.constant 0 : i32
      %dma_start3A_72 = tpu.memref_slice %arg5[%arg0, %add3A_36, %dma_start3A_71] : memref<2x10112x128xf32, #tpu.memory_space<hbm>> -> memref<1x128x128xf32, #tpu.memory_space<hbm>>
      %dma_start3A_73 = tpu.memref_squeeze %dma_start3A_72 : memref<1x128x128xf32, #tpu.memory_space<hbm>> -> memref<128x128xf32, #tpu.memory_space<hbm>>
      %dma_start3A_74 = arith.constant 0 : i32
      %dma_start3A_75 = tpu.memref_slice %arg5[%arg0, %add3A_36, %dma_start3A_74] : memref<2x10112x128xf32, #tpu.memory_space<hbm>> -> memref<1x128x128xf32, #tpu.memory_space<hbm>>
      %dma_start3A_76 = tpu.memref_squeeze %dma_start3A_75 : memref<1x128x128xf32, #tpu.memory_space<hbm>> -> memref<128x128xf32, #tpu.memory_space<hbm>>
      %dma_start3A_77 = arith.constant 0 : i32
      %dma_start3A_78 = arith.constant 0 : i32
      %dma_start3A_79 = tpu.memref_slice %arg8[%dma_start3A_77, %dma_start3A_78] : memref<128x128xf32, #tpu.memory_space<vmem>> -> memref<128x128xf32, #tpu.memory_space<vmem>>
      tpu.enqueue_dma source(%dma_start3A_79 : memref<128x128xf32, #tpu.memory_space<vmem>>) target(%dma_start3A_76 : memref<128x128xf32, #tpu.memory_space<hbm>>) target_semaphore(%run_scoped3A : memref<!tpu.dma_semaphore, #tpu.memory_space<semaphore_mem>>)
      %dma_wait3A = arith.constant 0 : i32
      %dma_wait3A_80 = arith.constant 0 : i32
      %dma_wait3A_81 = tpu.memref_slice %arg8[%dma_wait3A, %dma_wait3A_80] : memref<128x128xf32, #tpu.memory_space<vmem>> -> memref<128x128xf32, #tpu.memory_space<vmem>>
      %dma_wait3A_82 = arith.constant 0 : i32
      %dma_wait3A_83 = tpu.memref_slice %arg5[%arg0, %add3A_36, %dma_wait3A_82] : memref<2x10112x128xf32, #tpu.memory_space<hbm>> -> memref<1x128x128xf32, #tpu.memory_space<hbm>>
      %dma_wait3A_84 = tpu.memref_squeeze %dma_wait3A_83 : memref<1x128x128xf32, #tpu.memory_space<hbm>> -> memref<128x128xf32, #tpu.memory_space<hbm>>
      %dma_wait3A_85 = arith.constant 0 : i32
      %dma_wait3A_86 = tpu.memref_slice %arg5[%arg0, %add3A_36, %dma_wait3A_85] : memref<2x10112x128xf32, #tpu.memory_space<hbm>> -> memref<1x128x128xf32, #tpu.memory_space<hbm>>
      %dma_wait3A_87 = tpu.memref_squeeze %dma_wait3A_86 : memref<1x128x128xf32, #tpu.memory_space<hbm>> -> memref<128x128xf32, #tpu.memory_space<hbm>>
      %dma_wait3A_88 = arith.constant 0 : i32
      %dma_wait3A_89 = arith.constant 0 : i32
      %dma_wait3A_90 = tpu.memref_slice %arg8[%dma_wait3A_88, %dma_wait3A_89] : memref<128x128xf32, #tpu.memory_space<vmem>> -> memref<128x128xf32, #tpu.memory_space<vmem>>
      tpu.wait_dma2 semaphore(%run_scoped3A : memref<!tpu.dma_semaphore, #tpu.memory_space<semaphore_mem>>) src(%dma_wait3A_90 : memref<128x128xf32, #tpu.memory_space<vmem>>) dst(%dma_wait3A_87 : memref<128x128xf32, #tpu.memory_space<hbm>>)
      tpu.yield
    }) : () -> ()
    %mul3A_37 = arith.constant 632 : i32
    %mul3A_38 = arith.muli %arg1, %mul3A_37 : i32
    %add3A_39 = arith.constant 128 : i32
    %add3A_40 = arith.addi %mul3A_38, %add3A_39 : i32
    "tpu.region"() ({
      %run_scoped3A = tpu.sem_alloc : memref<!tpu.dma_semaphore, #tpu.memory_space<semaphore_mem>>
      %dma_start3A = arith.constant 0 : i32
      %dma_start3A_69 = arith.constant 0 : i32
      %dma_start3A_70 = tpu.memref_slice %arg8[%dma_start3A, %dma_start3A_69] : memref<128x128xf32, #tpu.memory_space<vmem>> -> memref<128x128xf32, #tpu.memory_space<vmem>>
      %dma_start3A_71 = arith.constant 0 : i32
      %dma_start3A_72 = tpu.memref_slice %arg9[%add3A_40, %dma_start3A_71] : memref<10112x128xf32, #tpu.memory_space<vmem_shared>> -> memref<128x128xf32, #tpu.memory_space<vmem_shared>>
      %dma_start3A_73 = arith.constant 0 : i32
      %dma_start3A_74 = arith.constant 0 : i32
      %dma_start3A_75 = tpu.memref_slice %arg8[%dma_start3A_73, %dma_start3A_74] : memref<128x128xf32, #tpu.memory_space<vmem>> -> memref<128x128xf32, #tpu.memory_space<vmem>>
      %dma_start3A_76 = arith.constant 0 : i32
      %dma_start3A_77 = tpu.memref_slice %arg9[%add3A_40, %dma_start3A_76] : memref<10112x128xf32, #tpu.memory_space<vmem_shared>> -> memref<128x128xf32, #tpu.memory_space<vmem_shared>>
      tpu.enqueue_dma source(%dma_start3A_77 : memref<128x128xf32, #tpu.memory_space<vmem_shared>>) target(%dma_start3A_75 : memref<128x128xf32, #tpu.memory_space<vmem>>) target_semaphore(%run_scoped3A : memref<!tpu.dma_semaphore, #tpu.memory_space<semaphore_mem>>)
      %dma_wait3A = arith.constant 0 : i32
      %dma_wait3A_78 = arith.constant 0 : i32
      %dma_wait3A_79 = tpu.memref_slice %arg8[%dma_wait3A, %dma_wait3A_78] : memref<128x128xf32, #tpu.memory_space<vmem>> -> memref<128x128xf32, #tpu.memory_space<vmem>>
      %dma_wait3A_80 = arith.constant 0 : i32
      %dma_wait3A_81 = tpu.memref_slice %arg9[%add3A_40, %dma_wait3A_80] : memref<10112x128xf32, #tpu.memory_space<vmem_shared>> -> memref<128x128xf32, #tpu.memory_space<vmem_shared>>
      %dma_wait3A_82 = arith.constant 0 : i32
      %dma_wait3A_83 = arith.constant 0 : i32
      %dma_wait3A_84 = tpu.memref_slice %arg8[%dma_wait3A_82, %dma_wait3A_83] : memref<128x128xf32, #tpu.memory_space<vmem>> -> memref<128x128xf32, #tpu.memory_space<vmem>>
      %dma_wait3A_85 = arith.constant 0 : i32
      %dma_wait3A_86 = tpu.memref_slice %arg9[%add3A_40, %dma_wait3A_85] : memref<10112x128xf32, #tpu.memory_space<vmem_shared>> -> memref<128x128xf32, #tpu.memory_space<vmem_shared>>
      tpu.wait_dma2 semaphore(%run_scoped3A : memref<!tpu.dma_semaphore, #tpu.memory_space<semaphore_mem>>) src(%dma_wait3A_86 : memref<128x128xf32, #tpu.memory_space<vmem_shared>>) dst(%dma_wait3A_84 : memref<128x128xf32, #tpu.memory_space<vmem>>)
      tpu.yield
    }) : () -> ()
    %mul3A_41 = arith.constant 632 : i32
    %mul3A_42 = arith.muli %arg1, %mul3A_41 : i32
    %add3A_43 = arith.constant 128 : i32
    %add3A_44 = arith.addi %mul3A_42, %add3A_43 : i32
    "tpu.region"() ({
      %run_scoped3A = tpu.sem_alloc : memref<!tpu.dma_semaphore, #tpu.memory_space<semaphore_mem>>
      %dma_start3A = arith.constant 0 : i32
      %dma_start3A_69 = arith.constant 0 : i32
      %dma_start3A_70 = tpu.memref_slice %arg8[%dma_start3A, %dma_start3A_69] : memref<128x128xf32, #tpu.memory_space<vmem>> -> memref<128x128xf32, #tpu.memory_space<vmem>>
      %dma_start3A_71 = arith.constant 0 : i32
      %dma_start3A_72 = tpu.memref_slice %arg5[%arg0, %add3A_44, %dma_start3A_71] : memref<2x10112x128xf32, #tpu.memory_space<hbm>> -> memref<1x128x128xf32, #tpu.memory_space<hbm>>
      %dma_start3A_73 = tpu.memref_squeeze %dma_start3A_72 : memref<1x128x128xf32, #tpu.memory_space<hbm>> -> memref<128x128xf32, #tpu.memory_space<hbm>>
      %dma_start3A_74 = arith.constant 0 : i32
      %dma_start3A_75 = tpu.memref_slice %arg5[%arg0, %add3A_44, %dma_start3A_74] : memref<2x10112x128xf32, #tpu.memory_space<hbm>> -> memref<1x128x128xf32, #tpu.memory_space<hbm>>
      %dma_start3A_76 = tpu.memref_squeeze %dma_start3A_75 : memref<1x128x128xf32, #tpu.memory_space<hbm>> -> memref<128x128xf32, #tpu.memory_space<hbm>>
      %dma_start3A_77 = arith.constant 0 : i32
      %dma_start3A_78 = arith.constant 0 : i32
      %dma_start3A_79 = tpu.memref_slice %arg8[%dma_start3A_77, %dma_start3A_78] : memref<128x128xf32, #tpu.memory_space<vmem>> -> memref<128x128xf32, #tpu.memory_space<vmem>>
      tpu.enqueue_dma source(%dma_start3A_79 : memref<128x128xf32, #tpu.memory_space<vmem>>) target(%dma_start3A_76 : memref<128x128xf32, #tpu.memory_space<hbm>>) target_semaphore(%run_scoped3A : memref<!tpu.dma_semaphore, #tpu.memory_space<semaphore_mem>>)
      %dma_wait3A = arith.constant 0 : i32
      %dma_wait3A_80 = arith.constant 0 : i32
      %dma_wait3A_81 = tpu.memref_slice %arg8[%dma_wait3A, %dma_wait3A_80] : memref<128x128xf32, #tpu.memory_space<vmem>> -> memref<128x128xf32, #tpu.memory_space<vmem>>
      %dma_wait3A_82 = arith.constant 0 : i32
      %dma_wait3A_83 = tpu.memref_slice %arg5[%arg0, %add3A_44, %dma_wait3A_82] : memref<2x10112x128xf32, #tpu.memory_space<hbm>> -> memref<1x128x128xf32, #tpu.memory_space<hbm>>
      %dma_wait3A_84 = tpu.memref_squeeze %dma_wait3A_83 : memref<1x128x128xf32, #tpu.memory_space<hbm>> -> memref<128x128xf32, #tpu.memory_space<hbm>>
      %dma_wait3A_85 = arith.constant 0 : i32
      %dma_wait3A_86 = tpu.memref_slice %arg5[%arg0, %add3A_44, %dma_wait3A_85] : memref<2x10112x128xf32, #tpu.memory_space<hbm>> -> memref<1x128x128xf32, #tpu.memory_space<hbm>>
      %dma_wait3A_87 = tpu.memref_squeeze %dma_wait3A_86 : memref<1x128x128xf32, #tpu.memory_space<hbm>> -> memref<128x128xf32, #tpu.memory_space<hbm>>
      %dma_wait3A_88 = arith.constant 0 : i32
      %dma_wait3A_89 = arith.constant 0 : i32
      %dma_wait3A_90 = tpu.memref_slice %arg8[%dma_wait3A_88, %dma_wait3A_89] : memref<128x128xf32, #tpu.memory_space<vmem>> -> memref<128x128xf32, #tpu.memory_space<vmem>>
      tpu.wait_dma2 semaphore(%run_scoped3A : memref<!tpu.dma_semaphore, #tpu.memory_space<semaphore_mem>>) src(%dma_wait3A_90 : memref<128x128xf32, #tpu.memory_space<vmem>>) dst(%dma_wait3A_87 : memref<128x128xf32, #tpu.memory_space<hbm>>)
      tpu.yield
    }) : () -> ()
    %mul3A_45 = arith.constant 632 : i32
    %mul3A_46 = arith.muli %arg1, %mul3A_45 : i32
    %add3A_47 = arith.constant 256 : i32
    %add3A_48 = arith.addi %mul3A_46, %add3A_47 : i32
    "tpu.region"() ({
      %run_scoped3A = tpu.sem_alloc : memref<!tpu.dma_semaphore, #tpu.memory_space<semaphore_mem>>
      %dma_start3A = arith.constant 0 : i32
      %dma_start3A_69 = arith.constant 0 : i32
      %dma_start3A_70 = tpu.memref_slice %arg8[%dma_start3A, %dma_start3A_69] : memref<128x128xf32, #tpu.memory_space<vmem>> -> memref<128x128xf32, #tpu.memory_space<vmem>>
      %dma_start3A_71 = arith.constant 0 : i32
      %dma_start3A_72 = tpu.memref_slice %arg9[%add3A_48, %dma_start3A_71] : memref<10112x128xf32, #tpu.memory_space<vmem_shared>> -> memref<128x128xf32, #tpu.memory_space<vmem_shared>>
      %dma_start3A_73 = arith.constant 0 : i32
      %dma_start3A_74 = arith.constant 0 : i32
      %dma_start3A_75 = tpu.memref_slice %arg8[%dma_start3A_73, %dma_start3A_74] : memref<128x128xf32, #tpu.memory_space<vmem>> -> memref<128x128xf32, #tpu.memory_space<vmem>>
      %dma_start3A_76 = arith.constant 0 : i32
      %dma_start3A_77 = tpu.memref_slice %arg9[%add3A_48, %dma_start3A_76] : memref<10112x128xf32, #tpu.memory_space<vmem_shared>> -> memref<128x128xf32, #tpu.memory_space<vmem_shared>>
      tpu.enqueue_dma source(%dma_start3A_77 : memref<128x128xf32, #tpu.memory_space<vmem_shared>>) target(%dma_start3A_75 : memref<128x128xf32, #tpu.memory_space<vmem>>) target_semaphore(%run_scoped3A : memref<!tpu.dma_semaphore, #tpu.memory_space<semaphore_mem>>)
      %dma_wait3A = arith.constant 0 : i32
      %dma_wait3A_78 = arith.constant 0 : i32
      %dma_wait3A_79 = tpu.memref_slice %arg8[%dma_wait3A, %dma_wait3A_78] : memref<128x128xf32, #tpu.memory_space<vmem>> -> memref<128x128xf32, #tpu.memory_space<vmem>>
      %dma_wait3A_80 = arith.constant 0 : i32
      %dma_wait3A_81 = tpu.memref_slice %arg9[%add3A_48, %dma_wait3A_80] : memref<10112x128xf32, #tpu.memory_space<vmem_shared>> -> memref<128x128xf32, #tpu.memory_space<vmem_shared>>
      %dma_wait3A_82 = arith.constant 0 : i32
      %dma_wait3A_83 = arith.constant 0 : i32
      %dma_wait3A_84 = tpu.memref_slice %arg8[%dma_wait3A_82, %dma_wait3A_83] : memref<128x128xf32, #tpu.memory_space<vmem>> -> memref<128x128xf32, #tpu.memory_space<vmem>>
      %dma_wait3A_85 = arith.constant 0 : i32
      %dma_wait3A_86 = tpu.memref_slice %arg9[%add3A_48, %dma_wait3A_85] : memref<10112x128xf32, #tpu.memory_space<vmem_shared>> -> memref<128x128xf32, #tpu.memory_space<vmem_shared>>
      tpu.wait_dma2 semaphore(%run_scoped3A : memref<!tpu.dma_semaphore, #tpu.memory_space<semaphore_mem>>) src(%dma_wait3A_86 : memref<128x128xf32, #tpu.memory_space<vmem_shared>>) dst(%dma_wait3A_84 : memref<128x128xf32, #tpu.memory_space<vmem>>)
      tpu.yield
    }) : () -> ()
    %mul3A_49 = arith.constant 632 : i32
    %mul3A_50 = arith.muli %arg1, %mul3A_49 : i32
    %add3A_51 = arith.constant 256 : i32
    %add3A_52 = arith.addi %mul3A_50, %add3A_51 : i32
    "tpu.region"() ({
      %run_scoped3A = tpu.sem_alloc : memref<!tpu.dma_semaphore, #tpu.memory_space<semaphore_mem>>
      %dma_start3A = arith.constant 0 : i32
      %dma_start3A_69 = arith.constant 0 : i32
      %dma_start3A_70 = tpu.memref_slice %arg8[%dma_start3A, %dma_start3A_69] : memref<128x128xf32, #tpu.memory_space<vmem>> -> memref<128x128xf32, #tpu.memory_space<vmem>>
      %dma_start3A_71 = arith.constant 0 : i32
      %dma_start3A_72 = tpu.memref_slice %arg5[%arg0, %add3A_52, %dma_start3A_71] : memref<2x10112x128xf32, #tpu.memory_space<hbm>> -> memref<1x128x128xf32, #tpu.memory_space<hbm>>
      %dma_start3A_73 = tpu.memref_squeeze %dma_start3A_72 : memref<1x128x128xf32, #tpu.memory_space<hbm>> -> memref<128x128xf32, #tpu.memory_space<hbm>>
      %dma_start3A_74 = arith.constant 0 : i32
      %dma_start3A_75 = tpu.memref_slice %arg5[%arg0, %add3A_52, %dma_start3A_74] : memref<2x10112x128xf32, #tpu.memory_space<hbm>> -> memref<1x128x128xf32, #tpu.memory_space<hbm>>
      %dma_start3A_76 = tpu.memref_squeeze %dma_start3A_75 : memref<1x128x128xf32, #tpu.memory_space<hbm>> -> memref<128x128xf32, #tpu.memory_space<hbm>>
      %dma_start3A_77 = arith.constant 0 : i32
      %dma_start3A_78 = arith.constant 0 : i32
      %dma_start3A_79 = tpu.memref_slice %arg8[%dma_start3A_77, %dma_start3A_78] : memref<128x128xf32, #tpu.memory_space<vmem>> -> memref<128x128xf32, #tpu.memory_space<vmem>>
      tpu.enqueue_dma source(%dma_start3A_79 : memref<128x128xf32, #tpu.memory_space<vmem>>) target(%dma_start3A_76 : memref<128x128xf32, #tpu.memory_space<hbm>>) target_semaphore(%run_scoped3A : memref<!tpu.dma_semaphore, #tpu.memory_space<semaphore_mem>>)
      %dma_wait3A = arith.constant 0 : i32
      %dma_wait3A_80 = arith.constant 0 : i32
      %dma_wait3A_81 = tpu.memref_slice %arg8[%dma_wait3A, %dma_wait3A_80] : memref<128x128xf32, #tpu.memory_space<vmem>> -> memref<128x128xf32, #tpu.memory_space<vmem>>
      %dma_wait3A_82 = arith.constant 0 : i32
      %dma_wait3A_83 = tpu.memref_slice %arg5[%arg0, %add3A_52, %dma_wait3A_82] : memref<2x10112x128xf32, #tpu.memory_space<hbm>> -> memref<1x128x128xf32, #tpu.memory_space<hbm>>
      %dma_wait3A_84 = tpu.memref_squeeze %dma_wait3A_83 : memref<1x128x128xf32, #tpu.memory_space<hbm>> -> memref<128x128xf32, #tpu.memory_space<hbm>>
      %dma_wait3A_85 = arith.constant 0 : i32
      %dma_wait3A_86 = tpu.memref_slice %arg5[%arg0, %add3A_52, %dma_wait3A_85] : memref<2x10112x128xf32, #tpu.memory_space<hbm>> -> memref<1x128x128xf32, #tpu.memory_space<hbm>>
      %dma_wait3A_87 = tpu.memref_squeeze %dma_wait3A_86 : memref<1x128x128xf32, #tpu.memory_space<hbm>> -> memref<128x128xf32, #tpu.memory_space<hbm>>
      %dma_wait3A_88 = arith.constant 0 : i32
      %dma_wait3A_89 = arith.constant 0 : i32
      %dma_wait3A_90 = tpu.memref_slice %arg8[%dma_wait3A_88, %dma_wait3A_89] : memref<128x128xf32, #tpu.memory_space<vmem>> -> memref<128x128xf32, #tpu.memory_space<vmem>>
      tpu.wait_dma2 semaphore(%run_scoped3A : memref<!tpu.dma_semaphore, #tpu.memory_space<semaphore_mem>>) src(%dma_wait3A_90 : memref<128x128xf32, #tpu.memory_space<vmem>>) dst(%dma_wait3A_87 : memref<128x128xf32, #tpu.memory_space<hbm>>)
      tpu.yield
    }) : () -> ()
    %mul3A_53 = arith.constant 632 : i32
    %mul3A_54 = arith.muli %arg1, %mul3A_53 : i32
    %add3A_55 = arith.constant 384 : i32
    %add3A_56 = arith.addi %mul3A_54, %add3A_55 : i32
    "tpu.region"() ({
      %run_scoped3A = tpu.sem_alloc : memref<!tpu.dma_semaphore, #tpu.memory_space<semaphore_mem>>
      %dma_start3A = arith.constant 0 : i32
      %dma_start3A_69 = arith.constant 0 : i32
      %dma_start3A_70 = tpu.memref_slice %arg8[%dma_start3A, %dma_start3A_69] : memref<128x128xf32, #tpu.memory_space<vmem>> -> memref<128x128xf32, #tpu.memory_space<vmem>>
      %dma_start3A_71 = arith.constant 0 : i32
      %dma_start3A_72 = tpu.memref_slice %arg9[%add3A_56, %dma_start3A_71] : memref<10112x128xf32, #tpu.memory_space<vmem_shared>> -> memref<128x128xf32, #tpu.memory_space<vmem_shared>>
      %dma_start3A_73 = arith.constant 0 : i32
      %dma_start3A_74 = arith.constant 0 : i32
      %dma_start3A_75 = tpu.memref_slice %arg8[%dma_start3A_73, %dma_start3A_74] : memref<128x128xf32, #tpu.memory_space<vmem>> -> memref<128x128xf32, #tpu.memory_space<vmem>>
      %dma_start3A_76 = arith.constant 0 : i32
      %dma_start3A_77 = tpu.memref_slice %arg9[%add3A_56, %dma_start3A_76] : memref<10112x128xf32, #tpu.memory_space<vmem_shared>> -> memref<128x128xf32, #tpu.memory_space<vmem_shared>>
      tpu.enqueue_dma source(%dma_start3A_77 : memref<128x128xf32, #tpu.memory_space<vmem_shared>>) target(%dma_start3A_75 : memref<128x128xf32, #tpu.memory_space<vmem>>) target_semaphore(%run_scoped3A : memref<!tpu.dma_semaphore, #tpu.memory_space<semaphore_mem>>)
      %dma_wait3A = arith.constant 0 : i32
      %dma_wait3A_78 = arith.constant 0 : i32
      %dma_wait3A_79 = tpu.memref_slice %arg8[%dma_wait3A, %dma_wait3A_78] : memref<128x128xf32, #tpu.memory_space<vmem>> -> memref<128x128xf32, #tpu.memory_space<vmem>>
      %dma_wait3A_80 = arith.constant 0 : i32
      %dma_wait3A_81 = tpu.memref_slice %arg9[%add3A_56, %dma_wait3A_80] : memref<10112x128xf32, #tpu.memory_space<vmem_shared>> -> memref<128x128xf32, #tpu.memory_space<vmem_shared>>
      %dma_wait3A_82 = arith.constant 0 : i32
      %dma_wait3A_83 = arith.constant 0 : i32
      %dma_wait3A_84 = tpu.memref_slice %arg8[%dma_wait3A_82, %dma_wait3A_83] : memref<128x128xf32, #tpu.memory_space<vmem>> -> memref<128x128xf32, #tpu.memory_space<vmem>>
      %dma_wait3A_85 = arith.constant 0 : i32
      %dma_wait3A_86 = tpu.memref_slice %arg9[%add3A_56, %dma_wait3A_85] : memref<10112x128xf32, #tpu.memory_space<vmem_shared>> -> memref<128x128xf32, #tpu.memory_space<vmem_shared>>
      tpu.wait_dma2 semaphore(%run_scoped3A : memref<!tpu.dma_semaphore, #tpu.memory_space<semaphore_mem>>) src(%dma_wait3A_86 : memref<128x128xf32, #tpu.memory_space<vmem_shared>>) dst(%dma_wait3A_84 : memref<128x128xf32, #tpu.memory_space<vmem>>)
      tpu.yield
    }) : () -> ()
    %mul3A_57 = arith.constant 632 : i32
    %mul3A_58 = arith.muli %arg1, %mul3A_57 : i32
    %add3A_59 = arith.constant 384 : i32
    %add3A_60 = arith.addi %mul3A_58, %add3A_59 : i32
    "tpu.region"() ({
      %run_scoped3A = tpu.sem_alloc : memref<!tpu.dma_semaphore, #tpu.memory_space<semaphore_mem>>
      %dma_start3A = arith.constant 0 : i32
      %dma_start3A_69 = arith.constant 0 : i32
      %dma_start3A_70 = tpu.memref_slice %arg8[%dma_start3A, %dma_start3A_69] : memref<128x128xf32, #tpu.memory_space<vmem>> -> memref<128x128xf32, #tpu.memory_space<vmem>>
      %dma_start3A_71 = arith.constant 0 : i32
      %dma_start3A_72 = tpu.memref_slice %arg5[%arg0, %add3A_60, %dma_start3A_71] : memref<2x10112x128xf32, #tpu.memory_space<hbm>> -> memref<1x128x128xf32, #tpu.memory_space<hbm>>
      %dma_start3A_73 = tpu.memref_squeeze %dma_start3A_72 : memref<1x128x128xf32, #tpu.memory_space<hbm>> -> memref<128x128xf32, #tpu.memory_space<hbm>>
      %dma_start3A_74 = arith.constant 0 : i32
      %dma_start3A_75 = tpu.memref_slice %arg5[%arg0, %add3A_60, %dma_start3A_74] : memref<2x10112x128xf32, #tpu.memory_space<hbm>> -> memref<1x128x128xf32, #tpu.memory_space<hbm>>
      %dma_start3A_76 = tpu.memref_squeeze %dma_start3A_75 : memref<1x128x128xf32, #tpu.memory_space<hbm>> -> memref<128x128xf32, #tpu.memory_space<hbm>>
      %dma_start3A_77 = arith.constant 0 : i32
      %dma_start3A_78 = arith.constant 0 : i32
      %dma_start3A_79 = tpu.memref_slice %arg8[%dma_start3A_77, %dma_start3A_78] : memref<128x128xf32, #tpu.memory_space<vmem>> -> memref<128x128xf32, #tpu.memory_space<vmem>>
      tpu.enqueue_dma source(%dma_start3A_79 : memref<128x128xf32, #tpu.memory_space<vmem>>) target(%dma_start3A_76 : memref<128x128xf32, #tpu.memory_space<hbm>>) target_semaphore(%run_scoped3A : memref<!tpu.dma_semaphore, #tpu.memory_space<semaphore_mem>>)
      %dma_wait3A = arith.constant 0 : i32
      %dma_wait3A_80 = arith.constant 0 : i32
      %dma_wait3A_81 = tpu.memref_slice %arg8[%dma_wait3A, %dma_wait3A_80] : memref<128x128xf32, #tpu.memory_space<vmem>> -> memref<128x128xf32, #tpu.memory_space<vmem>>
      %dma_wait3A_82 = arith.constant 0 : i32
      %dma_wait3A_83 = tpu.memref_slice %arg5[%arg0, %add3A_60, %dma_wait3A_82] : memref<2x10112x128xf32, #tpu.memory_space<hbm>> -> memref<1x128x128xf32, #tpu.memory_space<hbm>>
      %dma_wait3A_84 = tpu.memref_squeeze %dma_wait3A_83 : memref<1x128x128xf32, #tpu.memory_space<hbm>> -> memref<128x128xf32, #tpu.memory_space<hbm>>
      %dma_wait3A_85 = arith.constant 0 : i32
      %dma_wait3A_86 = tpu.memref_slice %arg5[%arg0, %add3A_60, %dma_wait3A_85] : memref<2x10112x128xf32, #tpu.memory_space<hbm>> -> memref<1x128x128xf32, #tpu.memory_space<hbm>>
      %dma_wait3A_87 = tpu.memref_squeeze %dma_wait3A_86 : memref<1x128x128xf32, #tpu.memory_space<hbm>> -> memref<128x128xf32, #tpu.memory_space<hbm>>
      %dma_wait3A_88 = arith.constant 0 : i32
      %dma_wait3A_89 = arith.constant 0 : i32
      %dma_wait3A_90 = tpu.memref_slice %arg8[%dma_wait3A_88, %dma_wait3A_89] : memref<128x128xf32, #tpu.memory_space<vmem>> -> memref<128x128xf32, #tpu.memory_space<vmem>>
      tpu.wait_dma2 semaphore(%run_scoped3A : memref<!tpu.dma_semaphore, #tpu.memory_space<semaphore_mem>>) src(%dma_wait3A_90 : memref<128x128xf32, #tpu.memory_space<vmem>>) dst(%dma_wait3A_87 : memref<128x128xf32, #tpu.memory_space<hbm>>)
      tpu.yield
    }) : () -> ()
    %mul3A_61 = arith.constant 632 : i32
    %mul3A_62 = arith.muli %arg1, %mul3A_61 : i32
    %add3A_63 = arith.constant 512 : i32
    %add3A_64 = arith.addi %mul3A_62, %add3A_63 : i32
    "tpu.region"() ({
      %run_scoped3A = tpu.sem_alloc : memref<!tpu.dma_semaphore, #tpu.memory_space<semaphore_mem>>
      %dma_start3A = arith.constant 0 : i32
      %dma_start3A_69 = arith.constant 0 : i32
      %dma_start3A_70 = tpu.memref_slice %arg8[%dma_start3A, %dma_start3A_69] : memref<128x128xf32, #tpu.memory_space<vmem>> -> memref<120x128xf32, #tpu.memory_space<vmem>>
      %dma_start3A_71 = arith.constant 0 : i32
      %dma_start3A_72 = tpu.memref_slice %arg9[%add3A_64, %dma_start3A_71] : memref<10112x128xf32, #tpu.memory_space<vmem_shared>> -> memref<120x128xf32, #tpu.memory_space<vmem_shared>>
      %dma_start3A_73 = arith.constant 0 : i32
      %dma_start3A_74 = arith.constant 0 : i32
      %dma_start3A_75 = tpu.memref_slice %arg8[%dma_start3A_73, %dma_start3A_74] : memref<128x128xf32, #tpu.memory_space<vmem>> -> memref<120x128xf32, #tpu.memory_space<vmem>>
      %dma_start3A_76 = arith.constant 0 : i32
      %dma_start3A_77 = tpu.memref_slice %arg9[%add3A_64, %dma_start3A_76] : memref<10112x128xf32, #tpu.memory_space<vmem_shared>> -> memref<120x128xf32, #tpu.memory_space<vmem_shared>>
      tpu.enqueue_dma source(%dma_start3A_77 : memref<120x128xf32, #tpu.memory_space<vmem_shared>>) target(%dma_start3A_75 : memref<120x128xf32, #tpu.memory_space<vmem>>) target_semaphore(%run_scoped3A : memref<!tpu.dma_semaphore, #tpu.memory_space<semaphore_mem>>)
      %dma_wait3A = arith.constant 0 : i32
      %dma_wait3A_78 = arith.constant 0 : i32
      %dma_wait3A_79 = tpu.memref_slice %arg8[%dma_wait3A, %dma_wait3A_78] : memref<128x128xf32, #tpu.memory_space<vmem>> -> memref<120x128xf32, #tpu.memory_space<vmem>>
      %dma_wait3A_80 = arith.constant 0 : i32
      %dma_wait3A_81 = tpu.memref_slice %arg9[%add3A_64, %dma_wait3A_80] : memref<10112x128xf32, #tpu.memory_space<vmem_shared>> -> memref<120x128xf32, #tpu.memory_space<vmem_shared>>
      %dma_wait3A_82 = arith.constant 0 : i32
      %dma_wait3A_83 = arith.constant 0 : i32
      %dma_wait3A_84 = tpu.memref_slice %arg8[%dma_wait3A_82, %dma_wait3A_83] : memref<128x128xf32, #tpu.memory_space<vmem>> -> memref<120x128xf32, #tpu.memory_space<vmem>>
      %dma_wait3A_85 = arith.constant 0 : i32
      %dma_wait3A_86 = tpu.memref_slice %arg9[%add3A_64, %dma_wait3A_85] : memref<10112x128xf32, #tpu.memory_space<vmem_shared>> -> memref<120x128xf32, #tpu.memory_space<vmem_shared>>
      tpu.wait_dma2 semaphore(%run_scoped3A : memref<!tpu.dma_semaphore, #tpu.memory_space<semaphore_mem>>) src(%dma_wait3A_86 : memref<120x128xf32, #tpu.memory_space<vmem_shared>>) dst(%dma_wait3A_84 : memref<120x128xf32, #tpu.memory_space<vmem>>)
      tpu.yield
    }) : () -> ()
    %mul3A_65 = arith.constant 632 : i32
    %mul3A_66 = arith.muli %arg1, %mul3A_65 : i32
    %add3A_67 = arith.constant 512 : i32
    %add3A_68 = arith.addi %mul3A_66, %add3A_67 : i32
    "tpu.region"() ({
      %run_scoped3A = tpu.sem_alloc : memref<!tpu.dma_semaphore, #tpu.memory_space<semaphore_mem>>
      %dma_start3A = arith.constant 0 : i32
      %dma_start3A_69 = arith.constant 0 : i32
      %dma_start3A_70 = tpu.memref_slice %arg8[%dma_start3A, %dma_start3A_69] : memref<128x128xf32, #tpu.memory_space<vmem>> -> memref<120x128xf32, #tpu.memory_space<vmem>>
      %dma_start3A_71 = arith.constant 0 : i32
      %dma_start3A_72 = tpu.memref_slice %arg5[%arg0, %add3A_68, %dma_start3A_71] : memref<2x10112x128xf32, #tpu.memory_space<hbm>> -> memref<1x120x128xf32, #tpu.memory_space<hbm>>
      %dma_start3A_73 = tpu.memref_squeeze %dma_start3A_72 : memref<1x120x128xf32, #tpu.memory_space<hbm>> -> memref<120x128xf32, #tpu.memory_space<hbm>>
      %dma_start3A_74 = arith.constant 0 : i32
      %dma_start3A_75 = tpu.memref_slice %arg5[%arg0, %add3A_68, %dma_start3A_74] : memref<2x10112x128xf32, #tpu.memory_space<hbm>> -> memref<1x120x128xf32, #tpu.memory_space<hbm>>
      %dma_start3A_76 = tpu.memref_squeeze %dma_start3A_75 : memref<1x120x128xf32, #tpu.memory_space<hbm>> -> memref<120x128xf32, #tpu.memory_space<hbm>>
      %dma_start3A_77 = arith.constant 0 : i32
      %dma_start3A_78 = arith.constant 0 : i32
      %dma_start3A_79 = tpu.memref_slice %arg8[%dma_start3A_77, %dma_start3A_78] : memref<128x128xf32, #tpu.memory_space<vmem>> -> memref<120x128xf32, #tpu.memory_space<vmem>>
      tpu.enqueue_dma source(%dma_start3A_79 : memref<120x128xf32, #tpu.memory_space<vmem>>) target(%dma_start3A_76 : memref<120x128xf32, #tpu.memory_space<hbm>>) target_semaphore(%run_scoped3A : memref<!tpu.dma_semaphore, #tpu.memory_space<semaphore_mem>>)
      %dma_wait3A = arith.constant 0 : i32
      %dma_wait3A_80 = arith.constant 0 : i32
      %dma_wait3A_81 = tpu.memref_slice %arg8[%dma_wait3A, %dma_wait3A_80] : memref<128x128xf32, #tpu.memory_space<vmem>> -> memref<120x128xf32, #tpu.memory_space<vmem>>
      %dma_wait3A_82 = arith.constant 0 : i32
      %dma_wait3A_83 = tpu.memref_slice %arg5[%arg0, %add3A_68, %dma_wait3A_82] : memref<2x10112x128xf32, #tpu.memory_space<hbm>> -> memref<1x120x128xf32, #tpu.memory_space<hbm>>
      %dma_wait3A_84 = tpu.memref_squeeze %dma_wait3A_83 : memref<1x120x128xf32, #tpu.memory_space<hbm>> -> memref<120x128xf32, #tpu.memory_space<hbm>>
      %dma_wait3A_85 = arith.constant 0 : i32
      %dma_wait3A_86 = tpu.memref_slice %arg5[%arg0, %add3A_68, %dma_wait3A_85] : memref<2x10112x128xf32, #tpu.memory_space<hbm>> -> memref<1x120x128xf32, #tpu.memory_space<hbm>>
      %dma_wait3A_87 = tpu.memref_squeeze %dma_wait3A_86 : memref<1x120x128xf32, #tpu.memory_space<hbm>> -> memref<120x128xf32, #tpu.memory_space<hbm>>
      %dma_wait3A_88 = arith.constant 0 : i32
      %dma_wait3A_89 = arith.constant 0 : i32
      %dma_wait3A_90 = tpu.memref_slice %arg8[%dma_wait3A_88, %dma_wait3A_89] : memref<128x128xf32, #tpu.memory_space<vmem>> -> memref<120x128xf32, #tpu.memory_space<vmem>>
      tpu.wait_dma2 semaphore(%run_scoped3A : memref<!tpu.dma_semaphore, #tpu.memory_space<semaphore_mem>>) src(%dma_wait3A_90 : memref<120x128xf32, #tpu.memory_space<vmem>>) dst(%dma_wait3A_87 : memref<120x128xf32, #tpu.memory_space<hbm>>)
      tpu.yield
    }) : () -> ()
    return
  }
}

#map = affine_map<(d0, d1) -> (0, 0)>
#map1 = affine_map<(d0, d1) -> (0, 0, 0)>
module attributes {stable_mosaic.version = 14 : i64} {
  func.func @sum_body(%arg0: i32, %arg1: i32, %arg2: memref<20000x128xf32, #tpu.memory_space<hbm>>, %arg3: memref<2560x128xi32, #tpu.memory_space<hbm>>, %arg4: memref<2560x128xi32, #tpu.memory_space<hbm>>, %arg5: memref<128x128xf32, #tpu.memory_space<hbm>>, %arg6: memref<2x10112x128xf32, #tpu.memory_space<hbm>>, %arg7: memref<8x128xi32, #tpu.memory_space<vmem>>, %arg8: memref<8x128xi32, #tpu.memory_space<vmem>>, %arg9: memref<128x128xf32, #tpu.memory_space<vmem>>, %arg10: memref<128x128xf32, #tpu.memory_space<vmem>>, %arg11: memref<10112x128xf32, #tpu.memory_space<vmem_shared>>, %arg12: memref<!tpu.dma_semaphore, #tpu.memory_space<semaphore_mem>>, %arg13: memref<!tpu.dma_semaphore, #tpu.memory_space<semaphore_mem>>) attributes {dimension_semantics = [#tpu.dimension_semantics<core_parallel>, #tpu.dimension_semantics<subcore_parallel>], iteration_bounds = array<i64: 2, 16>, scalar_prefetch = 0 : i64, scratch_operands = 7 : i64, tpu.core_type = #tpu.core_type<sc_vector_subcore>, window_params = [{transform_indices = #map}, {transform_indices = #map}, {transform_indices = #map}, {transform_indices = #map}, {transform_indices = #map1}]} {
    "tpu.region"() ({
      %run_scoped3A = tpu.sem_alloc : memref<!tpu.dma_semaphore, #tpu.memory_space<semaphore_mem>>
      tpu.enqueue_dma source(%arg5 : memref<128x128xf32, #tpu.memory_space<hbm>>) target(%arg9 : memref<128x128xf32, #tpu.memory_space<vmem>>) target_semaphore(%run_scoped3A : memref<!tpu.dma_semaphore, #tpu.memory_space<semaphore_mem>>)
      tpu.wait_dma2 semaphore(%run_scoped3A : memref<!tpu.dma_semaphore, #tpu.memory_space<semaphore_mem>>) src(%arg5 : memref<128x128xf32, #tpu.memory_space<hbm>>) dst(%arg9 : memref<128x128xf32, #tpu.memory_space<vmem>>)
      tpu.yield
    }) : () -> ()
    %mul3A = arith.constant 632 : i32
    %mul3A_0 = arith.muli %arg1, %mul3A : i32
    %add3A = arith.constant 0 : i32
    %add3A_1 = arith.addi %mul3A_0, %add3A : i32
    "tpu.region"() ({
      %run_scoped3A = tpu.sem_alloc : memref<!tpu.dma_semaphore, #tpu.memory_space<semaphore_mem>>
      %dma_start3A = arith.constant 0 : i32
      %dma_start3A_69 = arith.constant 0 : i32
      %dma_start3A_70 = tpu.memref_slice %arg9[%dma_start3A, %dma_start3A_69] : memref<128x128xf32, #tpu.memory_space<vmem>> -> memref<128x128xf32, #tpu.memory_space<vmem>>
      %dma_start3A_71 = arith.constant 0 : i32
      %dma_start3A_72 = tpu.memref_slice %arg11[%add3A_1, %dma_start3A_71] : memref<10112x128xf32, #tpu.memory_space<vmem_shared>> -> memref<128x128xf32, #tpu.memory_space<vmem_shared>>
      %dma_start3A_73 = arith.constant 0 : i32
      %dma_start3A_74 = tpu.memref_slice %arg11[%add3A_1, %dma_start3A_73] : memref<10112x128xf32, #tpu.memory_space<vmem_shared>> -> memref<128x128xf32, #tpu.memory_space<vmem_shared>>
      %dma_start3A_75 = arith.constant 0 : i32
      %dma_start3A_76 = arith.constant 0 : i32
      %dma_start3A_77 = tpu.memref_slice %arg9[%dma_start3A_75, %dma_start3A_76] : memref<128x128xf32, #tpu.memory_space<vmem>> -> memref<128x128xf32, #tpu.memory_space<vmem>>
      tpu.enqueue_dma source(%dma_start3A_77 : memref<128x128xf32, #tpu.memory_space<vmem>>) target(%dma_start3A_74 : memref<128x128xf32, #tpu.memory_space<vmem_shared>>) target_semaphore(%run_scoped3A : memref<!tpu.dma_semaphore, #tpu.memory_space<semaphore_mem>>)
      %dma_wait3A = arith.constant 0 : i32
      %dma_wait3A_78 = arith.constant 0 : i32
      %dma_wait3A_79 = tpu.memref_slice %arg9[%dma_wait3A, %dma_wait3A_78] : memref<128x128xf32, #tpu.memory_space<vmem>> -> memref<128x128xf32, #tpu.memory_space<vmem>>
      %dma_wait3A_80 = arith.constant 0 : i32
      %dma_wait3A_81 = tpu.memref_slice %arg11[%add3A_1, %dma_wait3A_80] : memref<10112x128xf32, #tpu.memory_space<vmem_shared>> -> memref<128x128xf32, #tpu.memory_space<vmem_shared>>
      %dma_wait3A_82 = arith.constant 0 : i32
      %dma_wait3A_83 = tpu.memref_slice %arg11[%add3A_1, %dma_wait3A_82] : memref<10112x128xf32, #tpu.memory_space<vmem_shared>> -> memref<128x128xf32, #tpu.memory_space<vmem_shared>>
      %dma_wait3A_84 = arith.constant 0 : i32
      %dma_wait3A_85 = arith.constant 0 : i32
      %dma_wait3A_86 = tpu.memref_slice %arg9[%dma_wait3A_84, %dma_wait3A_85] : memref<128x128xf32, #tpu.memory_space<vmem>> -> memref<128x128xf32, #tpu.memory_space<vmem>>
      tpu.wait_dma2 semaphore(%run_scoped3A : memref<!tpu.dma_semaphore, #tpu.memory_space<semaphore_mem>>) src(%dma_wait3A_86 : memref<128x128xf32, #tpu.memory_space<vmem>>) dst(%dma_wait3A_83 : memref<128x128xf32, #tpu.memory_space<vmem_shared>>)
      tpu.yield
    }) : () -> ()
    %mul3A_2 = arith.constant 632 : i32
    %mul3A_3 = arith.muli %arg1, %mul3A_2 : i32
    %add3A_4 = arith.constant 128 : i32
    %add3A_5 = arith.addi %mul3A_3, %add3A_4 : i32
    "tpu.region"() ({
      %run_scoped3A = tpu.sem_alloc : memref<!tpu.dma_semaphore, #tpu.memory_space<semaphore_mem>>
      %dma_start3A = arith.constant 0 : i32
      %dma_start3A_69 = arith.constant 0 : i32
      %dma_start3A_70 = tpu.memref_slice %arg9[%dma_start3A, %dma_start3A_69] : memref<128x128xf32, #tpu.memory_space<vmem>> -> memref<128x128xf32, #tpu.memory_space<vmem>>
      %dma_start3A_71 = arith.constant 0 : i32
      %dma_start3A_72 = tpu.memref_slice %arg11[%add3A_5, %dma_start3A_71] : memref<10112x128xf32, #tpu.memory_space<vmem_shared>> -> memref<128x128xf32, #tpu.memory_space<vmem_shared>>
      %dma_start3A_73 = arith.constant 0 : i32
      %dma_start3A_74 = tpu.memref_slice %arg11[%add3A_5, %dma_start3A_73] : memref<10112x128xf32, #tpu.memory_space<vmem_shared>> -> memref<128x128xf32, #tpu.memory_space<vmem_shared>>
      %dma_start3A_75 = arith.constant 0 : i32
      %dma_start3A_76 = arith.constant 0 : i32
      %dma_start3A_77 = tpu.memref_slice %arg9[%dma_start3A_75, %dma_start3A_76] : memref<128x128xf32, #tpu.memory_space<vmem>> -> memref<128x128xf32, #tpu.memory_space<vmem>>
      tpu.enqueue_dma source(%dma_start3A_77 : memref<128x128xf32, #tpu.memory_space<vmem>>) target(%dma_start3A_74 : memref<128x128xf32, #tpu.memory_space<vmem_shared>>) target_semaphore(%run_scoped3A : memref<!tpu.dma_semaphore, #tpu.memory_space<semaphore_mem>>)
      %dma_wait3A = arith.constant 0 : i32
      %dma_wait3A_78 = arith.constant 0 : i32
      %dma_wait3A_79 = tpu.memref_slice %arg9[%dma_wait3A, %dma_wait3A_78] : memref<128x128xf32, #tpu.memory_space<vmem>> -> memref<128x128xf32, #tpu.memory_space<vmem>>
      %dma_wait3A_80 = arith.constant 0 : i32
      %dma_wait3A_81 = tpu.memref_slice %arg11[%add3A_5, %dma_wait3A_80] : memref<10112x128xf32, #tpu.memory_space<vmem_shared>> -> memref<128x128xf32, #tpu.memory_space<vmem_shared>>
      %dma_wait3A_82 = arith.constant 0 : i32
      %dma_wait3A_83 = tpu.memref_slice %arg11[%add3A_5, %dma_wait3A_82] : memref<10112x128xf32, #tpu.memory_space<vmem_shared>> -> memref<128x128xf32, #tpu.memory_space<vmem_shared>>
      %dma_wait3A_84 = arith.constant 0 : i32
      %dma_wait3A_85 = arith.constant 0 : i32
      %dma_wait3A_86 = tpu.memref_slice %arg9[%dma_wait3A_84, %dma_wait3A_85] : memref<128x128xf32, #tpu.memory_space<vmem>> -> memref<128x128xf32, #tpu.memory_space<vmem>>
      tpu.wait_dma2 semaphore(%run_scoped3A : memref<!tpu.dma_semaphore, #tpu.memory_space<semaphore_mem>>) src(%dma_wait3A_86 : memref<128x128xf32, #tpu.memory_space<vmem>>) dst(%dma_wait3A_83 : memref<128x128xf32, #tpu.memory_space<vmem_shared>>)
      tpu.yield
    }) : () -> ()
    %mul3A_6 = arith.constant 632 : i32
    %mul3A_7 = arith.muli %arg1, %mul3A_6 : i32
    %add3A_8 = arith.constant 256 : i32
    %add3A_9 = arith.addi %mul3A_7, %add3A_8 : i32
    "tpu.region"() ({
      %run_scoped3A = tpu.sem_alloc : memref<!tpu.dma_semaphore, #tpu.memory_space<semaphore_mem>>
      %dma_start3A = arith.constant 0 : i32
      %dma_start3A_69 = arith.constant 0 : i32
      %dma_start3A_70 = tpu.memref_slice %arg9[%dma_start3A, %dma_start3A_69] : memref<128x128xf32, #tpu.memory_space<vmem>> -> memref<128x128xf32, #tpu.memory_space<vmem>>
      %dma_start3A_71 = arith.constant 0 : i32
      %dma_start3A_72 = tpu.memref_slice %arg11[%add3A_9, %dma_start3A_71] : memref<10112x128xf32, #tpu.memory_space<vmem_shared>> -> memref<128x128xf32, #tpu.memory_space<vmem_shared>>
      %dma_start3A_73 = arith.constant 0 : i32
      %dma_start3A_74 = tpu.memref_slice %arg11[%add3A_9, %dma_start3A_73] : memref<10112x128xf32, #tpu.memory_space<vmem_shared>> -> memref<128x128xf32, #tpu.memory_space<vmem_shared>>
      %dma_start3A_75 = arith.constant 0 : i32
      %dma_start3A_76 = arith.constant 0 : i32
      %dma_start3A_77 = tpu.memref_slice %arg9[%dma_start3A_75, %dma_start3A_76] : memref<128x128xf32, #tpu.memory_space<vmem>> -> memref<128x128xf32, #tpu.memory_space<vmem>>
      tpu.enqueue_dma source(%dma_start3A_77 : memref<128x128xf32, #tpu.memory_space<vmem>>) target(%dma_start3A_74 : memref<128x128xf32, #tpu.memory_space<vmem_shared>>) target_semaphore(%run_scoped3A : memref<!tpu.dma_semaphore, #tpu.memory_space<semaphore_mem>>)
      %dma_wait3A = arith.constant 0 : i32
      %dma_wait3A_78 = arith.constant 0 : i32
      %dma_wait3A_79 = tpu.memref_slice %arg9[%dma_wait3A, %dma_wait3A_78] : memref<128x128xf32, #tpu.memory_space<vmem>> -> memref<128x128xf32, #tpu.memory_space<vmem>>
      %dma_wait3A_80 = arith.constant 0 : i32
      %dma_wait3A_81 = tpu.memref_slice %arg11[%add3A_9, %dma_wait3A_80] : memref<10112x128xf32, #tpu.memory_space<vmem_shared>> -> memref<128x128xf32, #tpu.memory_space<vmem_shared>>
      %dma_wait3A_82 = arith.constant 0 : i32
      %dma_wait3A_83 = tpu.memref_slice %arg11[%add3A_9, %dma_wait3A_82] : memref<10112x128xf32, #tpu.memory_space<vmem_shared>> -> memref<128x128xf32, #tpu.memory_space<vmem_shared>>
      %dma_wait3A_84 = arith.constant 0 : i32
      %dma_wait3A_85 = arith.constant 0 : i32
      %dma_wait3A_86 = tpu.memref_slice %arg9[%dma_wait3A_84, %dma_wait3A_85] : memref<128x128xf32, #tpu.memory_space<vmem>> -> memref<128x128xf32, #tpu.memory_space<vmem>>
      tpu.wait_dma2 semaphore(%run_scoped3A : memref<!tpu.dma_semaphore, #tpu.memory_space<semaphore_mem>>) src(%dma_wait3A_86 : memref<128x128xf32, #tpu.memory_space<vmem>>) dst(%dma_wait3A_83 : memref<128x128xf32, #tpu.memory_space<vmem_shared>>)
      tpu.yield
    }) : () -> ()
    %mul3A_10 = arith.constant 632 : i32
    %mul3A_11 = arith.muli %arg1, %mul3A_10 : i32
    %add3A_12 = arith.constant 384 : i32
    %add3A_13 = arith.addi %mul3A_11, %add3A_12 : i32
    "tpu.region"() ({
      %run_scoped3A = tpu.sem_alloc : memref<!tpu.dma_semaphore, #tpu.memory_space<semaphore_mem>>
      %dma_start3A = arith.constant 0 : i32
      %dma_start3A_69 = arith.constant 0 : i32
      %dma_start3A_70 = tpu.memref_slice %arg9[%dma_start3A, %dma_start3A_69] : memref<128x128xf32, #tpu.memory_space<vmem>> -> memref<128x128xf32, #tpu.memory_space<vmem>>
      %dma_start3A_71 = arith.constant 0 : i32
      %dma_start3A_72 = tpu.memref_slice %arg11[%add3A_13, %dma_start3A_71] : memref<10112x128xf32, #tpu.memory_space<vmem_shared>> -> memref<128x128xf32, #tpu.memory_space<vmem_shared>>
      %dma_start3A_73 = arith.constant 0 : i32
      %dma_start3A_74 = tpu.memref_slice %arg11[%add3A_13, %dma_start3A_73] : memref<10112x128xf32, #tpu.memory_space<vmem_shared>> -> memref<128x128xf32, #tpu.memory_space<vmem_shared>>
      %dma_start3A_75 = arith.constant 0 : i32
      %dma_start3A_76 = arith.constant 0 : i32
      %dma_start3A_77 = tpu.memref_slice %arg9[%dma_start3A_75, %dma_start3A_76] : memref<128x128xf32, #tpu.memory_space<vmem>> -> memref<128x128xf32, #tpu.memory_space<vmem>>
      tpu.enqueue_dma source(%dma_start3A_77 : memref<128x128xf32, #tpu.memory_space<vmem>>) target(%dma_start3A_74 : memref<128x128xf32, #tpu.memory_space<vmem_shared>>) target_semaphore(%run_scoped3A : memref<!tpu.dma_semaphore, #tpu.memory_space<semaphore_mem>>)
      %dma_wait3A = arith.constant 0 : i32
      %dma_wait3A_78 = arith.constant 0 : i32
      %dma_wait3A_79 = tpu.memref_slice %arg9[%dma_wait3A, %dma_wait3A_78] : memref<128x128xf32, #tpu.memory_space<vmem>> -> memref<128x128xf32, #tpu.memory_space<vmem>>
      %dma_wait3A_80 = arith.constant 0 : i32
      %dma_wait3A_81 = tpu.memref_slice %arg11[%add3A_13, %dma_wait3A_80] : memref<10112x128xf32, #tpu.memory_space<vmem_shared>> -> memref<128x128xf32, #tpu.memory_space<vmem_shared>>
      %dma_wait3A_82 = arith.constant 0 : i32
      %dma_wait3A_83 = tpu.memref_slice %arg11[%add3A_13, %dma_wait3A_82] : memref<10112x128xf32, #tpu.memory_space<vmem_shared>> -> memref<128x128xf32, #tpu.memory_space<vmem_shared>>
      %dma_wait3A_84 = arith.constant 0 : i32
      %dma_wait3A_85 = arith.constant 0 : i32
      %dma_wait3A_86 = tpu.memref_slice %arg9[%dma_wait3A_84, %dma_wait3A_85] : memref<128x128xf32, #tpu.memory_space<vmem>> -> memref<128x128xf32, #tpu.memory_space<vmem>>
      tpu.wait_dma2 semaphore(%run_scoped3A : memref<!tpu.dma_semaphore, #tpu.memory_space<semaphore_mem>>) src(%dma_wait3A_86 : memref<128x128xf32, #tpu.memory_space<vmem>>) dst(%dma_wait3A_83 : memref<128x128xf32, #tpu.memory_space<vmem_shared>>)
      tpu.yield
    }) : () -> ()
    %mul3A_14 = arith.constant 632 : i32
    %mul3A_15 = arith.muli %arg1, %mul3A_14 : i32
    %add3A_16 = arith.constant 512 : i32
    %add3A_17 = arith.addi %mul3A_15, %add3A_16 : i32
    "tpu.region"() ({
      %run_scoped3A = tpu.sem_alloc : memref<!tpu.dma_semaphore, #tpu.memory_space<semaphore_mem>>
      %dma_start3A = arith.constant 0 : i32
      %dma_start3A_69 = arith.constant 0 : i32
      %dma_start3A_70 = tpu.memref_slice %arg9[%dma_start3A, %dma_start3A_69] : memref<128x128xf32, #tpu.memory_space<vmem>> -> memref<120x128xf32, #tpu.memory_space<vmem>>
      %dma_start3A_71 = arith.constant 0 : i32
      %dma_start3A_72 = tpu.memref_slice %arg11[%add3A_17, %dma_start3A_71] : memref<10112x128xf32, #tpu.memory_space<vmem_shared>> -> memref<120x128xf32, #tpu.memory_space<vmem_shared>>
      %dma_start3A_73 = arith.constant 0 : i32
      %dma_start3A_74 = tpu.memref_slice %arg11[%add3A_17, %dma_start3A_73] : memref<10112x128xf32, #tpu.memory_space<vmem_shared>> -> memref<120x128xf32, #tpu.memory_space<vmem_shared>>
      %dma_start3A_75 = arith.constant 0 : i32
      %dma_start3A_76 = arith.constant 0 : i32
      %dma_start3A_77 = tpu.memref_slice %arg9[%dma_start3A_75, %dma_start3A_76] : memref<128x128xf32, #tpu.memory_space<vmem>> -> memref<120x128xf32, #tpu.memory_space<vmem>>
      tpu.enqueue_dma source(%dma_start3A_77 : memref<120x128xf32, #tpu.memory_space<vmem>>) target(%dma_start3A_74 : memref<120x128xf32, #tpu.memory_space<vmem_shared>>) target_semaphore(%run_scoped3A : memref<!tpu.dma_semaphore, #tpu.memory_space<semaphore_mem>>)
      %dma_wait3A = arith.constant 0 : i32
      %dma_wait3A_78 = arith.constant 0 : i32
      %dma_wait3A_79 = tpu.memref_slice %arg9[%dma_wait3A, %dma_wait3A_78] : memref<128x128xf32, #tpu.memory_space<vmem>> -> memref<120x128xf32, #tpu.memory_space<vmem>>
      %dma_wait3A_80 = arith.constant 0 : i32
      %dma_wait3A_81 = tpu.memref_slice %arg11[%add3A_17, %dma_wait3A_80] : memref<10112x128xf32, #tpu.memory_space<vmem_shared>> -> memref<120x128xf32, #tpu.memory_space<vmem_shared>>
      %dma_wait3A_82 = arith.constant 0 : i32
      %dma_wait3A_83 = tpu.memref_slice %arg11[%add3A_17, %dma_wait3A_82] : memref<10112x128xf32, #tpu.memory_space<vmem_shared>> -> memref<120x128xf32, #tpu.memory_space<vmem_shared>>
      %dma_wait3A_84 = arith.constant 0 : i32
      %dma_wait3A_85 = arith.constant 0 : i32
      %dma_wait3A_86 = tpu.memref_slice %arg9[%dma_wait3A_84, %dma_wait3A_85] : memref<128x128xf32, #tpu.memory_space<vmem>> -> memref<120x128xf32, #tpu.memory_space<vmem>>
      tpu.wait_dma2 semaphore(%run_scoped3A : memref<!tpu.dma_semaphore, #tpu.memory_space<semaphore_mem>>) src(%dma_wait3A_86 : memref<120x128xf32, #tpu.memory_space<vmem>>) dst(%dma_wait3A_83 : memref<120x128xf32, #tpu.memory_space<vmem_shared>>)
      tpu.yield
    }) : () -> ()
    %barrier3A = arith.constant 0 : index
    tpu.barrier barrier_id(%barrier3A)
    %mul3A_18 = arith.constant 16 : i32
    %mul3A_19 = arith.muli %arg0, %mul3A_18 : i32
    %add3A_20 = arith.addi %mul3A_19, %arg1 : i32
    %mul3A_21 = arith.constant 80 : i32
    %mul3A_22 = arith.muli %add3A_20, %mul3A_21 : i32
    %scan3A = arith.constant 0 : i32
    %scan3A_23 = arith.constant 0 : i32
    %scan3A_24 = arith.constant 10 : i32
    %scan3A_25 = arith.addi %scan3A_23, %scan3A_24 : i32
    %scan3A_26 = arith.constant 1 : i32
    scf.for %scan3A_69 = %scan3A_23 to %scan3A_25 step %scan3A_26  : i32 {
      %mul3A_70 = arith.constant 8 : i32
      %mul3A_71 = arith.muli %scan3A_69, %mul3A_70 : i32
      %add3A_72 = arith.addi %mul3A_22, %mul3A_71 : i32
      "tpu.region"() ({
        %run_scoped3A_190 = tpu.sem_alloc : memref<!tpu.dma_semaphore, #tpu.memory_space<semaphore_mem>>
        %dma_start3A_191 = arith.constant 0 : i32
        %dma_start3A_192 = tpu.memref_slice %arg3[%add3A_72, %dma_start3A_191] : memref<2560x128xi32, #tpu.memory_space<hbm>> -> memref<8x128xi32, #tpu.memory_space<hbm>>
        %dma_start3A_193 = arith.constant 0 : i32
        %dma_start3A_194 = tpu.memref_slice %arg3[%add3A_72, %dma_start3A_193] : memref<2560x128xi32, #tpu.memory_space<hbm>> -> memref<8x128xi32, #tpu.memory_space<hbm>>
        tpu.enqueue_dma source(%dma_start3A_194 : memref<8x128xi32, #tpu.memory_space<hbm>>) target(%arg7 : memref<8x128xi32, #tpu.memory_space<vmem>>) target_semaphore(%run_scoped3A_190 : memref<!tpu.dma_semaphore, #tpu.memory_space<semaphore_mem>>)
        %dma_wait3A_195 = arith.constant 0 : i32
        %dma_wait3A_196 = tpu.memref_slice %arg3[%add3A_72, %dma_wait3A_195] : memref<2560x128xi32, #tpu.memory_space<hbm>> -> memref<8x128xi32, #tpu.memory_space<hbm>>
        %dma_wait3A_197 = arith.constant 0 : i32
        %dma_wait3A_198 = tpu.memref_slice %arg3[%add3A_72, %dma_wait3A_197] : memref<2560x128xi32, #tpu.memory_space<hbm>> -> memref<8x128xi32, #tpu.memory_space<hbm>>
        tpu.wait_dma2 semaphore(%run_scoped3A_190 : memref<!tpu.dma_semaphore, #tpu.memory_space<semaphore_mem>>) src(%dma_wait3A_198 : memref<8x128xi32, #tpu.memory_space<hbm>>) dst(%arg7 : memref<8x128xi32, #tpu.memory_space<vmem>>)
        tpu.yield
      }) : () -> ()
      "tpu.region"() ({
        %run_scoped3A_190 = tpu.sem_alloc : memref<!tpu.dma_semaphore, #tpu.memory_space<semaphore_mem>>
        %dma_start3A_191 = arith.constant 0 : i32
        %dma_start3A_192 = tpu.memref_slice %arg4[%add3A_72, %dma_start3A_191] : memref<2560x128xi32, #tpu.memory_space<hbm>> -> memref<8x128xi32, #tpu.memory_space<hbm>>
        %dma_start3A_193 = arith.constant 0 : i32
        %dma_start3A_194 = tpu.memref_slice %arg4[%add3A_72, %dma_start3A_193] : memref<2560x128xi32, #tpu.memory_space<hbm>> -> memref<8x128xi32, #tpu.memory_space<hbm>>
        tpu.enqueue_dma source(%dma_start3A_194 : memref<8x128xi32, #tpu.memory_space<hbm>>) target(%arg8 : memref<8x128xi32, #tpu.memory_space<vmem>>) target_semaphore(%run_scoped3A_190 : memref<!tpu.dma_semaphore, #tpu.memory_space<semaphore_mem>>)
        %dma_wait3A_195 = arith.constant 0 : i32
        %dma_wait3A_196 = tpu.memref_slice %arg4[%add3A_72, %dma_wait3A_195] : memref<2560x128xi32, #tpu.memory_space<hbm>> -> memref<8x128xi32, #tpu.memory_space<hbm>>
        %dma_wait3A_197 = arith.constant 0 : i32
        %dma_wait3A_198 = tpu.memref_slice %arg4[%add3A_72, %dma_wait3A_197] : memref<2560x128xi32, #tpu.memory_space<hbm>> -> memref<8x128xi32, #tpu.memory_space<hbm>>
        tpu.wait_dma2 semaphore(%run_scoped3A_190 : memref<!tpu.dma_semaphore, #tpu.memory_space<semaphore_mem>>) src(%dma_wait3A_198 : memref<8x128xi32, #tpu.memory_space<hbm>>) dst(%arg8 : memref<8x128xi32, #tpu.memory_space<vmem>>)
        tpu.yield
      }) : () -> ()
      %dma_start3A = arith.constant 0 : i32
      %dma_start3A_73 = arith.constant 0 : i32
      %dma_start3A_74 = tpu.memref_slice %arg7[%dma_start3A, %dma_start3A_73] : memref<8x128xi32, #tpu.memory_space<vmem>> -> memref<1x128xi32, #tpu.memory_space<vmem>>
      %dma_start3A_75 = tpu.memref_squeeze %dma_start3A_74 : memref<1x128xi32, #tpu.memory_space<vmem>> -> memref<128xi32, #tpu.memory_space<vmem>>
      %dma_start3A_76 = arith.constant 0 : i32
      %dma_start3A_77 = arith.constant 0 : i32
      %dma_start3A_78 = tpu.memref_slice %arg2[%dma_start3A_76, %dma_start3A_77] : memref<20000x128xf32, #tpu.memory_space<hbm>> -> memref<20000x128xf32, #tpu.memory_space<hbm>>
      tpu.enqueue_indirect_dma source(%dma_start3A_78 : memref<20000x128xf32, #tpu.memory_space<hbm>>) target(%arg9 : memref<128x128xf32, #tpu.memory_space<vmem>>) offsets(%dma_start3A_75 : memref<128xi32, #tpu.memory_space<vmem>>) semaphore(%arg12 : memref<!tpu.dma_semaphore, #tpu.memory_space<semaphore_mem>>)
      %dma_start3A_79 = arith.constant 1 : i32
      %dma_start3A_80 = arith.constant 0 : i32
      %dma_start3A_81 = tpu.memref_slice %arg7[%dma_start3A_79, %dma_start3A_80] : memref<8x128xi32, #tpu.memory_space<vmem>> -> memref<1x128xi32, #tpu.memory_space<vmem>>
      %dma_start3A_82 = tpu.memref_squeeze %dma_start3A_81 : memref<1x128xi32, #tpu.memory_space<vmem>> -> memref<128xi32, #tpu.memory_space<vmem>>
      %dma_start3A_83 = arith.constant 0 : i32
      %dma_start3A_84 = arith.constant 0 : i32
      %dma_start3A_85 = tpu.memref_slice %arg2[%dma_start3A_83, %dma_start3A_84] : memref<20000x128xf32, #tpu.memory_space<hbm>> -> memref<20000x128xf32, #tpu.memory_space<hbm>>
      tpu.enqueue_indirect_dma source(%dma_start3A_85 : memref<20000x128xf32, #tpu.memory_space<hbm>>) target(%arg10 : memref<128x128xf32, #tpu.memory_space<vmem>>) offsets(%dma_start3A_82 : memref<128xi32, #tpu.memory_space<vmem>>) semaphore(%arg13 : memref<!tpu.dma_semaphore, #tpu.memory_space<semaphore_mem>>)
      %dma_wait3A = arith.constant 0 : i32
      %dma_wait3A_86 = arith.constant 0 : i32
      %dma_wait3A_87 = tpu.memref_slice %arg7[%dma_wait3A, %dma_wait3A_86] : memref<8x128xi32, #tpu.memory_space<vmem>> -> memref<1x128xi32, #tpu.memory_space<vmem>>
      %dma_wait3A_88 = tpu.memref_squeeze %dma_wait3A_87 : memref<1x128xi32, #tpu.memory_space<vmem>> -> memref<128xi32, #tpu.memory_space<vmem>>
      %dma_wait3A_89 = arith.constant 0 : i32
      %dma_wait3A_90 = arith.constant 0 : i32
      %dma_wait3A_91 = tpu.memref_slice %arg2[%dma_wait3A_89, %dma_wait3A_90] : memref<20000x128xf32, #tpu.memory_space<hbm>> -> memref<20000x128xf32, #tpu.memory_space<hbm>>
      tpu.wait_indirect_dma semaphore(%arg12 : memref<!tpu.dma_semaphore, #tpu.memory_space<semaphore_mem>>) src(%dma_wait3A_91 : memref<20000x128xf32, #tpu.memory_space<hbm>>) dst(%arg9 : memref<128x128xf32, #tpu.memory_space<vmem>>)
      %run_scoped3A = arith.constant 0 : i32
      "tpu.region"() ({
        %run_scoped3A_190 = tpu.sem_alloc : memref<!tpu.dma_semaphore, #tpu.memory_space<semaphore_mem>>
        %dma_start3A_191 = arith.constant 0 : i32
        %dma_start3A_192 = tpu.memref_slice %arg8[%run_scoped3A, %dma_start3A_191] : memref<8x128xi32, #tpu.memory_space<vmem>> -> memref<1x128xi32, #tpu.memory_space<vmem>>
        %dma_start3A_193 = tpu.memref_squeeze %dma_start3A_192 : memref<1x128xi32, #tpu.memory_space<vmem>> -> memref<128xi32, #tpu.memory_space<vmem>>
        %dma_start3A_194 = arith.constant 0 : i32
        %dma_start3A_195 = arith.constant 0 : i32
        %dma_start3A_196 = tpu.memref_slice %arg11[%dma_start3A_194, %dma_start3A_195] : memref<10112x128xf32, #tpu.memory_space<vmem_shared>> -> memref<10112x128xf32, #tpu.memory_space<vmem_shared>>
        tpu.enqueue_indirect_dma source(%arg9 : memref<128x128xf32, #tpu.memory_space<vmem>>) target(%dma_start3A_196 : memref<10112x128xf32, #tpu.memory_space<vmem_shared>>) offsets(%dma_start3A_193 : memref<128xi32, #tpu.memory_space<vmem>>) semaphore(%run_scoped3A_190 : memref<!tpu.dma_semaphore, #tpu.memory_space<semaphore_mem>>) {add = true}
        %dma_wait3A_197 = arith.constant 0 : i32
        %dma_wait3A_198 = tpu.memref_slice %arg8[%run_scoped3A, %dma_wait3A_197] : memref<8x128xi32, #tpu.memory_space<vmem>> -> memref<1x128xi32, #tpu.memory_space<vmem>>
        %dma_wait3A_199 = tpu.memref_squeeze %dma_wait3A_198 : memref<1x128xi32, #tpu.memory_space<vmem>> -> memref<128xi32, #tpu.memory_space<vmem>>
        %dma_wait3A_200 = arith.constant 0 : i32
        %dma_wait3A_201 = arith.constant 0 : i32
        %dma_wait3A_202 = tpu.memref_slice %arg11[%dma_wait3A_200, %dma_wait3A_201] : memref<10112x128xf32, #tpu.memory_space<vmem_shared>> -> memref<10112x128xf32, #tpu.memory_space<vmem_shared>>
        tpu.wait_indirect_dma semaphore(%run_scoped3A_190 : memref<!tpu.dma_semaphore, #tpu.memory_space<semaphore_mem>>) src(%arg9 : memref<128x128xf32, #tpu.memory_space<vmem>>) dst(%dma_wait3A_202 : memref<10112x128xf32, #tpu.memory_space<vmem_shared>>)
        tpu.yield
      }) : () -> ()
      %dma_start3A_92 = arith.constant 2 : i32
      %dma_start3A_93 = arith.constant 0 : i32
      %dma_start3A_94 = tpu.memref_slice %arg7[%dma_start3A_92, %dma_start3A_93] : memref<8x128xi32, #tpu.memory_space<vmem>> -> memref<1x128xi32, #tpu.memory_space<vmem>>
      %dma_start3A_95 = tpu.memref_squeeze %dma_start3A_94 : memref<1x128xi32, #tpu.memory_space<vmem>> -> memref<128xi32, #tpu.memory_space<vmem>>
      %dma_start3A_96 = arith.constant 0 : i32
      %dma_start3A_97 = arith.constant 0 : i32
      %dma_start3A_98 = tpu.memref_slice %arg2[%dma_start3A_96, %dma_start3A_97] : memref<20000x128xf32, #tpu.memory_space<hbm>> -> memref<20000x128xf32, #tpu.memory_space<hbm>>
      tpu.enqueue_indirect_dma source(%dma_start3A_98 : memref<20000x128xf32, #tpu.memory_space<hbm>>) target(%arg9 : memref<128x128xf32, #tpu.memory_space<vmem>>) offsets(%dma_start3A_95 : memref<128xi32, #tpu.memory_space<vmem>>) semaphore(%arg12 : memref<!tpu.dma_semaphore, #tpu.memory_space<semaphore_mem>>)
      %dma_wait3A_99 = arith.constant 1 : i32
      %dma_wait3A_100 = arith.constant 0 : i32
      %dma_wait3A_101 = tpu.memref_slice %arg7[%dma_wait3A_99, %dma_wait3A_100] : memref<8x128xi32, #tpu.memory_space<vmem>> -> memref<1x128xi32, #tpu.memory_space<vmem>>
      %dma_wait3A_102 = tpu.memref_squeeze %dma_wait3A_101 : memref<1x128xi32, #tpu.memory_space<vmem>> -> memref<128xi32, #tpu.memory_space<vmem>>
      %dma_wait3A_103 = arith.constant 0 : i32
      %dma_wait3A_104 = arith.constant 0 : i32
      %dma_wait3A_105 = tpu.memref_slice %arg2[%dma_wait3A_103, %dma_wait3A_104] : memref<20000x128xf32, #tpu.memory_space<hbm>> -> memref<20000x128xf32, #tpu.memory_space<hbm>>
      tpu.wait_indirect_dma semaphore(%arg13 : memref<!tpu.dma_semaphore, #tpu.memory_space<semaphore_mem>>) src(%dma_wait3A_105 : memref<20000x128xf32, #tpu.memory_space<hbm>>) dst(%arg10 : memref<128x128xf32, #tpu.memory_space<vmem>>)
      %run_scoped3A_106 = arith.constant 1 : i32
      "tpu.region"() ({
        %run_scoped3A_190 = tpu.sem_alloc : memref<!tpu.dma_semaphore, #tpu.memory_space<semaphore_mem>>
        %dma_start3A_191 = arith.constant 0 : i32
        %dma_start3A_192 = tpu.memref_slice %arg8[%run_scoped3A_106, %dma_start3A_191] : memref<8x128xi32, #tpu.memory_space<vmem>> -> memref<1x128xi32, #tpu.memory_space<vmem>>
        %dma_start3A_193 = tpu.memref_squeeze %dma_start3A_192 : memref<1x128xi32, #tpu.memory_space<vmem>> -> memref<128xi32, #tpu.memory_space<vmem>>
        %dma_start3A_194 = arith.constant 0 : i32
        %dma_start3A_195 = arith.constant 0 : i32
        %dma_start3A_196 = tpu.memref_slice %arg11[%dma_start3A_194, %dma_start3A_195] : memref<10112x128xf32, #tpu.memory_space<vmem_shared>> -> memref<10112x128xf32, #tpu.memory_space<vmem_shared>>
        tpu.enqueue_indirect_dma source(%arg10 : memref<128x128xf32, #tpu.memory_space<vmem>>) target(%dma_start3A_196 : memref<10112x128xf32, #tpu.memory_space<vmem_shared>>) offsets(%dma_start3A_193 : memref<128xi32, #tpu.memory_space<vmem>>) semaphore(%run_scoped3A_190 : memref<!tpu.dma_semaphore, #tpu.memory_space<semaphore_mem>>) {add = true}
        %dma_wait3A_197 = arith.constant 0 : i32
        %dma_wait3A_198 = tpu.memref_slice %arg8[%run_scoped3A_106, %dma_wait3A_197] : memref<8x128xi32, #tpu.memory_space<vmem>> -> memref<1x128xi32, #tpu.memory_space<vmem>>
        %dma_wait3A_199 = tpu.memref_squeeze %dma_wait3A_198 : memref<1x128xi32, #tpu.memory_space<vmem>> -> memref<128xi32, #tpu.memory_space<vmem>>
        %dma_wait3A_200 = arith.constant 0 : i32
        %dma_wait3A_201 = arith.constant 0 : i32
        %dma_wait3A_202 = tpu.memref_slice %arg11[%dma_wait3A_200, %dma_wait3A_201] : memref<10112x128xf32, #tpu.memory_space<vmem_shared>> -> memref<10112x128xf32, #tpu.memory_space<vmem_shared>>
        tpu.wait_indirect_dma semaphore(%run_scoped3A_190 : memref<!tpu.dma_semaphore, #tpu.memory_space<semaphore_mem>>) src(%arg10 : memref<128x128xf32, #tpu.memory_space<vmem>>) dst(%dma_wait3A_202 : memref<10112x128xf32, #tpu.memory_space<vmem_shared>>)
        tpu.yield
      }) : () -> ()
      %dma_start3A_107 = arith.constant 3 : i32
      %dma_start3A_108 = arith.constant 0 : i32
      %dma_start3A_109 = tpu.memref_slice %arg7[%dma_start3A_107, %dma_start3A_108] : memref<8x128xi32, #tpu.memory_space<vmem>> -> memref<1x128xi32, #tpu.memory_space<vmem>>
      %dma_start3A_110 = tpu.memref_squeeze %dma_start3A_109 : memref<1x128xi32, #tpu.memory_space<vmem>> -> memref<128xi32, #tpu.memory_space<vmem>>
      %dma_start3A_111 = arith.constant 0 : i32
      %dma_start3A_112 = arith.constant 0 : i32
      %dma_start3A_113 = tpu.memref_slice %arg2[%dma_start3A_111, %dma_start3A_112] : memref<20000x128xf32, #tpu.memory_space<hbm>> -> memref<20000x128xf32, #tpu.memory_space<hbm>>
      tpu.enqueue_indirect_dma source(%dma_start3A_113 : memref<20000x128xf32, #tpu.memory_space<hbm>>) target(%arg10 : memref<128x128xf32, #tpu.memory_space<vmem>>) offsets(%dma_start3A_110 : memref<128xi32, #tpu.memory_space<vmem>>) semaphore(%arg13 : memref<!tpu.dma_semaphore, #tpu.memory_space<semaphore_mem>>)
      %dma_wait3A_114 = arith.constant 2 : i32
      %dma_wait3A_115 = arith.constant 0 : i32
      %dma_wait3A_116 = tpu.memref_slice %arg7[%dma_wait3A_114, %dma_wait3A_115] : memref<8x128xi32, #tpu.memory_space<vmem>> -> memref<1x128xi32, #tpu.memory_space<vmem>>
      %dma_wait3A_117 = tpu.memref_squeeze %dma_wait3A_116 : memref<1x128xi32, #tpu.memory_space<vmem>> -> memref<128xi32, #tpu.memory_space<vmem>>
      %dma_wait3A_118 = arith.constant 0 : i32
      %dma_wait3A_119 = arith.constant 0 : i32
      %dma_wait3A_120 = tpu.memref_slice %arg2[%dma_wait3A_118, %dma_wait3A_119] : memref<20000x128xf32, #tpu.memory_space<hbm>> -> memref<20000x128xf32, #tpu.memory_space<hbm>>
      tpu.wait_indirect_dma semaphore(%arg12 : memref<!tpu.dma_semaphore, #tpu.memory_space<semaphore_mem>>) src(%dma_wait3A_120 : memref<20000x128xf32, #tpu.memory_space<hbm>>) dst(%arg9 : memref<128x128xf32, #tpu.memory_space<vmem>>)
      %run_scoped3A_121 = arith.constant 2 : i32
      "tpu.region"() ({
        %run_scoped3A_190 = tpu.sem_alloc : memref<!tpu.dma_semaphore, #tpu.memory_space<semaphore_mem>>
        %dma_start3A_191 = arith.constant 0 : i32
        %dma_start3A_192 = tpu.memref_slice %arg8[%run_scoped3A_121, %dma_start3A_191] : memref<8x128xi32, #tpu.memory_space<vmem>> -> memref<1x128xi32, #tpu.memory_space<vmem>>
        %dma_start3A_193 = tpu.memref_squeeze %dma_start3A_192 : memref<1x128xi32, #tpu.memory_space<vmem>> -> memref<128xi32, #tpu.memory_space<vmem>>
        %dma_start3A_194 = arith.constant 0 : i32
        %dma_start3A_195 = arith.constant 0 : i32
        %dma_start3A_196 = tpu.memref_slice %arg11[%dma_start3A_194, %dma_start3A_195] : memref<10112x128xf32, #tpu.memory_space<vmem_shared>> -> memref<10112x128xf32, #tpu.memory_space<vmem_shared>>
        tpu.enqueue_indirect_dma source(%arg9 : memref<128x128xf32, #tpu.memory_space<vmem>>) target(%dma_start3A_196 : memref<10112x128xf32, #tpu.memory_space<vmem_shared>>) offsets(%dma_start3A_193 : memref<128xi32, #tpu.memory_space<vmem>>) semaphore(%run_scoped3A_190 : memref<!tpu.dma_semaphore, #tpu.memory_space<semaphore_mem>>) {add = true}
        %dma_wait3A_197 = arith.constant 0 : i32
        %dma_wait3A_198 = tpu.memref_slice %arg8[%run_scoped3A_121, %dma_wait3A_197] : memref<8x128xi32, #tpu.memory_space<vmem>> -> memref<1x128xi32, #tpu.memory_space<vmem>>
        %dma_wait3A_199 = tpu.memref_squeeze %dma_wait3A_198 : memref<1x128xi32, #tpu.memory_space<vmem>> -> memref<128xi32, #tpu.memory_space<vmem>>
        %dma_wait3A_200 = arith.constant 0 : i32
        %dma_wait3A_201 = arith.constant 0 : i32
        %dma_wait3A_202 = tpu.memref_slice %arg11[%dma_wait3A_200, %dma_wait3A_201] : memref<10112x128xf32, #tpu.memory_space<vmem_shared>> -> memref<10112x128xf32, #tpu.memory_space<vmem_shared>>
        tpu.wait_indirect_dma semaphore(%run_scoped3A_190 : memref<!tpu.dma_semaphore, #tpu.memory_space<semaphore_mem>>) src(%arg9 : memref<128x128xf32, #tpu.memory_space<vmem>>) dst(%dma_wait3A_202 : memref<10112x128xf32, #tpu.memory_space<vmem_shared>>)
        tpu.yield
      }) : () -> ()
      %dma_start3A_122 = arith.constant 4 : i32
      %dma_start3A_123 = arith.constant 0 : i32
      %dma_start3A_124 = tpu.memref_slice %arg7[%dma_start3A_122, %dma_start3A_123] : memref<8x128xi32, #tpu.memory_space<vmem>> -> memref<1x128xi32, #tpu.memory_space<vmem>>
      %dma_start3A_125 = tpu.memref_squeeze %dma_start3A_124 : memref<1x128xi32, #tpu.memory_space<vmem>> -> memref<128xi32, #tpu.memory_space<vmem>>
      %dma_start3A_126 = arith.constant 0 : i32
      %dma_start3A_127 = arith.constant 0 : i32
      %dma_start3A_128 = tpu.memref_slice %arg2[%dma_start3A_126, %dma_start3A_127] : memref<20000x128xf32, #tpu.memory_space<hbm>> -> memref<20000x128xf32, #tpu.memory_space<hbm>>
      tpu.enqueue_indirect_dma source(%dma_start3A_128 : memref<20000x128xf32, #tpu.memory_space<hbm>>) target(%arg9 : memref<128x128xf32, #tpu.memory_space<vmem>>) offsets(%dma_start3A_125 : memref<128xi32, #tpu.memory_space<vmem>>) semaphore(%arg12 : memref<!tpu.dma_semaphore, #tpu.memory_space<semaphore_mem>>)
      %dma_wait3A_129 = arith.constant 3 : i32
      %dma_wait3A_130 = arith.constant 0 : i32
      %dma_wait3A_131 = tpu.memref_slice %arg7[%dma_wait3A_129, %dma_wait3A_130] : memref<8x128xi32, #tpu.memory_space<vmem>> -> memref<1x128xi32, #tpu.memory_space<vmem>>
      %dma_wait3A_132 = tpu.memref_squeeze %dma_wait3A_131 : memref<1x128xi32, #tpu.memory_space<vmem>> -> memref<128xi32, #tpu.memory_space<vmem>>
      %dma_wait3A_133 = arith.constant 0 : i32
      %dma_wait3A_134 = arith.constant 0 : i32
      %dma_wait3A_135 = tpu.memref_slice %arg2[%dma_wait3A_133, %dma_wait3A_134] : memref<20000x128xf32, #tpu.memory_space<hbm>> -> memref<20000x128xf32, #tpu.memory_space<hbm>>
      tpu.wait_indirect_dma semaphore(%arg13 : memref<!tpu.dma_semaphore, #tpu.memory_space<semaphore_mem>>) src(%dma_wait3A_135 : memref<20000x128xf32, #tpu.memory_space<hbm>>) dst(%arg10 : memref<128x128xf32, #tpu.memory_space<vmem>>)
      %run_scoped3A_136 = arith.constant 3 : i32
      "tpu.region"() ({
        %run_scoped3A_190 = tpu.sem_alloc : memref<!tpu.dma_semaphore, #tpu.memory_space<semaphore_mem>>
        %dma_start3A_191 = arith.constant 0 : i32
        %dma_start3A_192 = tpu.memref_slice %arg8[%run_scoped3A_136, %dma_start3A_191] : memref<8x128xi32, #tpu.memory_space<vmem>> -> memref<1x128xi32, #tpu.memory_space<vmem>>
        %dma_start3A_193 = tpu.memref_squeeze %dma_start3A_192 : memref<1x128xi32, #tpu.memory_space<vmem>> -> memref<128xi32, #tpu.memory_space<vmem>>
        %dma_start3A_194 = arith.constant 0 : i32
        %dma_start3A_195 = arith.constant 0 : i32
        %dma_start3A_196 = tpu.memref_slice %arg11[%dma_start3A_194, %dma_start3A_195] : memref<10112x128xf32, #tpu.memory_space<vmem_shared>> -> memref<10112x128xf32, #tpu.memory_space<vmem_shared>>
        tpu.enqueue_indirect_dma source(%arg10 : memref<128x128xf32, #tpu.memory_space<vmem>>) target(%dma_start3A_196 : memref<10112x128xf32, #tpu.memory_space<vmem_shared>>) offsets(%dma_start3A_193 : memref<128xi32, #tpu.memory_space<vmem>>) semaphore(%run_scoped3A_190 : memref<!tpu.dma_semaphore, #tpu.memory_space<semaphore_mem>>) {add = true}
        %dma_wait3A_197 = arith.constant 0 : i32
        %dma_wait3A_198 = tpu.memref_slice %arg8[%run_scoped3A_136, %dma_wait3A_197] : memref<8x128xi32, #tpu.memory_space<vmem>> -> memref<1x128xi32, #tpu.memory_space<vmem>>
        %dma_wait3A_199 = tpu.memref_squeeze %dma_wait3A_198 : memref<1x128xi32, #tpu.memory_space<vmem>> -> memref<128xi32, #tpu.memory_space<vmem>>
        %dma_wait3A_200 = arith.constant 0 : i32
        %dma_wait3A_201 = arith.constant 0 : i32
        %dma_wait3A_202 = tpu.memref_slice %arg11[%dma_wait3A_200, %dma_wait3A_201] : memref<10112x128xf32, #tpu.memory_space<vmem_shared>> -> memref<10112x128xf32, #tpu.memory_space<vmem_shared>>
        tpu.wait_indirect_dma semaphore(%run_scoped3A_190 : memref<!tpu.dma_semaphore, #tpu.memory_space<semaphore_mem>>) src(%arg10 : memref<128x128xf32, #tpu.memory_space<vmem>>) dst(%dma_wait3A_202 : memref<10112x128xf32, #tpu.memory_space<vmem_shared>>)
        tpu.yield
      }) : () -> ()
      %dma_start3A_137 = arith.constant 5 : i32
      %dma_start3A_138 = arith.constant 0 : i32
      %dma_start3A_139 = tpu.memref_slice %arg7[%dma_start3A_137, %dma_start3A_138] : memref<8x128xi32, #tpu.memory_space<vmem>> -> memref<1x128xi32, #tpu.memory_space<vmem>>
      %dma_start3A_140 = tpu.memref_squeeze %dma_start3A_139 : memref<1x128xi32, #tpu.memory_space<vmem>> -> memref<128xi32, #tpu.memory_space<vmem>>
      %dma_start3A_141 = arith.constant 0 : i32
      %dma_start3A_142 = arith.constant 0 : i32
      %dma_start3A_143 = tpu.memref_slice %arg2[%dma_start3A_141, %dma_start3A_142] : memref<20000x128xf32, #tpu.memory_space<hbm>> -> memref<20000x128xf32, #tpu.memory_space<hbm>>
      tpu.enqueue_indirect_dma source(%dma_start3A_143 : memref<20000x128xf32, #tpu.memory_space<hbm>>) target(%arg10 : memref<128x128xf32, #tpu.memory_space<vmem>>) offsets(%dma_start3A_140 : memref<128xi32, #tpu.memory_space<vmem>>) semaphore(%arg13 : memref<!tpu.dma_semaphore, #tpu.memory_space<semaphore_mem>>)
      %dma_wait3A_144 = arith.constant 4 : i32
      %dma_wait3A_145 = arith.constant 0 : i32
      %dma_wait3A_146 = tpu.memref_slice %arg7[%dma_wait3A_144, %dma_wait3A_145] : memref<8x128xi32, #tpu.memory_space<vmem>> -> memref<1x128xi32, #tpu.memory_space<vmem>>
      %dma_wait3A_147 = tpu.memref_squeeze %dma_wait3A_146 : memref<1x128xi32, #tpu.memory_space<vmem>> -> memref<128xi32, #tpu.memory_space<vmem>>
      %dma_wait3A_148 = arith.constant 0 : i32
      %dma_wait3A_149 = arith.constant 0 : i32
      %dma_wait3A_150 = tpu.memref_slice %arg2[%dma_wait3A_148, %dma_wait3A_149] : memref<20000x128xf32, #tpu.memory_space<hbm>> -> memref<20000x128xf32, #tpu.memory_space<hbm>>
      tpu.wait_indirect_dma semaphore(%arg12 : memref<!tpu.dma_semaphore, #tpu.memory_space<semaphore_mem>>) src(%dma_wait3A_150 : memref<20000x128xf32, #tpu.memory_space<hbm>>) dst(%arg9 : memref<128x128xf32, #tpu.memory_space<vmem>>)
      %run_scoped3A_151 = arith.constant 4 : i32
      "tpu.region"() ({
        %run_scoped3A_190 = tpu.sem_alloc : memref<!tpu.dma_semaphore, #tpu.memory_space<semaphore_mem>>
        %dma_start3A_191 = arith.constant 0 : i32
        %dma_start3A_192 = tpu.memref_slice %arg8[%run_scoped3A_151, %dma_start3A_191] : memref<8x128xi32, #tpu.memory_space<vmem>> -> memref<1x128xi32, #tpu.memory_space<vmem>>
        %dma_start3A_193 = tpu.memref_squeeze %dma_start3A_192 : memref<1x128xi32, #tpu.memory_space<vmem>> -> memref<128xi32, #tpu.memory_space<vmem>>
        %dma_start3A_194 = arith.constant 0 : i32
        %dma_start3A_195 = arith.constant 0 : i32
        %dma_start3A_196 = tpu.memref_slice %arg11[%dma_start3A_194, %dma_start3A_195] : memref<10112x128xf32, #tpu.memory_space<vmem_shared>> -> memref<10112x128xf32, #tpu.memory_space<vmem_shared>>
        tpu.enqueue_indirect_dma source(%arg9 : memref<128x128xf32, #tpu.memory_space<vmem>>) target(%dma_start3A_196 : memref<10112x128xf32, #tpu.memory_space<vmem_shared>>) offsets(%dma_start3A_193 : memref<128xi32, #tpu.memory_space<vmem>>) semaphore(%run_scoped3A_190 : memref<!tpu.dma_semaphore, #tpu.memory_space<semaphore_mem>>) {add = true}
        %dma_wait3A_197 = arith.constant 0 : i32
        %dma_wait3A_198 = tpu.memref_slice %arg8[%run_scoped3A_151, %dma_wait3A_197] : memref<8x128xi32, #tpu.memory_space<vmem>> -> memref<1x128xi32, #tpu.memory_space<vmem>>
        %dma_wait3A_199 = tpu.memref_squeeze %dma_wait3A_198 : memref<1x128xi32, #tpu.memory_space<vmem>> -> memref<128xi32, #tpu.memory_space<vmem>>
        %dma_wait3A_200 = arith.constant 0 : i32
        %dma_wait3A_201 = arith.constant 0 : i32
        %dma_wait3A_202 = tpu.memref_slice %arg11[%dma_wait3A_200, %dma_wait3A_201] : memref<10112x128xf32, #tpu.memory_space<vmem_shared>> -> memref<10112x128xf32, #tpu.memory_space<vmem_shared>>
        tpu.wait_indirect_dma semaphore(%run_scoped3A_190 : memref<!tpu.dma_semaphore, #tpu.memory_space<semaphore_mem>>) src(%arg9 : memref<128x128xf32, #tpu.memory_space<vmem>>) dst(%dma_wait3A_202 : memref<10112x128xf32, #tpu.memory_space<vmem_shared>>)
        tpu.yield
      }) : () -> ()
      %dma_start3A_152 = arith.constant 6 : i32
      %dma_start3A_153 = arith.constant 0 : i32
      %dma_start3A_154 = tpu.memref_slice %arg7[%dma_start3A_152, %dma_start3A_153] : memref<8x128xi32, #tpu.memory_space<vmem>> -> memref<1x128xi32, #tpu.memory_space<vmem>>
      %dma_start3A_155 = tpu.memref_squeeze %dma_start3A_154 : memref<1x128xi32, #tpu.memory_space<vmem>> -> memref<128xi32, #tpu.memory_space<vmem>>
      %dma_start3A_156 = arith.constant 0 : i32
      %dma_start3A_157 = arith.constant 0 : i32
      %dma_start3A_158 = tpu.memref_slice %arg2[%dma_start3A_156, %dma_start3A_157] : memref<20000x128xf32, #tpu.memory_space<hbm>> -> memref<20000x128xf32, #tpu.memory_space<hbm>>
      tpu.enqueue_indirect_dma source(%dma_start3A_158 : memref<20000x128xf32, #tpu.memory_space<hbm>>) target(%arg9 : memref<128x128xf32, #tpu.memory_space<vmem>>) offsets(%dma_start3A_155 : memref<128xi32, #tpu.memory_space<vmem>>) semaphore(%arg12 : memref<!tpu.dma_semaphore, #tpu.memory_space<semaphore_mem>>)
      %dma_wait3A_159 = arith.constant 5 : i32
      %dma_wait3A_160 = arith.constant 0 : i32
      %dma_wait3A_161 = tpu.memref_slice %arg7[%dma_wait3A_159, %dma_wait3A_160] : memref<8x128xi32, #tpu.memory_space<vmem>> -> memref<1x128xi32, #tpu.memory_space<vmem>>
      %dma_wait3A_162 = tpu.memref_squeeze %dma_wait3A_161 : memref<1x128xi32, #tpu.memory_space<vmem>> -> memref<128xi32, #tpu.memory_space<vmem>>
      %dma_wait3A_163 = arith.constant 0 : i32
      %dma_wait3A_164 = arith.constant 0 : i32
      %dma_wait3A_165 = tpu.memref_slice %arg2[%dma_wait3A_163, %dma_wait3A_164] : memref<20000x128xf32, #tpu.memory_space<hbm>> -> memref<20000x128xf32, #tpu.memory_space<hbm>>
      tpu.wait_indirect_dma semaphore(%arg13 : memref<!tpu.dma_semaphore, #tpu.memory_space<semaphore_mem>>) src(%dma_wait3A_165 : memref<20000x128xf32, #tpu.memory_space<hbm>>) dst(%arg10 : memref<128x128xf32, #tpu.memory_space<vmem>>)
      %run_scoped3A_166 = arith.constant 5 : i32
      "tpu.region"() ({
        %run_scoped3A_190 = tpu.sem_alloc : memref<!tpu.dma_semaphore, #tpu.memory_space<semaphore_mem>>
        %dma_start3A_191 = arith.constant 0 : i32
        %dma_start3A_192 = tpu.memref_slice %arg8[%run_scoped3A_166, %dma_start3A_191] : memref<8x128xi32, #tpu.memory_space<vmem>> -> memref<1x128xi32, #tpu.memory_space<vmem>>
        %dma_start3A_193 = tpu.memref_squeeze %dma_start3A_192 : memref<1x128xi32, #tpu.memory_space<vmem>> -> memref<128xi32, #tpu.memory_space<vmem>>
        %dma_start3A_194 = arith.constant 0 : i32
        %dma_start3A_195 = arith.constant 0 : i32
        %dma_start3A_196 = tpu.memref_slice %arg11[%dma_start3A_194, %dma_start3A_195] : memref<10112x128xf32, #tpu.memory_space<vmem_shared>> -> memref<10112x128xf32, #tpu.memory_space<vmem_shared>>
        tpu.enqueue_indirect_dma source(%arg10 : memref<128x128xf32, #tpu.memory_space<vmem>>) target(%dma_start3A_196 : memref<10112x128xf32, #tpu.memory_space<vmem_shared>>) offsets(%dma_start3A_193 : memref<128xi32, #tpu.memory_space<vmem>>) semaphore(%run_scoped3A_190 : memref<!tpu.dma_semaphore, #tpu.memory_space<semaphore_mem>>) {add = true}
        %dma_wait3A_197 = arith.constant 0 : i32
        %dma_wait3A_198 = tpu.memref_slice %arg8[%run_scoped3A_166, %dma_wait3A_197] : memref<8x128xi32, #tpu.memory_space<vmem>> -> memref<1x128xi32, #tpu.memory_space<vmem>>
        %dma_wait3A_199 = tpu.memref_squeeze %dma_wait3A_198 : memref<1x128xi32, #tpu.memory_space<vmem>> -> memref<128xi32, #tpu.memory_space<vmem>>
        %dma_wait3A_200 = arith.constant 0 : i32
        %dma_wait3A_201 = arith.constant 0 : i32
        %dma_wait3A_202 = tpu.memref_slice %arg11[%dma_wait3A_200, %dma_wait3A_201] : memref<10112x128xf32, #tpu.memory_space<vmem_shared>> -> memref<10112x128xf32, #tpu.memory_space<vmem_shared>>
        tpu.wait_indirect_dma semaphore(%run_scoped3A_190 : memref<!tpu.dma_semaphore, #tpu.memory_space<semaphore_mem>>) src(%arg10 : memref<128x128xf32, #tpu.memory_space<vmem>>) dst(%dma_wait3A_202 : memref<10112x128xf32, #tpu.memory_space<vmem_shared>>)
        tpu.yield
      }) : () -> ()
      %dma_start3A_167 = arith.constant 7 : i32
      %dma_start3A_168 = arith.constant 0 : i32
      %dma_start3A_169 = tpu.memref_slice %arg7[%dma_start3A_167, %dma_start3A_168] : memref<8x128xi32, #tpu.memory_space<vmem>> -> memref<1x128xi32, #tpu.memory_space<vmem>>
      %dma_start3A_170 = tpu.memref_squeeze %dma_start3A_169 : memref<1x128xi32, #tpu.memory_space<vmem>> -> memref<128xi32, #tpu.memory_space<vmem>>
      %dma_start3A_171 = arith.constant 0 : i32
      %dma_start3A_172 = arith.constant 0 : i32
      %dma_start3A_173 = tpu.memref_slice %arg2[%dma_start3A_171, %dma_start3A_172] : memref<20000x128xf32, #tpu.memory_space<hbm>> -> memref<20000x128xf32, #tpu.memory_space<hbm>>
      tpu.enqueue_indirect_dma source(%dma_start3A_173 : memref<20000x128xf32, #tpu.memory_space<hbm>>) target(%arg10 : memref<128x128xf32, #tpu.memory_space<vmem>>) offsets(%dma_start3A_170 : memref<128xi32, #tpu.memory_space<vmem>>) semaphore(%arg13 : memref<!tpu.dma_semaphore, #tpu.memory_space<semaphore_mem>>)
      %dma_wait3A_174 = arith.constant 6 : i32
      %dma_wait3A_175 = arith.constant 0 : i32
      %dma_wait3A_176 = tpu.memref_slice %arg7[%dma_wait3A_174, %dma_wait3A_175] : memref<8x128xi32, #tpu.memory_space<vmem>> -> memref<1x128xi32, #tpu.memory_space<vmem>>
      %dma_wait3A_177 = tpu.memref_squeeze %dma_wait3A_176 : memref<1x128xi32, #tpu.memory_space<vmem>> -> memref<128xi32, #tpu.memory_space<vmem>>
      %dma_wait3A_178 = arith.constant 0 : i32
      %dma_wait3A_179 = arith.constant 0 : i32
      %dma_wait3A_180 = tpu.memref_slice %arg2[%dma_wait3A_178, %dma_wait3A_179] : memref<20000x128xf32, #tpu.memory_space<hbm>> -> memref<20000x128xf32, #tpu.memory_space<hbm>>
      tpu.wait_indirect_dma semaphore(%arg12 : memref<!tpu.dma_semaphore, #tpu.memory_space<semaphore_mem>>) src(%dma_wait3A_180 : memref<20000x128xf32, #tpu.memory_space<hbm>>) dst(%arg9 : memref<128x128xf32, #tpu.memory_space<vmem>>)
      %run_scoped3A_181 = arith.constant 6 : i32
      "tpu.region"() ({
        %run_scoped3A_190 = tpu.sem_alloc : memref<!tpu.dma_semaphore, #tpu.memory_space<semaphore_mem>>
        %dma_start3A_191 = arith.constant 0 : i32
        %dma_start3A_192 = tpu.memref_slice %arg8[%run_scoped3A_181, %dma_start3A_191] : memref<8x128xi32, #tpu.memory_space<vmem>> -> memref<1x128xi32, #tpu.memory_space<vmem>>
        %dma_start3A_193 = tpu.memref_squeeze %dma_start3A_192 : memref<1x128xi32, #tpu.memory_space<vmem>> -> memref<128xi32, #tpu.memory_space<vmem>>
        %dma_start3A_194 = arith.constant 0 : i32
        %dma_start3A_195 = arith.constant 0 : i32
        %dma_start3A_196 = tpu.memref_slice %arg11[%dma_start3A_194, %dma_start3A_195] : memref<10112x128xf32, #tpu.memory_space<vmem_shared>> -> memref<10112x128xf32, #tpu.memory_space<vmem_shared>>
        tpu.enqueue_indirect_dma source(%arg9 : memref<128x128xf32, #tpu.memory_space<vmem>>) target(%dma_start3A_196 : memref<10112x128xf32, #tpu.memory_space<vmem_shared>>) offsets(%dma_start3A_193 : memref<128xi32, #tpu.memory_space<vmem>>) semaphore(%run_scoped3A_190 : memref<!tpu.dma_semaphore, #tpu.memory_space<semaphore_mem>>) {add = true}
        %dma_wait3A_197 = arith.constant 0 : i32
        %dma_wait3A_198 = tpu.memref_slice %arg8[%run_scoped3A_181, %dma_wait3A_197] : memref<8x128xi32, #tpu.memory_space<vmem>> -> memref<1x128xi32, #tpu.memory_space<vmem>>
        %dma_wait3A_199 = tpu.memref_squeeze %dma_wait3A_198 : memref<1x128xi32, #tpu.memory_space<vmem>> -> memref<128xi32, #tpu.memory_space<vmem>>
        %dma_wait3A_200 = arith.constant 0 : i32
        %dma_wait3A_201 = arith.constant 0 : i32
        %dma_wait3A_202 = tpu.memref_slice %arg11[%dma_wait3A_200, %dma_wait3A_201] : memref<10112x128xf32, #tpu.memory_space<vmem_shared>> -> memref<10112x128xf32, #tpu.memory_space<vmem_shared>>
        tpu.wait_indirect_dma semaphore(%run_scoped3A_190 : memref<!tpu.dma_semaphore, #tpu.memory_space<semaphore_mem>>) src(%arg9 : memref<128x128xf32, #tpu.memory_space<vmem>>) dst(%dma_wait3A_202 : memref<10112x128xf32, #tpu.memory_space<vmem_shared>>)
        tpu.yield
      }) : () -> ()
      %dma_wait3A_182 = arith.constant 7 : i32
      %dma_wait3A_183 = arith.constant 0 : i32
      %dma_wait3A_184 = tpu.memref_slice %arg7[%dma_wait3A_182, %dma_wait3A_183] : memref<8x128xi32, #tpu.memory_space<vmem>> -> memref<1x128xi32, #tpu.memory_space<vmem>>
      %dma_wait3A_185 = tpu.memref_squeeze %dma_wait3A_184 : memref<1x128xi32, #tpu.memory_space<vmem>> -> memref<128xi32, #tpu.memory_space<vmem>>
      %dma_wait3A_186 = arith.constant 0 : i32
      %dma_wait3A_187 = arith.constant 0 : i32
      %dma_wait3A_188 = tpu.memref_slice %arg2[%dma_wait3A_186, %dma_wait3A_187] : memref<20000x128xf32, #tpu.memory_space<hbm>> -> memref<20000x128xf32, #tpu.memory_space<hbm>>
      tpu.wait_indirect_dma semaphore(%arg13 : memref<!tpu.dma_semaphore, #tpu.memory_space<semaphore_mem>>) src(%dma_wait3A_188 : memref<20000x128xf32, #tpu.memory_space<hbm>>) dst(%arg10 : memref<128x128xf32, #tpu.memory_space<vmem>>)
      %run_scoped3A_189 = arith.constant 7 : i32
      "tpu.region"() ({
        %run_scoped3A_190 = tpu.sem_alloc : memref<!tpu.dma_semaphore, #tpu.memory_space<semaphore_mem>>
        %dma_start3A_191 = arith.constant 0 : i32
        %dma_start3A_192 = tpu.memref_slice %arg8[%run_scoped3A_189, %dma_start3A_191] : memref<8x128xi32, #tpu.memory_space<vmem>> -> memref<1x128xi32, #tpu.memory_space<vmem>>
        %dma_start3A_193 = tpu.memref_squeeze %dma_start3A_192 : memref<1x128xi32, #tpu.memory_space<vmem>> -> memref<128xi32, #tpu.memory_space<vmem>>
        %dma_start3A_194 = arith.constant 0 : i32
        %dma_start3A_195 = arith.constant 0 : i32
        %dma_start3A_196 = tpu.memref_slice %arg11[%dma_start3A_194, %dma_start3A_195] : memref<10112x128xf32, #tpu.memory_space<vmem_shared>> -> memref<10112x128xf32, #tpu.memory_space<vmem_shared>>
        tpu.enqueue_indirect_dma source(%arg10 : memref<128x128xf32, #tpu.memory_space<vmem>>) target(%dma_start3A_196 : memref<10112x128xf32, #tpu.memory_space<vmem_shared>>) offsets(%dma_start3A_193 : memref<128xi32, #tpu.memory_space<vmem>>) semaphore(%run_scoped3A_190 : memref<!tpu.dma_semaphore, #tpu.memory_space<semaphore_mem>>) {add = true}
        %dma_wait3A_197 = arith.constant 0 : i32
        %dma_wait3A_198 = tpu.memref_slice %arg8[%run_scoped3A_189, %dma_wait3A_197] : memref<8x128xi32, #tpu.memory_space<vmem>> -> memref<1x128xi32, #tpu.memory_space<vmem>>
        %dma_wait3A_199 = tpu.memref_squeeze %dma_wait3A_198 : memref<1x128xi32, #tpu.memory_space<vmem>> -> memref<128xi32, #tpu.memory_space<vmem>>
        %dma_wait3A_200 = arith.constant 0 : i32
        %dma_wait3A_201 = arith.constant 0 : i32
        %dma_wait3A_202 = tpu.memref_slice %arg11[%dma_wait3A_200, %dma_wait3A_201] : memref<10112x128xf32, #tpu.memory_space<vmem_shared>> -> memref<10112x128xf32, #tpu.memory_space<vmem_shared>>
        tpu.wait_indirect_dma semaphore(%run_scoped3A_190 : memref<!tpu.dma_semaphore, #tpu.memory_space<semaphore_mem>>) src(%arg10 : memref<128x128xf32, #tpu.memory_space<vmem>>) dst(%dma_wait3A_202 : memref<10112x128xf32, #tpu.memory_space<vmem_shared>>)
        tpu.yield
      }) : () -> ()
    }
    %scan3A_27 = arith.constant 10 : i32
    %barrier3A_28 = arith.constant 0 : index
    tpu.barrier barrier_id(%barrier3A_28)
    %mul3A_29 = arith.constant 632 : i32
    %mul3A_30 = arith.muli %arg1, %mul3A_29 : i32
    %add3A_31 = arith.constant 0 : i32
    %add3A_32 = arith.addi %mul3A_30, %add3A_31 : i32
    "tpu.region"() ({
      %run_scoped3A = tpu.sem_alloc : memref<!tpu.dma_semaphore, #tpu.memory_space<semaphore_mem>>
      %dma_start3A = arith.constant 0 : i32
      %dma_start3A_69 = arith.constant 0 : i32
      %dma_start3A_70 = tpu.memref_slice %arg9[%dma_start3A, %dma_start3A_69] : memref<128x128xf32, #tpu.memory_space<vmem>> -> memref<128x128xf32, #tpu.memory_space<vmem>>
      %dma_start3A_71 = arith.constant 0 : i32
      %dma_start3A_72 = tpu.memref_slice %arg11[%add3A_32, %dma_start3A_71] : memref<10112x128xf32, #tpu.memory_space<vmem_shared>> -> memref<128x128xf32, #tpu.memory_space<vmem_shared>>
      %dma_start3A_73 = arith.constant 0 : i32
      %dma_start3A_74 = arith.constant 0 : i32
      %dma_start3A_75 = tpu.memref_slice %arg9[%dma_start3A_73, %dma_start3A_74] : memref<128x128xf32, #tpu.memory_space<vmem>> -> memref<128x128xf32, #tpu.memory_space<vmem>>
      %dma_start3A_76 = arith.constant 0 : i32
      %dma_start3A_77 = tpu.memref_slice %arg11[%add3A_32, %dma_start3A_76] : memref<10112x128xf32, #tpu.memory_space<vmem_shared>> -> memref<128x128xf32, #tpu.memory_space<vmem_shared>>
      tpu.enqueue_dma source(%dma_start3A_77 : memref<128x128xf32, #tpu.memory_space<vmem_shared>>) target(%dma_start3A_75 : memref<128x128xf32, #tpu.memory_space<vmem>>) target_semaphore(%run_scoped3A : memref<!tpu.dma_semaphore, #tpu.memory_space<semaphore_mem>>)
      %dma_wait3A = arith.constant 0 : i32
      %dma_wait3A_78 = arith.constant 0 : i32
      %dma_wait3A_79 = tpu.memref_slice %arg9[%dma_wait3A, %dma_wait3A_78] : memref<128x128xf32, #tpu.memory_space<vmem>> -> memref<128x128xf32, #tpu.memory_space<vmem>>
      %dma_wait3A_80 = arith.constant 0 : i32
      %dma_wait3A_81 = tpu.memref_slice %arg11[%add3A_32, %dma_wait3A_80] : memref<10112x128xf32, #tpu.memory_space<vmem_shared>> -> memref<128x128xf32, #tpu.memory_space<vmem_shared>>
      %dma_wait3A_82 = arith.constant 0 : i32
      %dma_wait3A_83 = arith.constant 0 : i32
      %dma_wait3A_84 = tpu.memref_slice %arg9[%dma_wait3A_82, %dma_wait3A_83] : memref<128x128xf32, #tpu.memory_space<vmem>> -> memref<128x128xf32, #tpu.memory_space<vmem>>
      %dma_wait3A_85 = arith.constant 0 : i32
      %dma_wait3A_86 = tpu.memref_slice %arg11[%add3A_32, %dma_wait3A_85] : memref<10112x128xf32, #tpu.memory_space<vmem_shared>> -> memref<128x128xf32, #tpu.memory_space<vmem_shared>>
      tpu.wait_dma2 semaphore(%run_scoped3A : memref<!tpu.dma_semaphore, #tpu.memory_space<semaphore_mem>>) src(%dma_wait3A_86 : memref<128x128xf32, #tpu.memory_space<vmem_shared>>) dst(%dma_wait3A_84 : memref<128x128xf32, #tpu.memory_space<vmem>>)
      tpu.yield
    }) : () -> ()
    %mul3A_33 = arith.constant 632 : i32
    %mul3A_34 = arith.muli %arg1, %mul3A_33 : i32
    %add3A_35 = arith.constant 0 : i32
    %add3A_36 = arith.addi %mul3A_34, %add3A_35 : i32
    "tpu.region"() ({
      %run_scoped3A = tpu.sem_alloc : memref<!tpu.dma_semaphore, #tpu.memory_space<semaphore_mem>>
      %dma_start3A = arith.constant 0 : i32
      %dma_start3A_69 = arith.constant 0 : i32
      %dma_start3A_70 = tpu.memref_slice %arg9[%dma_start3A, %dma_start3A_69] : memref<128x128xf32, #tpu.memory_space<vmem>> -> memref<128x128xf32, #tpu.memory_space<vmem>>
      %dma_start3A_71 = arith.constant 0 : i32
      %dma_start3A_72 = tpu.memref_slice %arg6[%arg0, %add3A_36, %dma_start3A_71] : memref<2x10112x128xf32, #tpu.memory_space<hbm>> -> memref<1x128x128xf32, #tpu.memory_space<hbm>>
      %dma_start3A_73 = tpu.memref_squeeze %dma_start3A_72 : memref<1x128x128xf32, #tpu.memory_space<hbm>> -> memref<128x128xf32, #tpu.memory_space<hbm>>
      %dma_start3A_74 = arith.constant 0 : i32
      %dma_start3A_75 = tpu.memref_slice %arg6[%arg0, %add3A_36, %dma_start3A_74] : memref<2x10112x128xf32, #tpu.memory_space<hbm>> -> memref<1x128x128xf32, #tpu.memory_space<hbm>>
      %dma_start3A_76 = tpu.memref_squeeze %dma_start3A_75 : memref<1x128x128xf32, #tpu.memory_space<hbm>> -> memref<128x128xf32, #tpu.memory_space<hbm>>
      %dma_start3A_77 = arith.constant 0 : i32
      %dma_start3A_78 = arith.constant 0 : i32
      %dma_start3A_79 = tpu.memref_slice %arg9[%dma_start3A_77, %dma_start3A_78] : memref<128x128xf32, #tpu.memory_space<vmem>> -> memref<128x128xf32, #tpu.memory_space<vmem>>
      tpu.enqueue_dma source(%dma_start3A_79 : memref<128x128xf32, #tpu.memory_space<vmem>>) target(%dma_start3A_76 : memref<128x128xf32, #tpu.memory_space<hbm>>) target_semaphore(%run_scoped3A : memref<!tpu.dma_semaphore, #tpu.memory_space<semaphore_mem>>)
      %dma_wait3A = arith.constant 0 : i32
      %dma_wait3A_80 = arith.constant 0 : i32
      %dma_wait3A_81 = tpu.memref_slice %arg9[%dma_wait3A, %dma_wait3A_80] : memref<128x128xf32, #tpu.memory_space<vmem>> -> memref<128x128xf32, #tpu.memory_space<vmem>>
      %dma_wait3A_82 = arith.constant 0 : i32
      %dma_wait3A_83 = tpu.memref_slice %arg6[%arg0, %add3A_36, %dma_wait3A_82] : memref<2x10112x128xf32, #tpu.memory_space<hbm>> -> memref<1x128x128xf32, #tpu.memory_space<hbm>>
      %dma_wait3A_84 = tpu.memref_squeeze %dma_wait3A_83 : memref<1x128x128xf32, #tpu.memory_space<hbm>> -> memref<128x128xf32, #tpu.memory_space<hbm>>
      %dma_wait3A_85 = arith.constant 0 : i32
      %dma_wait3A_86 = tpu.memref_slice %arg6[%arg0, %add3A_36, %dma_wait3A_85] : memref<2x10112x128xf32, #tpu.memory_space<hbm>> -> memref<1x128x128xf32, #tpu.memory_space<hbm>>
      %dma_wait3A_87 = tpu.memref_squeeze %dma_wait3A_86 : memref<1x128x128xf32, #tpu.memory_space<hbm>> -> memref<128x128xf32, #tpu.memory_space<hbm>>
      %dma_wait3A_88 = arith.constant 0 : i32
      %dma_wait3A_89 = arith.constant 0 : i32
      %dma_wait3A_90 = tpu.memref_slice %arg9[%dma_wait3A_88, %dma_wait3A_89] : memref<128x128xf32, #tpu.memory_space<vmem>> -> memref<128x128xf32, #tpu.memory_space<vmem>>
      tpu.wait_dma2 semaphore(%run_scoped3A : memref<!tpu.dma_semaphore, #tpu.memory_space<semaphore_mem>>) src(%dma_wait3A_90 : memref<128x128xf32, #tpu.memory_space<vmem>>) dst(%dma_wait3A_87 : memref<128x128xf32, #tpu.memory_space<hbm>>)
      tpu.yield
    }) : () -> ()
    %mul3A_37 = arith.constant 632 : i32
    %mul3A_38 = arith.muli %arg1, %mul3A_37 : i32
    %add3A_39 = arith.constant 128 : i32
    %add3A_40 = arith.addi %mul3A_38, %add3A_39 : i32
    "tpu.region"() ({
      %run_scoped3A = tpu.sem_alloc : memref<!tpu.dma_semaphore, #tpu.memory_space<semaphore_mem>>
      %dma_start3A = arith.constant 0 : i32
      %dma_start3A_69 = arith.constant 0 : i32
      %dma_start3A_70 = tpu.memref_slice %arg9[%dma_start3A, %dma_start3A_69] : memref<128x128xf32, #tpu.memory_space<vmem>> -> memref<128x128xf32, #tpu.memory_space<vmem>>
      %dma_start3A_71 = arith.constant 0 : i32
      %dma_start3A_72 = tpu.memref_slice %arg11[%add3A_40, %dma_start3A_71] : memref<10112x128xf32, #tpu.memory_space<vmem_shared>> -> memref<128x128xf32, #tpu.memory_space<vmem_shared>>
      %dma_start3A_73 = arith.constant 0 : i32
      %dma_start3A_74 = arith.constant 0 : i32
      %dma_start3A_75 = tpu.memref_slice %arg9[%dma_start3A_73, %dma_start3A_74] : memref<128x128xf32, #tpu.memory_space<vmem>> -> memref<128x128xf32, #tpu.memory_space<vmem>>
      %dma_start3A_76 = arith.constant 0 : i32
      %dma_start3A_77 = tpu.memref_slice %arg11[%add3A_40, %dma_start3A_76] : memref<10112x128xf32, #tpu.memory_space<vmem_shared>> -> memref<128x128xf32, #tpu.memory_space<vmem_shared>>
      tpu.enqueue_dma source(%dma_start3A_77 : memref<128x128xf32, #tpu.memory_space<vmem_shared>>) target(%dma_start3A_75 : memref<128x128xf32, #tpu.memory_space<vmem>>) target_semaphore(%run_scoped3A : memref<!tpu.dma_semaphore, #tpu.memory_space<semaphore_mem>>)
      %dma_wait3A = arith.constant 0 : i32
      %dma_wait3A_78 = arith.constant 0 : i32
      %dma_wait3A_79 = tpu.memref_slice %arg9[%dma_wait3A, %dma_wait3A_78] : memref<128x128xf32, #tpu.memory_space<vmem>> -> memref<128x128xf32, #tpu.memory_space<vmem>>
      %dma_wait3A_80 = arith.constant 0 : i32
      %dma_wait3A_81 = tpu.memref_slice %arg11[%add3A_40, %dma_wait3A_80] : memref<10112x128xf32, #tpu.memory_space<vmem_shared>> -> memref<128x128xf32, #tpu.memory_space<vmem_shared>>
      %dma_wait3A_82 = arith.constant 0 : i32
      %dma_wait3A_83 = arith.constant 0 : i32
      %dma_wait3A_84 = tpu.memref_slice %arg9[%dma_wait3A_82, %dma_wait3A_83] : memref<128x128xf32, #tpu.memory_space<vmem>> -> memref<128x128xf32, #tpu.memory_space<vmem>>
      %dma_wait3A_85 = arith.constant 0 : i32
      %dma_wait3A_86 = tpu.memref_slice %arg11[%add3A_40, %dma_wait3A_85] : memref<10112x128xf32, #tpu.memory_space<vmem_shared>> -> memref<128x128xf32, #tpu.memory_space<vmem_shared>>
      tpu.wait_dma2 semaphore(%run_scoped3A : memref<!tpu.dma_semaphore, #tpu.memory_space<semaphore_mem>>) src(%dma_wait3A_86 : memref<128x128xf32, #tpu.memory_space<vmem_shared>>) dst(%dma_wait3A_84 : memref<128x128xf32, #tpu.memory_space<vmem>>)
      tpu.yield
    }) : () -> ()
    %mul3A_41 = arith.constant 632 : i32
    %mul3A_42 = arith.muli %arg1, %mul3A_41 : i32
    %add3A_43 = arith.constant 128 : i32
    %add3A_44 = arith.addi %mul3A_42, %add3A_43 : i32
    "tpu.region"() ({
      %run_scoped3A = tpu.sem_alloc : memref<!tpu.dma_semaphore, #tpu.memory_space<semaphore_mem>>
      %dma_start3A = arith.constant 0 : i32
      %dma_start3A_69 = arith.constant 0 : i32
      %dma_start3A_70 = tpu.memref_slice %arg9[%dma_start3A, %dma_start3A_69] : memref<128x128xf32, #tpu.memory_space<vmem>> -> memref<128x128xf32, #tpu.memory_space<vmem>>
      %dma_start3A_71 = arith.constant 0 : i32
      %dma_start3A_72 = tpu.memref_slice %arg6[%arg0, %add3A_44, %dma_start3A_71] : memref<2x10112x128xf32, #tpu.memory_space<hbm>> -> memref<1x128x128xf32, #tpu.memory_space<hbm>>
      %dma_start3A_73 = tpu.memref_squeeze %dma_start3A_72 : memref<1x128x128xf32, #tpu.memory_space<hbm>> -> memref<128x128xf32, #tpu.memory_space<hbm>>
      %dma_start3A_74 = arith.constant 0 : i32
      %dma_start3A_75 = tpu.memref_slice %arg6[%arg0, %add3A_44, %dma_start3A_74] : memref<2x10112x128xf32, #tpu.memory_space<hbm>> -> memref<1x128x128xf32, #tpu.memory_space<hbm>>
      %dma_start3A_76 = tpu.memref_squeeze %dma_start3A_75 : memref<1x128x128xf32, #tpu.memory_space<hbm>> -> memref<128x128xf32, #tpu.memory_space<hbm>>
      %dma_start3A_77 = arith.constant 0 : i32
      %dma_start3A_78 = arith.constant 0 : i32
      %dma_start3A_79 = tpu.memref_slice %arg9[%dma_start3A_77, %dma_start3A_78] : memref<128x128xf32, #tpu.memory_space<vmem>> -> memref<128x128xf32, #tpu.memory_space<vmem>>
      tpu.enqueue_dma source(%dma_start3A_79 : memref<128x128xf32, #tpu.memory_space<vmem>>) target(%dma_start3A_76 : memref<128x128xf32, #tpu.memory_space<hbm>>) target_semaphore(%run_scoped3A : memref<!tpu.dma_semaphore, #tpu.memory_space<semaphore_mem>>)
      %dma_wait3A = arith.constant 0 : i32
      %dma_wait3A_80 = arith.constant 0 : i32
      %dma_wait3A_81 = tpu.memref_slice %arg9[%dma_wait3A, %dma_wait3A_80] : memref<128x128xf32, #tpu.memory_space<vmem>> -> memref<128x128xf32, #tpu.memory_space<vmem>>
      %dma_wait3A_82 = arith.constant 0 : i32
      %dma_wait3A_83 = tpu.memref_slice %arg6[%arg0, %add3A_44, %dma_wait3A_82] : memref<2x10112x128xf32, #tpu.memory_space<hbm>> -> memref<1x128x128xf32, #tpu.memory_space<hbm>>
      %dma_wait3A_84 = tpu.memref_squeeze %dma_wait3A_83 : memref<1x128x128xf32, #tpu.memory_space<hbm>> -> memref<128x128xf32, #tpu.memory_space<hbm>>
      %dma_wait3A_85 = arith.constant 0 : i32
      %dma_wait3A_86 = tpu.memref_slice %arg6[%arg0, %add3A_44, %dma_wait3A_85] : memref<2x10112x128xf32, #tpu.memory_space<hbm>> -> memref<1x128x128xf32, #tpu.memory_space<hbm>>
      %dma_wait3A_87 = tpu.memref_squeeze %dma_wait3A_86 : memref<1x128x128xf32, #tpu.memory_space<hbm>> -> memref<128x128xf32, #tpu.memory_space<hbm>>
      %dma_wait3A_88 = arith.constant 0 : i32
      %dma_wait3A_89 = arith.constant 0 : i32
      %dma_wait3A_90 = tpu.memref_slice %arg9[%dma_wait3A_88, %dma_wait3A_89] : memref<128x128xf32, #tpu.memory_space<vmem>> -> memref<128x128xf32, #tpu.memory_space<vmem>>
      tpu.wait_dma2 semaphore(%run_scoped3A : memref<!tpu.dma_semaphore, #tpu.memory_space<semaphore_mem>>) src(%dma_wait3A_90 : memref<128x128xf32, #tpu.memory_space<vmem>>) dst(%dma_wait3A_87 : memref<128x128xf32, #tpu.memory_space<hbm>>)
      tpu.yield
    }) : () -> ()
    %mul3A_45 = arith.constant 632 : i32
    %mul3A_46 = arith.muli %arg1, %mul3A_45 : i32
    %add3A_47 = arith.constant 256 : i32
    %add3A_48 = arith.addi %mul3A_46, %add3A_47 : i32
    "tpu.region"() ({
      %run_scoped3A = tpu.sem_alloc : memref<!tpu.dma_semaphore, #tpu.memory_space<semaphore_mem>>
      %dma_start3A = arith.constant 0 : i32
      %dma_start3A_69 = arith.constant 0 : i32
      %dma_start3A_70 = tpu.memref_slice %arg9[%dma_start3A, %dma_start3A_69] : memref<128x128xf32, #tpu.memory_space<vmem>> -> memref<128x128xf32, #tpu.memory_space<vmem>>
      %dma_start3A_71 = arith.constant 0 : i32
      %dma_start3A_72 = tpu.memref_slice %arg11[%add3A_48, %dma_start3A_71] : memref<10112x128xf32, #tpu.memory_space<vmem_shared>> -> memref<128x128xf32, #tpu.memory_space<vmem_shared>>
      %dma_start3A_73 = arith.constant 0 : i32
      %dma_start3A_74 = arith.constant 0 : i32
      %dma_start3A_75 = tpu.memref_slice %arg9[%dma_start3A_73, %dma_start3A_74] : memref<128x128xf32, #tpu.memory_space<vmem>> -> memref<128x128xf32, #tpu.memory_space<vmem>>
      %dma_start3A_76 = arith.constant 0 : i32
      %dma_start3A_77 = tpu.memref_slice %arg11[%add3A_48, %dma_start3A_76] : memref<10112x128xf32, #tpu.memory_space<vmem_shared>> -> memref<128x128xf32, #tpu.memory_space<vmem_shared>>
      tpu.enqueue_dma source(%dma_start3A_77 : memref<128x128xf32, #tpu.memory_space<vmem_shared>>) target(%dma_start3A_75 : memref<128x128xf32, #tpu.memory_space<vmem>>) target_semaphore(%run_scoped3A : memref<!tpu.dma_semaphore, #tpu.memory_space<semaphore_mem>>)
      %dma_wait3A = arith.constant 0 : i32
      %dma_wait3A_78 = arith.constant 0 : i32
      %dma_wait3A_79 = tpu.memref_slice %arg9[%dma_wait3A, %dma_wait3A_78] : memref<128x128xf32, #tpu.memory_space<vmem>> -> memref<128x128xf32, #tpu.memory_space<vmem>>
      %dma_wait3A_80 = arith.constant 0 : i32
      %dma_wait3A_81 = tpu.memref_slice %arg11[%add3A_48, %dma_wait3A_80] : memref<10112x128xf32, #tpu.memory_space<vmem_shared>> -> memref<128x128xf32, #tpu.memory_space<vmem_shared>>
      %dma_wait3A_82 = arith.constant 0 : i32
      %dma_wait3A_83 = arith.constant 0 : i32
      %dma_wait3A_84 = tpu.memref_slice %arg9[%dma_wait3A_82, %dma_wait3A_83] : memref<128x128xf32, #tpu.memory_space<vmem>> -> memref<128x128xf32, #tpu.memory_space<vmem>>
      %dma_wait3A_85 = arith.constant 0 : i32
      %dma_wait3A_86 = tpu.memref_slice %arg11[%add3A_48, %dma_wait3A_85] : memref<10112x128xf32, #tpu.memory_space<vmem_shared>> -> memref<128x128xf32, #tpu.memory_space<vmem_shared>>
      tpu.wait_dma2 semaphore(%run_scoped3A : memref<!tpu.dma_semaphore, #tpu.memory_space<semaphore_mem>>) src(%dma_wait3A_86 : memref<128x128xf32, #tpu.memory_space<vmem_shared>>) dst(%dma_wait3A_84 : memref<128x128xf32, #tpu.memory_space<vmem>>)
      tpu.yield
    }) : () -> ()
    %mul3A_49 = arith.constant 632 : i32
    %mul3A_50 = arith.muli %arg1, %mul3A_49 : i32
    %add3A_51 = arith.constant 256 : i32
    %add3A_52 = arith.addi %mul3A_50, %add3A_51 : i32
    "tpu.region"() ({
      %run_scoped3A = tpu.sem_alloc : memref<!tpu.dma_semaphore, #tpu.memory_space<semaphore_mem>>
      %dma_start3A = arith.constant 0 : i32
      %dma_start3A_69 = arith.constant 0 : i32
      %dma_start3A_70 = tpu.memref_slice %arg9[%dma_start3A, %dma_start3A_69] : memref<128x128xf32, #tpu.memory_space<vmem>> -> memref<128x128xf32, #tpu.memory_space<vmem>>
      %dma_start3A_71 = arith.constant 0 : i32
      %dma_start3A_72 = tpu.memref_slice %arg6[%arg0, %add3A_52, %dma_start3A_71] : memref<2x10112x128xf32, #tpu.memory_space<hbm>> -> memref<1x128x128xf32, #tpu.memory_space<hbm>>
      %dma_start3A_73 = tpu.memref_squeeze %dma_start3A_72 : memref<1x128x128xf32, #tpu.memory_space<hbm>> -> memref<128x128xf32, #tpu.memory_space<hbm>>
      %dma_start3A_74 = arith.constant 0 : i32
      %dma_start3A_75 = tpu.memref_slice %arg6[%arg0, %add3A_52, %dma_start3A_74] : memref<2x10112x128xf32, #tpu.memory_space<hbm>> -> memref<1x128x128xf32, #tpu.memory_space<hbm>>
      %dma_start3A_76 = tpu.memref_squeeze %dma_start3A_75 : memref<1x128x128xf32, #tpu.memory_space<hbm>> -> memref<128x128xf32, #tpu.memory_space<hbm>>
      %dma_start3A_77 = arith.constant 0 : i32
      %dma_start3A_78 = arith.constant 0 : i32
      %dma_start3A_79 = tpu.memref_slice %arg9[%dma_start3A_77, %dma_start3A_78] : memref<128x128xf32, #tpu.memory_space<vmem>> -> memref<128x128xf32, #tpu.memory_space<vmem>>
      tpu.enqueue_dma source(%dma_start3A_79 : memref<128x128xf32, #tpu.memory_space<vmem>>) target(%dma_start3A_76 : memref<128x128xf32, #tpu.memory_space<hbm>>) target_semaphore(%run_scoped3A : memref<!tpu.dma_semaphore, #tpu.memory_space<semaphore_mem>>)
      %dma_wait3A = arith.constant 0 : i32
      %dma_wait3A_80 = arith.constant 0 : i32
      %dma_wait3A_81 = tpu.memref_slice %arg9[%dma_wait3A, %dma_wait3A_80] : memref<128x128xf32, #tpu.memory_space<vmem>> -> memref<128x128xf32, #tpu.memory_space<vmem>>
      %dma_wait3A_82 = arith.constant 0 : i32
      %dma_wait3A_83 = tpu.memref_slice %arg6[%arg0, %add3A_52, %dma_wait3A_82] : memref<2x10112x128xf32, #tpu.memory_space<hbm>> -> memref<1x128x128xf32, #tpu.memory_space<hbm>>
      %dma_wait3A_84 = tpu.memref_squeeze %dma_wait3A_83 : memref<1x128x128xf32, #tpu.memory_space<hbm>> -> memref<128x128xf32, #tpu.memory_space<hbm>>
      %dma_wait3A_85 = arith.constant 0 : i32
      %dma_wait3A_86 = tpu.memref_slice %arg6[%arg0, %add3A_52, %dma_wait3A_85] : memref<2x10112x128xf32, #tpu.memory_space<hbm>> -> memref<1x128x128xf32, #tpu.memory_space<hbm>>
      %dma_wait3A_87 = tpu.memref_squeeze %dma_wait3A_86 : memref<1x128x128xf32, #tpu.memory_space<hbm>> -> memref<128x128xf32, #tpu.memory_space<hbm>>
      %dma_wait3A_88 = arith.constant 0 : i32
      %dma_wait3A_89 = arith.constant 0 : i32
      %dma_wait3A_90 = tpu.memref_slice %arg9[%dma_wait3A_88, %dma_wait3A_89] : memref<128x128xf32, #tpu.memory_space<vmem>> -> memref<128x128xf32, #tpu.memory_space<vmem>>
      tpu.wait_dma2 semaphore(%run_scoped3A : memref<!tpu.dma_semaphore, #tpu.memory_space<semaphore_mem>>) src(%dma_wait3A_90 : memref<128x128xf32, #tpu.memory_space<vmem>>) dst(%dma_wait3A_87 : memref<128x128xf32, #tpu.memory_space<hbm>>)
      tpu.yield
    }) : () -> ()
    %mul3A_53 = arith.constant 632 : i32
    %mul3A_54 = arith.muli %arg1, %mul3A_53 : i32
    %add3A_55 = arith.constant 384 : i32
    %add3A_56 = arith.addi %mul3A_54, %add3A_55 : i32
    "tpu.region"() ({
      %run_scoped3A = tpu.sem_alloc : memref<!tpu.dma_semaphore, #tpu.memory_space<semaphore_mem>>
      %dma_start3A = arith.constant 0 : i32
      %dma_start3A_69 = arith.constant 0 : i32
      %dma_start3A_70 = tpu.memref_slice %arg9[%dma_start3A, %dma_start3A_69] : memref<128x128xf32, #tpu.memory_space<vmem>> -> memref<128x128xf32, #tpu.memory_space<vmem>>
      %dma_start3A_71 = arith.constant 0 : i32
      %dma_start3A_72 = tpu.memref_slice %arg11[%add3A_56, %dma_start3A_71] : memref<10112x128xf32, #tpu.memory_space<vmem_shared>> -> memref<128x128xf32, #tpu.memory_space<vmem_shared>>
      %dma_start3A_73 = arith.constant 0 : i32
      %dma_start3A_74 = arith.constant 0 : i32
      %dma_start3A_75 = tpu.memref_slice %arg9[%dma_start3A_73, %dma_start3A_74] : memref<128x128xf32, #tpu.memory_space<vmem>> -> memref<128x128xf32, #tpu.memory_space<vmem>>
      %dma_start3A_76 = arith.constant 0 : i32
      %dma_start3A_77 = tpu.memref_slice %arg11[%add3A_56, %dma_start3A_76] : memref<10112x128xf32, #tpu.memory_space<vmem_shared>> -> memref<128x128xf32, #tpu.memory_space<vmem_shared>>
      tpu.enqueue_dma source(%dma_start3A_77 : memref<128x128xf32, #tpu.memory_space<vmem_shared>>) target(%dma_start3A_75 : memref<128x128xf32, #tpu.memory_space<vmem>>) target_semaphore(%run_scoped3A : memref<!tpu.dma_semaphore, #tpu.memory_space<semaphore_mem>>)
      %dma_wait3A = arith.constant 0 : i32
      %dma_wait3A_78 = arith.constant 0 : i32
      %dma_wait3A_79 = tpu.memref_slice %arg9[%dma_wait3A, %dma_wait3A_78] : memref<128x128xf32, #tpu.memory_space<vmem>> -> memref<128x128xf32, #tpu.memory_space<vmem>>
      %dma_wait3A_80 = arith.constant 0 : i32
      %dma_wait3A_81 = tpu.memref_slice %arg11[%add3A_56, %dma_wait3A_80] : memref<10112x128xf32, #tpu.memory_space<vmem_shared>> -> memref<128x128xf32, #tpu.memory_space<vmem_shared>>
      %dma_wait3A_82 = arith.constant 0 : i32
      %dma_wait3A_83 = arith.constant 0 : i32
      %dma_wait3A_84 = tpu.memref_slice %arg9[%dma_wait3A_82, %dma_wait3A_83] : memref<128x128xf32, #tpu.memory_space<vmem>> -> memref<128x128xf32, #tpu.memory_space<vmem>>
      %dma_wait3A_85 = arith.constant 0 : i32
      %dma_wait3A_86 = tpu.memref_slice %arg11[%add3A_56, %dma_wait3A_85] : memref<10112x128xf32, #tpu.memory_space<vmem_shared>> -> memref<128x128xf32, #tpu.memory_space<vmem_shared>>
      tpu.wait_dma2 semaphore(%run_scoped3A : memref<!tpu.dma_semaphore, #tpu.memory_space<semaphore_mem>>) src(%dma_wait3A_86 : memref<128x128xf32, #tpu.memory_space<vmem_shared>>) dst(%dma_wait3A_84 : memref<128x128xf32, #tpu.memory_space<vmem>>)
      tpu.yield
    }) : () -> ()
    %mul3A_57 = arith.constant 632 : i32
    %mul3A_58 = arith.muli %arg1, %mul3A_57 : i32
    %add3A_59 = arith.constant 384 : i32
    %add3A_60 = arith.addi %mul3A_58, %add3A_59 : i32
    "tpu.region"() ({
      %run_scoped3A = tpu.sem_alloc : memref<!tpu.dma_semaphore, #tpu.memory_space<semaphore_mem>>
      %dma_start3A = arith.constant 0 : i32
      %dma_start3A_69 = arith.constant 0 : i32
      %dma_start3A_70 = tpu.memref_slice %arg9[%dma_start3A, %dma_start3A_69] : memref<128x128xf32, #tpu.memory_space<vmem>> -> memref<128x128xf32, #tpu.memory_space<vmem>>
      %dma_start3A_71 = arith.constant 0 : i32
      %dma_start3A_72 = tpu.memref_slice %arg6[%arg0, %add3A_60, %dma_start3A_71] : memref<2x10112x128xf32, #tpu.memory_space<hbm>> -> memref<1x128x128xf32, #tpu.memory_space<hbm>>
      %dma_start3A_73 = tpu.memref_squeeze %dma_start3A_72 : memref<1x128x128xf32, #tpu.memory_space<hbm>> -> memref<128x128xf32, #tpu.memory_space<hbm>>
      %dma_start3A_74 = arith.constant 0 : i32
      %dma_start3A_75 = tpu.memref_slice %arg6[%arg0, %add3A_60, %dma_start3A_74] : memref<2x10112x128xf32, #tpu.memory_space<hbm>> -> memref<1x128x128xf32, #tpu.memory_space<hbm>>
      %dma_start3A_76 = tpu.memref_squeeze %dma_start3A_75 : memref<1x128x128xf32, #tpu.memory_space<hbm>> -> memref<128x128xf32, #tpu.memory_space<hbm>>
      %dma_start3A_77 = arith.constant 0 : i32
      %dma_start3A_78 = arith.constant 0 : i32
      %dma_start3A_79 = tpu.memref_slice %arg9[%dma_start3A_77, %dma_start3A_78] : memref<128x128xf32, #tpu.memory_space<vmem>> -> memref<128x128xf32, #tpu.memory_space<vmem>>
      tpu.enqueue_dma source(%dma_start3A_79 : memref<128x128xf32, #tpu.memory_space<vmem>>) target(%dma_start3A_76 : memref<128x128xf32, #tpu.memory_space<hbm>>) target_semaphore(%run_scoped3A : memref<!tpu.dma_semaphore, #tpu.memory_space<semaphore_mem>>)
      %dma_wait3A = arith.constant 0 : i32
      %dma_wait3A_80 = arith.constant 0 : i32
      %dma_wait3A_81 = tpu.memref_slice %arg9[%dma_wait3A, %dma_wait3A_80] : memref<128x128xf32, #tpu.memory_space<vmem>> -> memref<128x128xf32, #tpu.memory_space<vmem>>
      %dma_wait3A_82 = arith.constant 0 : i32
      %dma_wait3A_83 = tpu.memref_slice %arg6[%arg0, %add3A_60, %dma_wait3A_82] : memref<2x10112x128xf32, #tpu.memory_space<hbm>> -> memref<1x128x128xf32, #tpu.memory_space<hbm>>
      %dma_wait3A_84 = tpu.memref_squeeze %dma_wait3A_83 : memref<1x128x128xf32, #tpu.memory_space<hbm>> -> memref<128x128xf32, #tpu.memory_space<hbm>>
      %dma_wait3A_85 = arith.constant 0 : i32
      %dma_wait3A_86 = tpu.memref_slice %arg6[%arg0, %add3A_60, %dma_wait3A_85] : memref<2x10112x128xf32, #tpu.memory_space<hbm>> -> memref<1x128x128xf32, #tpu.memory_space<hbm>>
      %dma_wait3A_87 = tpu.memref_squeeze %dma_wait3A_86 : memref<1x128x128xf32, #tpu.memory_space<hbm>> -> memref<128x128xf32, #tpu.memory_space<hbm>>
      %dma_wait3A_88 = arith.constant 0 : i32
      %dma_wait3A_89 = arith.constant 0 : i32
      %dma_wait3A_90 = tpu.memref_slice %arg9[%dma_wait3A_88, %dma_wait3A_89] : memref<128x128xf32, #tpu.memory_space<vmem>> -> memref<128x128xf32, #tpu.memory_space<vmem>>
      tpu.wait_dma2 semaphore(%run_scoped3A : memref<!tpu.dma_semaphore, #tpu.memory_space<semaphore_mem>>) src(%dma_wait3A_90 : memref<128x128xf32, #tpu.memory_space<vmem>>) dst(%dma_wait3A_87 : memref<128x128xf32, #tpu.memory_space<hbm>>)
      tpu.yield
    }) : () -> ()
    %mul3A_61 = arith.constant 632 : i32
    %mul3A_62 = arith.muli %arg1, %mul3A_61 : i32
    %add3A_63 = arith.constant 512 : i32
    %add3A_64 = arith.addi %mul3A_62, %add3A_63 : i32
    "tpu.region"() ({
      %run_scoped3A = tpu.sem_alloc : memref<!tpu.dma_semaphore, #tpu.memory_space<semaphore_mem>>
      %dma_start3A = arith.constant 0 : i32
      %dma_start3A_69 = arith.constant 0 : i32
      %dma_start3A_70 = tpu.memref_slice %arg9[%dma_start3A, %dma_start3A_69] : memref<128x128xf32, #tpu.memory_space<vmem>> -> memref<120x128xf32, #tpu.memory_space<vmem>>
      %dma_start3A_71 = arith.constant 0 : i32
      %dma_start3A_72 = tpu.memref_slice %arg11[%add3A_64, %dma_start3A_71] : memref<10112x128xf32, #tpu.memory_space<vmem_shared>> -> memref<120x128xf32, #tpu.memory_space<vmem_shared>>
      %dma_start3A_73 = arith.constant 0 : i32
      %dma_start3A_74 = arith.constant 0 : i32
      %dma_start3A_75 = tpu.memref_slice %arg9[%dma_start3A_73, %dma_start3A_74] : memref<128x128xf32, #tpu.memory_space<vmem>> -> memref<120x128xf32, #tpu.memory_space<vmem>>
      %dma_start3A_76 = arith.constant 0 : i32
      %dma_start3A_77 = tpu.memref_slice %arg11[%add3A_64, %dma_start3A_76] : memref<10112x128xf32, #tpu.memory_space<vmem_shared>> -> memref<120x128xf32, #tpu.memory_space<vmem_shared>>
      tpu.enqueue_dma source(%dma_start3A_77 : memref<120x128xf32, #tpu.memory_space<vmem_shared>>) target(%dma_start3A_75 : memref<120x128xf32, #tpu.memory_space<vmem>>) target_semaphore(%run_scoped3A : memref<!tpu.dma_semaphore, #tpu.memory_space<semaphore_mem>>)
      %dma_wait3A = arith.constant 0 : i32
      %dma_wait3A_78 = arith.constant 0 : i32
      %dma_wait3A_79 = tpu.memref_slice %arg9[%dma_wait3A, %dma_wait3A_78] : memref<128x128xf32, #tpu.memory_space<vmem>> -> memref<120x128xf32, #tpu.memory_space<vmem>>
      %dma_wait3A_80 = arith.constant 0 : i32
      %dma_wait3A_81 = tpu.memref_slice %arg11[%add3A_64, %dma_wait3A_80] : memref<10112x128xf32, #tpu.memory_space<vmem_shared>> -> memref<120x128xf32, #tpu.memory_space<vmem_shared>>
      %dma_wait3A_82 = arith.constant 0 : i32
      %dma_wait3A_83 = arith.constant 0 : i32
      %dma_wait3A_84 = tpu.memref_slice %arg9[%dma_wait3A_82, %dma_wait3A_83] : memref<128x128xf32, #tpu.memory_space<vmem>> -> memref<120x128xf32, #tpu.memory_space<vmem>>
      %dma_wait3A_85 = arith.constant 0 : i32
      %dma_wait3A_86 = tpu.memref_slice %arg11[%add3A_64, %dma_wait3A_85] : memref<10112x128xf32, #tpu.memory_space<vmem_shared>> -> memref<120x128xf32, #tpu.memory_space<vmem_shared>>
      tpu.wait_dma2 semaphore(%run_scoped3A : memref<!tpu.dma_semaphore, #tpu.memory_space<semaphore_mem>>) src(%dma_wait3A_86 : memref<120x128xf32, #tpu.memory_space<vmem_shared>>) dst(%dma_wait3A_84 : memref<120x128xf32, #tpu.memory_space<vmem>>)
      tpu.yield
    }) : () -> ()
    %mul3A_65 = arith.constant 632 : i32
    %mul3A_66 = arith.muli %arg1, %mul3A_65 : i32
    %add3A_67 = arith.constant 512 : i32
    %add3A_68 = arith.addi %mul3A_66, %add3A_67 : i32
    "tpu.region"() ({
      %run_scoped3A = tpu.sem_alloc : memref<!tpu.dma_semaphore, #tpu.memory_space<semaphore_mem>>
      %dma_start3A = arith.constant 0 : i32
      %dma_start3A_69 = arith.constant 0 : i32
      %dma_start3A_70 = tpu.memref_slice %arg9[%dma_start3A, %dma_start3A_69] : memref<128x128xf32, #tpu.memory_space<vmem>> -> memref<120x128xf32, #tpu.memory_space<vmem>>
      %dma_start3A_71 = arith.constant 0 : i32
      %dma_start3A_72 = tpu.memref_slice %arg6[%arg0, %add3A_68, %dma_start3A_71] : memref<2x10112x128xf32, #tpu.memory_space<hbm>> -> memref<1x120x128xf32, #tpu.memory_space<hbm>>
      %dma_start3A_73 = tpu.memref_squeeze %dma_start3A_72 : memref<1x120x128xf32, #tpu.memory_space<hbm>> -> memref<120x128xf32, #tpu.memory_space<hbm>>
      %dma_start3A_74 = arith.constant 0 : i32
      %dma_start3A_75 = tpu.memref_slice %arg6[%arg0, %add3A_68, %dma_start3A_74] : memref<2x10112x128xf32, #tpu.memory_space<hbm>> -> memref<1x120x128xf32, #tpu.memory_space<hbm>>
      %dma_start3A_76 = tpu.memref_squeeze %dma_start3A_75 : memref<1x120x128xf32, #tpu.memory_space<hbm>> -> memref<120x128xf32, #tpu.memory_space<hbm>>
      %dma_start3A_77 = arith.constant 0 : i32
      %dma_start3A_78 = arith.constant 0 : i32
      %dma_start3A_79 = tpu.memref_slice %arg9[%dma_start3A_77, %dma_start3A_78] : memref<128x128xf32, #tpu.memory_space<vmem>> -> memref<120x128xf32, #tpu.memory_space<vmem>>
      tpu.enqueue_dma source(%dma_start3A_79 : memref<120x128xf32, #tpu.memory_space<vmem>>) target(%dma_start3A_76 : memref<120x128xf32, #tpu.memory_space<hbm>>) target_semaphore(%run_scoped3A : memref<!tpu.dma_semaphore, #tpu.memory_space<semaphore_mem>>)
      %dma_wait3A = arith.constant 0 : i32
      %dma_wait3A_80 = arith.constant 0 : i32
      %dma_wait3A_81 = tpu.memref_slice %arg9[%dma_wait3A, %dma_wait3A_80] : memref<128x128xf32, #tpu.memory_space<vmem>> -> memref<120x128xf32, #tpu.memory_space<vmem>>
      %dma_wait3A_82 = arith.constant 0 : i32
      %dma_wait3A_83 = tpu.memref_slice %arg6[%arg0, %add3A_68, %dma_wait3A_82] : memref<2x10112x128xf32, #tpu.memory_space<hbm>> -> memref<1x120x128xf32, #tpu.memory_space<hbm>>
      %dma_wait3A_84 = tpu.memref_squeeze %dma_wait3A_83 : memref<1x120x128xf32, #tpu.memory_space<hbm>> -> memref<120x128xf32, #tpu.memory_space<hbm>>
      %dma_wait3A_85 = arith.constant 0 : i32
      %dma_wait3A_86 = tpu.memref_slice %arg6[%arg0, %add3A_68, %dma_wait3A_85] : memref<2x10112x128xf32, #tpu.memory_space<hbm>> -> memref<1x120x128xf32, #tpu.memory_space<hbm>>
      %dma_wait3A_87 = tpu.memref_squeeze %dma_wait3A_86 : memref<1x120x128xf32, #tpu.memory_space<hbm>> -> memref<120x128xf32, #tpu.memory_space<hbm>>
      %dma_wait3A_88 = arith.constant 0 : i32
      %dma_wait3A_89 = arith.constant 0 : i32
      %dma_wait3A_90 = tpu.memref_slice %arg9[%dma_wait3A_88, %dma_wait3A_89] : memref<128x128xf32, #tpu.memory_space<vmem>> -> memref<120x128xf32, #tpu.memory_space<vmem>>
      tpu.wait_dma2 semaphore(%run_scoped3A : memref<!tpu.dma_semaphore, #tpu.memory_space<semaphore_mem>>) src(%dma_wait3A_90 : memref<120x128xf32, #tpu.memory_space<vmem>>) dst(%dma_wait3A_87 : memref<120x128xf32, #tpu.memory_space<hbm>>)
      tpu.yield
    }) : () -> ()
    return
  }
}

module attributes {stable_mosaic.version = 14 : i64} {
  func.func @_idx_body(%arg0: memref<2500x128xi32, #tpu.memory_space<vmem>>, %arg1: memref<2500x128xi32, #tpu.memory_space<vmem>>, %arg2: memref<2500x128xi32, #tpu.memory_space<vmem>>) attributes {dimension_semantics = [], scalar_prefetch = 0 : i64, scratch_operands = 0 : i64, tpu.core_type = #tpu.core_type<tc>} {
    %get3A = arith.constant 0 : index
    %get3A_0 = arith.constant 0 : index
    %get3A_1 = vector.load %arg0[%get3A, %get3A_0] : memref<2500x128xi32, #tpu.memory_space<vmem>>, vector<2500x128xi32>
    %get3A_2 = arith.constant 0 : index
    %get3A_3 = arith.constant 0 : index
    %get3A_4 = vector.load %arg1[%get3A_2, %get3A_3] : memref<2500x128xi32, #tpu.memory_space<vmem>>, vector<2500x128xi32>
    %eq3A = arith.constant 1 : i32
    %eq3A_5 = vector.broadcast %eq3A : i32 to vector<2500x128xi32>
    %eq3A_6 = arith.cmpi eq, %get3A_4, %eq3A_5 : vector<2500x128xi32>
    %convert_element_type3A = arith.extui %eq3A_6 : vector<2500x128xi1> to vector<2500x128xi32>
    %mul3A = arith.constant 10000 : i32
    %mul3A_7 = vector.broadcast %mul3A : i32 to vector<2500x128xi32>
    %mul3A_8 = arith.muli %mul3A_7, %convert_element_type3A : vector<2500x128xi32>
    %add3A = arith.addi %get3A_1, %mul3A_8 : vector<2500x128xi32>
    %swap3A = arith.constant 0 : index
    %swap3A_9 = arith.constant 0 : index
    %swap3A_10 = vector.load %arg2[%swap3A, %swap3A_9] : memref<2500x128xi32, #tpu.memory_space<vmem>>, vector<2500x128xi32>
    tpu.vector_store %arg2[%swap3A, %swap3A_9], %add3A {strides = array<i32>} : memref<2500x128xi32, #tpu.memory_space<vmem>>, vector<2500x128xi32>,
    return
  }
}

module attributes {stable_mosaic.version = 14 : i64} {
  func.func @_prep_body(%arg0: i32, %arg1: memref<1000x128xf32, #tpu.memory_space<vmem>>, %arg2: memref<128x64xf32, #tpu.memory_space<vmem>>, %arg3: memref<1x64xf32, #tpu.memory_space<vmem>>, %arg4: memref<64x64xf32, #tpu.memory_space<vmem>>, %arg5: memref<1x64xf32, #tpu.memory_space<vmem>>, %arg6: memref<64x128xf32, #tpu.memory_space<vmem>>, %arg7: memref<1x128xf32, #tpu.memory_space<vmem>>, %arg8: memref<2x1000x128xf32, #tpu.memory_space<vmem>>) attributes {dimension_semantics = [#tpu.dimension_semantics<arbitrary>], iteration_bounds = array<i64: 10>, scalar_prefetch = 0 : i64, scratch_operands = 0 : i64, tpu.core_type = #tpu.core_type<tc>, window_params = [{transform_indices = @transform_0, window_bounds = array<i64: 1000, 128>}, {pipeline_mode = #tpu.pipeline_mode<synchronous>, transform_indices = @transform_1, window_bounds = array<i64: 128, 64>}, {pipeline_mode = #tpu.pipeline_mode<synchronous>, transform_indices = @transform_2, window_bounds = array<i64: 1, 64>}, {pipeline_mode = #tpu.pipeline_mode<synchronous>, transform_indices = @transform_3, window_bounds = array<i64: 64, 64>}, {pipeline_mode = #tpu.pipeline_mode<synchronous>, transform_indices = @transform_4, window_bounds = array<i64: 1, 64>}, {pipeline_mode = #tpu.pipeline_mode<synchronous>, transform_indices = @transform_5, window_bounds = array<i64: 64, 128>}, {pipeline_mode = #tpu.pipeline_mode<synchronous>, transform_indices = @transform_6, window_bounds = array<i64: 1, 128>}, {transform_indices = @transform_7, window_bounds = array<i64: 2, 1000, 128>}]} {
    %get3A = arith.constant 0 : index
    %get3A_0 = arith.constant 0 : index
    %get3A_1 = vector.load %arg1[%get3A, %get3A_0] : memref<1000x128xf32, #tpu.memory_space<vmem>>, vector<1000x128xf32>
    %swap3A = arith.constant 0 : index
    %swap3A_2 = arith.constant 0 : index
    %swap3A_3 = arith.constant 0 : index
    %swap3A_4 = vector.load %arg8[%swap3A, %swap3A_2, %swap3A_3] : memref<2x1000x128xf32, #tpu.memory_space<vmem>>, vector<1x1000x128xf32>
    %swap3A_5 = vector.shape_cast %swap3A_4 : vector<1x1000x128xf32> to vector<1000x128xf32>
    %swap3A_6 = vector.shape_cast %get3A_1 : vector<1000x128xf32> to vector<1x1000x128xf32>
    tpu.vector_store %arg8[%swap3A, %swap3A_2, %swap3A_3], %swap3A_6 {strides = array<i32>} : memref<2x1000x128xf32, #tpu.memory_space<vmem>>, vector<1x1000x128xf32>,
    %get3A_7 = arith.constant 0 : index
    %get3A_8 = arith.constant 0 : index
    %get3A_9 = vector.load %arg2[%get3A_7, %get3A_8] : memref<128x64xf32, #tpu.memory_space<vmem>>, vector<128x64xf32>
    %get3A_10 = arith.constant 0 : index
    %get3A_11 = arith.constant 0 : index
    %get3A_12 = vector.load %arg3[%get3A_10, %get3A_11] : memref<1x64xf32, #tpu.memory_space<vmem>>, vector<1x64xf32>
    %get3A_13 = arith.constant 0 : index
    %get3A_14 = arith.constant 0 : index
    %get3A_15 = vector.load %arg4[%get3A_13, %get3A_14] : memref<64x64xf32, #tpu.memory_space<vmem>>, vector<64x64xf32>
    %get3A_16 = arith.constant 0 : index
    %get3A_17 = arith.constant 0 : index
    %get3A_18 = vector.load %arg5[%get3A_16, %get3A_17] : memref<1x64xf32, #tpu.memory_space<vmem>>, vector<1x64xf32>
    %get3A_19 = arith.constant 0 : index
    %get3A_20 = arith.constant 0 : index
    %get3A_21 = vector.load %arg6[%get3A_19, %get3A_20] : memref<64x128xf32, #tpu.memory_space<vmem>>, vector<64x128xf32>
    %get3A_22 = arith.constant 0 : index
    %get3A_23 = arith.constant 0 : index
    %get3A_24 = vector.load %arg7[%get3A_22, %get3A_23] : memref<1x128xf32, #tpu.memory_space<vmem>>, vector<1x128xf32>
    %dot_general3A = arith.constant dense<0.000000e+00> : vector<1000x64xf32>
    %dot_general3A_25 = tpu.matmul %get3A_1, %get3A_9, %dot_general3A {dimension_numbers = #tpu.dot_dimension_numbers<[1], [0], [0], [1], [0, 0, 1, 1], [], []>, transpose_lhs_hint = false} : vector<1000x128xf32>, vector<128x64xf32>, vector<1000x64xf32> -> vector<1000x64xf32>
    %add3A = vector.broadcast %get3A_12 : vector<1x64xf32> to vector<1000x64xf32>
    %add3A_26 = arith.addf %dot_general3A_25, %add3A : vector<1000x64xf32>
    %ge3A = arith.constant 0.000000e+00 : f32
    %ge3A_27 = vector.broadcast %ge3A : f32 to vector<1000x64xf32>
    %ge3A_28 = arith.cmpf oge, %add3A_26, %ge3A_27 : vector<1000x64xf32>
    %mul3A = arith.constant 0.00999999977 : f32
    %mul3A_29 = vector.broadcast %mul3A : f32 to vector<1000x64xf32>
    %mul3A_30 = arith.mulf %mul3A_29, %add3A_26 : vector<1000x64xf32>
    %select_n3A = arith.select %ge3A_28, %add3A_26, %mul3A_30 : vector<1000x64xi1>, vector<1000x64xf32>
    %dot_general3A_31 = arith.constant dense<0.000000e+00> : vector<1000x64xf32>
    %dot_general3A_32 = tpu.matmul %select_n3A, %get3A_15, %dot_general3A_31 {dimension_numbers = #tpu.dot_dimension_numbers<[1], [0], [0], [1], [0, 0, 1, 1], [], []>, transpose_lhs_hint = false} : vector<1000x64xf32>, vector<64x64xf32>, vector<1000x64xf32> -> vector<1000x64xf32>
    %add3A_33 = vector.broadcast %get3A_18 : vector<1x64xf32> to vector<1000x64xf32>
    %add3A_34 = arith.addf %dot_general3A_32, %add3A_33 : vector<1000x64xf32>
    %ge3A_35 = arith.constant 0.000000e+00 : f32
    %ge3A_36 = vector.broadcast %ge3A_35 : f32 to vector<1000x64xf32>
    %ge3A_37 = arith.cmpf oge, %add3A_34, %ge3A_36 : vector<1000x64xf32>
    %mul3A_38 = arith.constant 0.00999999977 : f32
    %mul3A_39 = vector.broadcast %mul3A_38 : f32 to vector<1000x64xf32>
    %mul3A_40 = arith.mulf %mul3A_39, %add3A_34 : vector<1000x64xf32>
    %select_n3A_41 = arith.select %ge3A_37, %add3A_34, %mul3A_40 : vector<1000x64xi1>, vector<1000x64xf32>
    %dot_general3A_42 = arith.constant dense<0.000000e+00> : vector<1000x128xf32>
    %dot_general3A_43 = tpu.matmul %select_n3A_41, %get3A_21, %dot_general3A_42 {dimension_numbers = #tpu.dot_dimension_numbers<[1], [0], [0], [1], [0, 0, 1, 1], [], []>, transpose_lhs_hint = false} : vector<1000x64xf32>, vector<64x128xf32>, vector<1000x128xf32> -> vector<1000x128xf32>
    %add3A_44 = vector.broadcast %get3A_24 : vector<1x128xf32> to vector<1000x128xf32>
    %add3A_45 = arith.addf %dot_general3A_43, %add3A_44 : vector<1000x128xf32>
    %swap3A_46 = arith.constant 1 : index
    %swap3A_47 = arith.constant 0 : index
    %swap3A_48 = arith.constant 0 : index
    %swap3A_49 = vector.load %arg8[%swap3A_46, %swap3A_47, %swap3A_48] : memref<2x1000x128xf32, #tpu.memory_space<vmem>>, vector<1x1000x128xf32>
    %swap3A_50 = vector.shape_cast %swap3A_49 : vector<1x1000x128xf32> to vector<1000x128xf32>
    %swap3A_51 = vector.shape_cast %add3A_45 : vector<1000x128xf32> to vector<1x1000x128xf32>
    tpu.vector_store %arg8[%swap3A_46, %swap3A_47, %swap3A_48], %swap3A_51 {strides = array<i32>} : memref<2x1000x128xf32, #tpu.memory_space<vmem>>, vector<1x1000x128xf32>,
    return
  }
  func.func @transform_0(%arg0: i32) -> (i32, i32) {
    %c0_i32 = arith.constant 0 : i32
    %c0_i32_0 = arith.constant 0 : i32
    return %arg0, %c0_i32 : i32, i32
  }
  func.func @transform_1(%arg0: i32) -> (i32, i32) {
    %c0_i32 = arith.constant 0 : i32
    %c0_i32_0 = arith.constant 0 : i32
    %c0_i32_1 = arith.constant 0 : i32
    return %c0_i32, %c0_i32_0 : i32, i32
  }
  func.func @transform_2(%arg0: i32) -> (i32, i32) {
    %c0_i32 = arith.constant 0 : i32
    %c0_i32_0 = arith.constant 0 : i32
    %c0_i32_1 = arith.constant 0 : i32
    return %c0_i32, %c0_i32_0 : i32, i32
  }
  func.func @transform_3(%arg0: i32) -> (i32, i32) {
    %c0_i32 = arith.constant 0 : i32
    %c0_i32_0 = arith.constant 0 : i32
    %c0_i32_1 = arith.constant 0 : i32
    return %c0_i32, %c0_i32_0 : i32, i32
  }
  func.func @transform_4(%arg0: i32) -> (i32, i32) {
    %c0_i32 = arith.constant 0 : i32
    %c0_i32_0 = arith.constant 0 : i32
    %c0_i32_1 = arith.constant 0 : i32
    return %c0_i32, %c0_i32_0 : i32, i32
  }
  func.func @transform_5(%arg0: i32) -> (i32, i32) {
    %c0_i32 = arith.constant 0 : i32
    %c0_i32_0 = arith.constant 0 : i32
    %c0_i32_1 = arith.constant 0 : i32
    return %c0_i32, %c0_i32_0 : i32, i32
  }
  func.func @transform_6(%arg0: i32) -> (i32, i32) {
    %c0_i32 = arith.constant 0 : i32
    %c0_i32_0 = arith.constant 0 : i32
    %c0_i32_1 = arith.constant 0 : i32
    return %c0_i32, %c0_i32_0 : i32, i32
  }
  func.func @transform_7(%arg0: i32) -> (i32, i32, i32) {
    %c0_i32 = arith.constant 0 : i32
    %c0_i32_0 = arith.constant 0 : i32
    %c0_i32_1 = arith.constant 0 : i32
    return %c0_i32, %arg0, %c0_i32_0 : i32, i32, i32
  }
}

module attributes {stable_mosaic.version = 14 : i64} {
  func.func @_final_body(%arg0: i32, %arg1: memref<2x1000x128xf32, #tpu.memory_space<vmem>>, %arg2: memref<2x1000x1xf32, #tpu.memory_space<vmem>>, %arg3: memref<1000x1xi32, #tpu.memory_space<vmem>>, %arg4: memref<128x64xf32, #tpu.memory_space<vmem>>, %arg5: memref<1x64xf32, #tpu.memory_space<vmem>>, %arg6: memref<64x64xf32, #tpu.memory_space<vmem>>, %arg7: memref<1x64xf32, #tpu.memory_space<vmem>>, %arg8: memref<64x128xf32, #tpu.memory_space<vmem>>, %arg9: memref<1x128xf32, #tpu.memory_space<vmem>>, %arg10: memref<128x64xf32, #tpu.memory_space<vmem>>, %arg11: memref<1x64xf32, #tpu.memory_space<vmem>>, %arg12: memref<64x64xf32, #tpu.memory_space<vmem>>, %arg13: memref<1x64xf32, #tpu.memory_space<vmem>>, %arg14: memref<64x128xf32, #tpu.memory_space<vmem>>, %arg15: memref<1x128xf32, #tpu.memory_space<vmem>>, %arg16: memref<1000x128xf32, #tpu.memory_space<vmem>>) attributes {dimension_semantics = [#tpu.dimension_semantics<arbitrary>], iteration_bounds = array<i64: 10>, scalar_prefetch = 0 : i64, scratch_operands = 0 : i64, tpu.core_type = #tpu.core_type<tc>, window_params = [{transform_indices = @transform_0, window_bounds = array<i64: 2, 1000, 128>}, {transform_indices = @transform_1, window_bounds = array<i64: 2, 1000, 1>}, {transform_indices = @transform_2, window_bounds = array<i64: 1000, 1>}, {pipeline_mode = #tpu.pipeline_mode<synchronous>, transform_indices = @transform_3, window_bounds = array<i64: 128, 64>}, {pipeline_mode = #tpu.pipeline_mode<synchronous>, transform_indices = @transform_4, window_bounds = array<i64: 1, 64>}, {pipeline_mode = #tpu.pipeline_mode<synchronous>, transform_indices = @transform_5, window_bounds = array<i64: 64, 64>}, {pipeline_mode = #tpu.pipeline_mode<synchronous>, transform_indices = @transform_6, window_bounds = array<i64: 1, 64>}, {pipeline_mode = #tpu.pipeline_mode<synchronous>, transform_indices = @transform_7, window_bounds = array<i64: 64, 128>}, {pipeline_mode = #tpu.pipeline_mode<synchronous>, transform_indices = @transform_8, window_bounds = array<i64: 1, 128>}, {pipeline_mode = #tpu.pipeline_mode<synchronous>, transform_indices = @transform_9, window_bounds = array<i64: 128, 64>}, {pipeline_mode = #tpu.pipeline_mode<synchronous>, transform_indices = @transform_10, window_bounds = array<i64: 1, 64>}, {pipeline_mode = #tpu.pipeline_mode<synchronous>, transform_indices = @transform_11, window_bounds = array<i64: 64, 64>}, {pipeline_mode = #tpu.pipeline_mode<synchronous>, transform_indices = @transform_12, window_bounds = array<i64: 1, 64>}, {pipeline_mode = #tpu.pipeline_mode<synchronous>, transform_indices = @transform_13, window_bounds = array<i64: 64, 128>}, {pipeline_mode = #tpu.pipeline_mode<synchronous>, transform_indices = @transform_14, window_bounds = array<i64: 1, 128>}, {transform_indices = @transform_15, window_bounds = array<i64: 1000, 128>}]} {
    %get3A = arith.constant 0 : index
    %get3A_0 = arith.constant 0 : index
    %get3A_1 = arith.constant 0 : index
    %get3A_2 = vector.load %arg1[%get3A, %get3A_0, %get3A_1] : memref<2x1000x128xf32, #tpu.memory_space<vmem>>, vector<1x1000x128xf32>
    %get3A_3 = vector.shape_cast %get3A_2 : vector<1x1000x128xf32> to vector<1000x128xf32>
    %get3A_4 = arith.constant 1 : index
    %get3A_5 = arith.constant 0 : index
    %get3A_6 = arith.constant 0 : index
    %get3A_7 = vector.load %arg1[%get3A_4, %get3A_5, %get3A_6] : memref<2x1000x128xf32, #tpu.memory_space<vmem>>, vector<1x1000x128xf32>
    %get3A_8 = vector.shape_cast %get3A_7 : vector<1x1000x128xf32> to vector<1000x128xf32>
    %add3A = arith.addf %get3A_3, %get3A_8 : vector<1000x128xf32>
    %get3A_9 = arith.constant 0 : index
    %get3A_10 = arith.constant 0 : index
    %get3A_11 = arith.constant 0 : index
    %get3A_12 = vector.load %arg2[%get3A_9, %get3A_10, %get3A_11] : memref<2x1000x1xf32, #tpu.memory_space<vmem>>, vector<1x1000x1xf32>
    %get3A_13 = vector.shape_cast %get3A_12 : vector<1x1000x1xf32> to vector<1000x1xf32>
    %get3A_14 = arith.constant 1 : index
    %get3A_15 = arith.constant 0 : index
    %get3A_16 = arith.constant 0 : index
    %get3A_17 = vector.load %arg2[%get3A_14, %get3A_15, %get3A_16] : memref<2x1000x1xf32, #tpu.memory_space<vmem>>, vector<1x1000x1xf32>
    %get3A_18 = vector.shape_cast %get3A_17 : vector<1x1000x1xf32> to vector<1000x1xf32>
    %add3A_19 = arith.addf %get3A_13, %get3A_18 : vector<1000x1xf32>
    %max3A = arith.constant 1.000000e+00 : f32
    %max3A_20 = vector.broadcast %max3A : f32 to vector<1000x1xf32>
    %max3A_21 = arith.maximumf %add3A_19, %max3A_20 : vector<1000x1xf32>
    %div3A = vector.broadcast %max3A_21 : vector<1000x1xf32> to vector<1000x128xf32>
    %div3A_22 = arith.divf %add3A, %div3A : vector<1000x128xf32>
    %get3A_23 = arith.constant 0 : index
    %get3A_24 = arith.constant 0 : index
    %get3A_25 = vector.load %arg4[%get3A_23, %get3A_24] : memref<128x64xf32, #tpu.memory_space<vmem>>, vector<128x64xf32>
    %get3A_26 = arith.constant 0 : index
    %get3A_27 = arith.constant 0 : index
    %get3A_28 = vector.load %arg5[%get3A_26, %get3A_27] : memref<1x64xf32, #tpu.memory_space<vmem>>, vector<1x64xf32>
    %get3A_29 = arith.constant 0 : index
    %get3A_30 = arith.constant 0 : index
    %get3A_31 = vector.load %arg6[%get3A_29, %get3A_30] : memref<64x64xf32, #tpu.memory_space<vmem>>, vector<64x64xf32>
    %get3A_32 = arith.constant 0 : index
    %get3A_33 = arith.constant 0 : index
    %get3A_34 = vector.load %arg7[%get3A_32, %get3A_33] : memref<1x64xf32, #tpu.memory_space<vmem>>, vector<1x64xf32>
    %get3A_35 = arith.constant 0 : index
    %get3A_36 = arith.constant 0 : index
    %get3A_37 = vector.load %arg8[%get3A_35, %get3A_36] : memref<64x128xf32, #tpu.memory_space<vmem>>, vector<64x128xf32>
    %get3A_38 = arith.constant 0 : index
    %get3A_39 = arith.constant 0 : index
    %get3A_40 = vector.load %arg9[%get3A_38, %get3A_39] : memref<1x128xf32, #tpu.memory_space<vmem>>, vector<1x128xf32>
    %dot_general3A = arith.constant dense<0.000000e+00> : vector<1000x64xf32>
    %dot_general3A_41 = tpu.matmul %div3A_22, %get3A_25, %dot_general3A {dimension_numbers = #tpu.dot_dimension_numbers<[1], [0], [0], [1], [0, 0, 1, 1], [], []>, transpose_lhs_hint = false} : vector<1000x128xf32>, vector<128x64xf32>, vector<1000x64xf32> -> vector<1000x64xf32>
    %add3A_42 = vector.broadcast %get3A_28 : vector<1x64xf32> to vector<1000x64xf32>
    %add3A_43 = arith.addf %dot_general3A_41, %add3A_42 : vector<1000x64xf32>
    %ge3A = arith.constant 0.000000e+00 : f32
    %ge3A_44 = vector.broadcast %ge3A : f32 to vector<1000x64xf32>
    %ge3A_45 = arith.cmpf oge, %add3A_43, %ge3A_44 : vector<1000x64xf32>
    %mul3A = arith.constant 0.00999999977 : f32
    %mul3A_46 = vector.broadcast %mul3A : f32 to vector<1000x64xf32>
    %mul3A_47 = arith.mulf %mul3A_46, %add3A_43 : vector<1000x64xf32>
    %select_n3A = arith.select %ge3A_45, %add3A_43, %mul3A_47 : vector<1000x64xi1>, vector<1000x64xf32>
    %dot_general3A_48 = arith.constant dense<0.000000e+00> : vector<1000x64xf32>
    %dot_general3A_49 = tpu.matmul %select_n3A, %get3A_31, %dot_general3A_48 {dimension_numbers = #tpu.dot_dimension_numbers<[1], [0], [0], [1], [0, 0, 1, 1], [], []>, transpose_lhs_hint = false} : vector<1000x64xf32>, vector<64x64xf32>, vector<1000x64xf32> -> vector<1000x64xf32>
    %add3A_50 = vector.broadcast %get3A_34 : vector<1x64xf32> to vector<1000x64xf32>
    %add3A_51 = arith.addf %dot_general3A_49, %add3A_50 : vector<1000x64xf32>
    %ge3A_52 = arith.constant 0.000000e+00 : f32
    %ge3A_53 = vector.broadcast %ge3A_52 : f32 to vector<1000x64xf32>
    %ge3A_54 = arith.cmpf oge, %add3A_51, %ge3A_53 : vector<1000x64xf32>
    %mul3A_55 = arith.constant 0.00999999977 : f32
    %mul3A_56 = vector.broadcast %mul3A_55 : f32 to vector<1000x64xf32>
    %mul3A_57 = arith.mulf %mul3A_56, %add3A_51 : vector<1000x64xf32>
    %select_n3A_58 = arith.select %ge3A_54, %add3A_51, %mul3A_57 : vector<1000x64xi1>, vector<1000x64xf32>
    %dot_general3A_59 = arith.constant dense<0.000000e+00> : vector<1000x128xf32>
    %dot_general3A_60 = tpu.matmul %select_n3A_58, %get3A_37, %dot_general3A_59 {dimension_numbers = #tpu.dot_dimension_numbers<[1], [0], [0], [1], [0, 0, 1, 1], [], []>, transpose_lhs_hint = false} : vector<1000x64xf32>, vector<64x128xf32>, vector<1000x128xf32> -> vector<1000x128xf32>
    %add3A_61 = vector.broadcast %get3A_40 : vector<1x128xf32> to vector<1000x128xf32>
    %add3A_62 = arith.addf %dot_general3A_60, %add3A_61 : vector<1000x128xf32>
    %get3A_63 = arith.constant 0 : index
    %get3A_64 = arith.constant 0 : index
    %get3A_65 = vector.load %arg10[%get3A_63, %get3A_64] : memref<128x64xf32, #tpu.memory_space<vmem>>, vector<128x64xf32>
    %get3A_66 = arith.constant 0 : index
    %get3A_67 = arith.constant 0 : index
    %get3A_68 = vector.load %arg11[%get3A_66, %get3A_67] : memref<1x64xf32, #tpu.memory_space<vmem>>, vector<1x64xf32>
    %get3A_69 = arith.constant 0 : index
    %get3A_70 = arith.constant 0 : index
    %get3A_71 = vector.load %arg12[%get3A_69, %get3A_70] : memref<64x64xf32, #tpu.memory_space<vmem>>, vector<64x64xf32>
    %get3A_72 = arith.constant 0 : index
    %get3A_73 = arith.constant 0 : index
    %get3A_74 = vector.load %arg13[%get3A_72, %get3A_73] : memref<1x64xf32, #tpu.memory_space<vmem>>, vector<1x64xf32>
    %get3A_75 = arith.constant 0 : index
    %get3A_76 = arith.constant 0 : index
    %get3A_77 = vector.load %arg14[%get3A_75, %get3A_76] : memref<64x128xf32, #tpu.memory_space<vmem>>, vector<64x128xf32>
    %get3A_78 = arith.constant 0 : index
    %get3A_79 = arith.constant 0 : index
    %get3A_80 = vector.load %arg15[%get3A_78, %get3A_79] : memref<1x128xf32, #tpu.memory_space<vmem>>, vector<1x128xf32>
    %dot_general3A_81 = arith.constant dense<0.000000e+00> : vector<1000x64xf32>
    %dot_general3A_82 = tpu.matmul %add3A_62, %get3A_65, %dot_general3A_81 {dimension_numbers = #tpu.dot_dimension_numbers<[1], [0], [0], [1], [0, 0, 1, 1], [], []>, transpose_lhs_hint = false} : vector<1000x128xf32>, vector<128x64xf32>, vector<1000x64xf32> -> vector<1000x64xf32>
    %add3A_83 = vector.broadcast %get3A_68 : vector<1x64xf32> to vector<1000x64xf32>
    %add3A_84 = arith.addf %dot_general3A_82, %add3A_83 : vector<1000x64xf32>
    %ge3A_85 = arith.constant 0.000000e+00 : f32
    %ge3A_86 = vector.broadcast %ge3A_85 : f32 to vector<1000x64xf32>
    %ge3A_87 = arith.cmpf oge, %add3A_84, %ge3A_86 : vector<1000x64xf32>
    %mul3A_88 = arith.constant 0.00999999977 : f32
    %mul3A_89 = vector.broadcast %mul3A_88 : f32 to vector<1000x64xf32>
    %mul3A_90 = arith.mulf %mul3A_89, %add3A_84 : vector<1000x64xf32>
    %select_n3A_91 = arith.select %ge3A_87, %add3A_84, %mul3A_90 : vector<1000x64xi1>, vector<1000x64xf32>
    %dot_general3A_92 = arith.constant dense<0.000000e+00> : vector<1000x64xf32>
    %dot_general3A_93 = tpu.matmul %select_n3A_91, %get3A_71, %dot_general3A_92 {dimension_numbers = #tpu.dot_dimension_numbers<[1], [0], [0], [1], [0, 0, 1, 1], [], []>, transpose_lhs_hint = false} : vector<1000x64xf32>, vector<64x64xf32>, vector<1000x64xf32> -> vector<1000x64xf32>
    %add3A_94 = vector.broadcast %get3A_74 : vector<1x64xf32> to vector<1000x64xf32>
    %add3A_95 = arith.addf %dot_general3A_93, %add3A_94 : vector<1000x64xf32>
    %ge3A_96 = arith.constant 0.000000e+00 : f32
    %ge3A_97 = vector.broadcast %ge3A_96 : f32 to vector<1000x64xf32>
    %ge3A_98 = arith.cmpf oge, %add3A_95, %ge3A_97 : vector<1000x64xf32>
    %mul3A_99 = arith.constant 0.00999999977 : f32
    %mul3A_100 = vector.broadcast %mul3A_99 : f32 to vector<1000x64xf32>
    %mul3A_101 = arith.mulf %mul3A_100, %add3A_95 : vector<1000x64xf32>
    %select_n3A_102 = arith.select %ge3A_98, %add3A_95, %mul3A_101 : vector<1000x64xi1>, vector<1000x64xf32>
    %dot_general3A_103 = arith.constant dense<0.000000e+00> : vector<1000x128xf32>
    %dot_general3A_104 = tpu.matmul %select_n3A_102, %get3A_77, %dot_general3A_103 {dimension_numbers = #tpu.dot_dimension_numbers<[1], [0], [0], [1], [0, 0, 1, 1], [], []>, transpose_lhs_hint = false} : vector<1000x64xf32>, vector<64x128xf32>, vector<1000x128xf32> -> vector<1000x128xf32>
    %add3A_105 = vector.broadcast %get3A_80 : vector<1x128xf32> to vector<1000x128xf32>
    %add3A_106 = arith.addf %dot_general3A_104, %add3A_105 : vector<1000x128xf32>
    %get3A_107 = arith.constant 0 : index
    %get3A_108 = arith.constant 0 : index
    %get3A_109 = vector.load %arg3[%get3A_107, %get3A_108] : memref<1000x1xi32, #tpu.memory_space<vmem>>, vector<1000x1xi32>
    %eq3A = arith.constant 1 : i32
    %eq3A_110 = vector.broadcast %eq3A : i32 to vector<1000x1xi32>
    %eq3A_111 = arith.cmpi eq, %get3A_109, %eq3A_110 : vector<1000x1xi32>
    %broadcast_in_dim3A = vector.shape_cast %eq3A_111 : vector<1000x1xi1> to vector<1000x1xi1>
    %broadcast_in_dim3A_112 = vector.broadcast %broadcast_in_dim3A : vector<1000x1xi1> to vector<1000x128xi1>
    %select_n3A_113 = arith.select %broadcast_in_dim3A_112, %add3A_106, %add3A_62 : vector<1000x128xi1>, vector<1000x128xf32>
    %swap3A = arith.constant 0 : index
    %swap3A_114 = arith.constant 0 : index
    %swap3A_115 = vector.load %arg16[%swap3A, %swap3A_114] : memref<1000x128xf32, #tpu.memory_space<vmem>>, vector<1000x128xf32>
    tpu.vector_store %arg16[%swap3A, %swap3A_114], %select_n3A_113 {strides = array<i32>} : memref<1000x128xf32, #tpu.memory_space<vmem>>, vector<1000x128xf32>,
    return
  }
  func.func @transform_0(%arg0: i32) -> (i32, i32, i32) {
    %c0_i32 = arith.constant 0 : i32
    %c0_i32_0 = arith.constant 0 : i32
    %c0_i32_1 = arith.constant 0 : i32
    return %c0_i32, %arg0, %c0_i32_0 : i32, i32, i32
  }
  func.func @transform_1(%arg0: i32) -> (i32, i32, i32) {
    %c0_i32 = arith.constant 0 : i32
    %c0_i32_0 = arith.constant 0 : i32
    %c0_i32_1 = arith.constant 0 : i32
    return %c0_i32, %arg0, %c0_i32_0 : i32, i32, i32
  }
  func.func @transform_2(%arg0: i32) -> (i32, i32) {
    %c0_i32 = arith.constant 0 : i32
    %c0_i32_0 = arith.constant 0 : i32
    return %arg0, %c0_i32 : i32, i32
  }
  func.func @transform_3(%arg0: i32) -> (i32, i32) {
    %c0_i32 = arith.constant 0 : i32
    %c0_i32_0 = arith.constant 0 : i32
    %c0_i32_1 = arith.constant 0 : i32
    return %c0_i32, %c0_i32_0 : i32, i32
  }
  func.func @transform_4(%arg0: i32) -> (i32, i32) {
    %c0_i32 = arith.constant 0 : i32
    %c0_i32_0 = arith.constant 0 : i32
    %c0_i32_1 = arith.constant 0 : i32
    return %c0_i32, %c0_i32_0 : i32, i32
  }
  func.func @transform_5(%arg0: i32) -> (i32, i32) {
    %c0_i32 = arith.constant 0 : i32
    %c0_i32_0 = arith.constant 0 : i32
    %c0_i32_1 = arith.constant 0 : i32
    return %c0_i32, %c0_i32_0 : i32, i32
  }
  func.func @transform_6(%arg0: i32) -> (i32, i32) {
    %c0_i32 = arith.constant 0 : i32
    %c0_i32_0 = arith.constant 0 : i32
    %c0_i32_1 = arith.constant 0 : i32
    return %c0_i32, %c0_i32_0 : i32, i32
  }
  func.func @transform_7(%arg0: i32) -> (i32, i32) {
    %c0_i32 = arith.constant 0 : i32
    %c0_i32_0 = arith.constant 0 : i32
    %c0_i32_1 = arith.constant 0 : i32
    return %c0_i32, %c0_i32_0 : i32, i32
  }
  func.func @transform_8(%arg0: i32) -> (i32, i32) {
    %c0_i32 = arith.constant 0 : i32
    %c0_i32_0 = arith.constant 0 : i32
    %c0_i32_1 = arith.constant 0 : i32
    return %c0_i32, %c0_i32_0 : i32, i32
  }
  func.func @transform_9(%arg0: i32) -> (i32, i32) {
    %c0_i32 = arith.constant 0 : i32
    %c0_i32_0 = arith.constant 0 : i32
    %c0_i32_1 = arith.constant 0 : i32
    return %c0_i32, %c0_i32_0 : i32, i32
  }
  func.func @transform_10(%arg0: i32) -> (i32, i32) {
    %c0_i32 = arith.constant 0 : i32
    %c0_i32_0 = arith.constant 0 : i32
    %c0_i32_1 = arith.constant 0 : i32
    return %c0_i32, %c0_i32_0 : i32, i32
  }
  func.func @transform_11(%arg0: i32) -> (i32, i32) {
    %c0_i32 = arith.constant 0 : i32
    %c0_i32_0 = arith.constant 0 : i32
    %c0_i32_1 = arith.constant 0 : i32
    return %c0_i32, %c0_i32_0 : i32, i32
  }
  func.func @transform_12(%arg0: i32) -> (i32, i32) {
    %c0_i32 = arith.constant 0 : i32
    %c0_i32_0 = arith.constant 0 : i32
    %c0_i32_1 = arith.constant 0 : i32
    return %c0_i32, %c0_i32_0 : i32, i32
  }
  func.func @transform_13(%arg0: i32) -> (i32, i32) {
    %c0_i32 = arith.constant 0 : i32
    %c0_i32_0 = arith.constant 0 : i32
    %c0_i32_1 = arith.constant 0 : i32
    return %c0_i32, %c0_i32_0 : i32, i32
  }
  func.func @transform_14(%arg0: i32) -> (i32, i32) {
    %c0_i32 = arith.constant 0 : i32
    %c0_i32_0 = arith.constant 0 : i32
    %c0_i32_1 = arith.constant 0 : i32
    return %c0_i32, %c0_i32_0 : i32, i32
  }
  func.func @transform_15(%arg0: i32) -> (i32, i32) {
    %c0_i32 = arith.constant 0 : i32
    %c0_i32_0 = arith.constant 0 : i32
    return %arg0, %c0_i32 : i32, i32
  }
}

</mosaic_0001>

<sc_bundles>
// kernel: kernel.10.cloned.1.call-start
scs
__scs_entry_jumppad:
0x0: {  	(pc) =	sbr.rel $0x88, $3  }
0x1: {  	(tag) =	ssettag $0x0;
	lr =	simm.s32 $0x1  }
0x2: {  	[smem:$0x3F91] =	sst lr;
	_ =	strace $0xD0000000  }
0x3: {  	_ = 	snop  }
0x4: {  	_ = 	snop  }
0x5: {  	_ = 	snop  }
0x6: {  	_ = 	snop  }
0x7: {  	_ = 	snop  }
__scs_overlays_trampoline_lowered:
0x8: {  	[smem:$0x3FA0] =	sst s0  }
0x9: {  	[smem:$0x3FA1] =	sst s1  }
0xa: {  	[smem:$0x3FA2] =	sst s2  }
0xb: {  	[smem:$0x3FA3] =	sst s3  }
0xc: {  	[smem:$0x3FA4] =	sst s4  }
0xd: {  	[smem:$0x3FA5] =	sst s5  }
0xe: {  	[smem:$0x3FA6] =	sst s6  }
0xf: {  	[smem:$0x3FA7] =	sst s7  }
0x10: {  	[smem:$0x3FA8] =	sst s8  }
0x11: {  	[smem:$0x3FA9] =	sst s9;
	s0 =	simm.s32 @!p0 $0x0  }
0x12: {  	s1 =	sld [smem:$0x3F8F];
	s0 =	simm.s32 @p0 $0x1  }
0x13: {  	[smem:$0x3FAA] =	sst s0;
	s0 =	simm.s32 @!p1 $0x0  }
0x14: {  	s2 =	sld [smem:$0x3F8E];
	s0 =	simm.s32 @p1 $0x1  }
0x15: {  	[smem:$0x3FAB] =	sst s0;
	s0 =	simm.s32 @!p2 $0x0  }
0x16: {  	s3 =	sld [smem:$0x3FDB];
	s0 =	simm.s32 @p2 $0x1  }
0x17: {  	s4 =	simm.s32 $0x1BF5;
	[smem:$0x3FAD] =	sst s0  }
0x18: {  	s0 =	sld [smem:$0x3F90];
	_ =	swait.ge [sflag:s4], $0x0  }
0x19: {  	s7 =	sld [smem:$0x3F91]  }
0x1a: {  	s8 =	sadd.s32 $0xFFFFE003, lr  }
0x1b: {  	s9 =	sadd.s32 $0xFFFFFEF7, lr;
	s5 =	simm.s32 $0xFFFFFFFF;
	p2 =	slt.u32 s8, $0xFFFFF086  }
0x1c: {  	p1 =	slt.u32 s9, $0xF7A;
	s5 =	simm.s32 @!p2 $0x0  }
0x1d: {  	s5 =	simm.s32 @p1 $0x1;
	p0 =	seq.s32 s7, s2  }
0x1e: {  	s7 =	smul.u32 @!p0 $0xF7A, s2;
	p2 =	seq.s32 @!p0 s5, $0x0  }
0x1f: {  	s9 =	smul.u32 $0xF7A, s1;
	s8 =	simm.s32 @!p0 $0x1BF5;
	p2 =	por !p2, p0  }
0x20: {  	[sflag:s8] =	ssyncset.s32 @!p0 $0xFFFFF086;
	s6 =	sadd.s32 @!p0 s3, s7;
	s7 =	simm.s32 @!p0 $0x108  }
0x21: {  	s3 =	sadd.s32 s3, s9;
	s6 =	sadd.s32 @!p0 $0x88, s6;
	s7 =	simm.s32 @p2 $0x1082  }
0x22: {  	[simem:s7], [sflag:s8] =	dma.local @!p0 [hbm:s6], $0xF7A  }
0x23: {  	s9 =	sor.u32 $0xD0000000, s2;
	s6 =	simm.s32 $0x108;
	_ =	swait.ge @!p0 [sflag:s8], $0x0  }
0x24: {  	s3 =	sadd.s32 $0x88, s3;
	s6 =	simm.s32 @!p1 $0x1082;
	[sflag:s4] =	ssyncset.s32 $0xFFFFF086  }
0x25: {  	[simem:s6], [sflag:s4] =	dma.local [hbm:s3], $0xF7A  }
0x26: {  	[smem:$0x3F91] =	sst s1;
	(tag) =	ssettag s2;
	_ =	strace s9  }
0x27: {  	s1 =	sld [smem:$0x3FA1]  }
0x28: {  	s2 =	sld [smem:$0x3FA2]  }
0x29: {  	s4 =	sld [smem:$0x3FA4]  }
0x2a: {  	p0 =	seq.s32 s5, $0x0;
	s5 =	sld [smem:$0x3FA5]  }
0x2b: {  	s6 =	sld [smem:$0x3FA6]  }
0x2c: {  	s7 =	sld [smem:$0x3FA7]  }
0x2d: {  	s3 =	simm.s32 $0x108;
	s8 =	sld [smem:$0x3FA8]  }
0x2e: {  	s3 =	simm.s32 @!p0 $0x1082;
	s9 =	sld [smem:$0x3FA9]  }
0x2f: {  	lr =	sadd.s32 s0, s3;
	s0 =	sld [smem:$0x3FA0]  }
0x30: {  	s3 =	sld [smem:$0x3FA3]  }
0x31: {  	[smem:$0x3FAC] =	sst s10  }
0x32: {  	s10 =	sld [smem:$0x3FAA];
	_ =	sdelay $0x3  }
0x33: {  	p0 =	seq.s32 s10, $0x1;
	s10 =	sld [smem:$0x3FAC];
	_ =	sdelay $0x3  }
0x34: {  	[smem:$0x3FAC] =	sst s10  }
0x35: {  	s10 =	sld [smem:$0x3FAB];
	_ =	sdelay $0x3  }
0x36: {  	p1 =	seq.s32 s10, $0x1;
	s10 =	sld [smem:$0x3FAC];
	_ =	sdelay $0x3  }
0x37: {  	[smem:$0x3FAC] =	sst s10  }
0x38: {  	s10 =	sld [smem:$0x3FAD]  }
0x39: {  	_ = 	snop;
	(pc) =	sbr.ind lr, $3  }
0x3a: {  	_ = 	snop  }
0x3b: {  	_ = 	snop  }
0x3c: {  	p2 =	seq.s32 s10, $0x1;
	s10 =	sld [smem:$0x3FAC]  }
0x3d: {  	_ =	shalt  }
0x3e: {  	_ =	shalt  }
0x3f: {  	_ =	shalt  }
0x40: {  	_ =	shalt  }
0x41: {  	_ =	shalt  }
0x42: {  	_ =	shalt  }
0x43: {  	_ =	shalt  }
0x44: {  	_ =	shalt  }
0x45: {  	_ =	shalt  }
0x46: {  	_ =	shalt  }
0x47: {  	_ =	shalt  }
0x48: {  	_ =	shalt  }
0x49: {  	_ =	shalt  }
0x4a: {  	_ =	shalt  }
0x4b: {  	_ =	shalt  }
0x4c: {  	_ =	shalt  }
0x4d: {  	_ =	shalt  }
0x4e: {  	_ =	shalt  }
0x4f: {  	_ =	shalt  }
0x50: {  	_ =	shalt  }
0x51: {  	_ =	shalt  }
0x52: {  	_ =	shalt  }
0x53: {  	_ =	shalt  }
0x54: {  	_ =	shalt  }
0x55: {  	_ =	shalt  }
0x56: {  	_ =	shalt  }
0x57: {  	_ =	shalt  }
0x58: {  	_ =	shalt  }
0x59: {  	_ =	shalt  }
0x5a: {  	_ =	shalt  }
0x5b: {  	_ =	shalt  }
0x5c: {  	_ =	shalt  }
0x5d: {  	_ =	shalt  }
0x5e: {  	_ =	shalt  }
0x5f: {  	_ =	shalt  }
0x60: {  	_ =	shalt  }
0x61: {  	_ =	shalt  }
0x62: {  	_ =	shalt  }
0x63: {  	_ =	shalt  }
0x64: {  	_ =	shalt  }
0x65: {  	_ =	shalt  }
0x66: {  	_ =	shalt  }
0x67: {  	_ =	shalt  }
0x68: {  	_ =	shalt  }
0x69: {  	_ =	shalt  }
0x6a: {  	_ =	shalt  }
0x6b: {  	_ =	shalt  }
0x6c: {  	_ =	shalt  }
0x6d: {  	_ =	shalt  }
0x6e: {  	_ =	shalt  }
0x6f: {  	_ =	shalt  }
0x70: {  	_ =	shalt  }
0x71: {  	_ =	shalt  }
0x72: {  	_ =	shalt  }
0x73: {  	_ =	shalt  }
0x74: {  	_ =	shalt  }
0x75: {  	_ =	shalt  }
0x76: {  	_ =	shalt  }
0x77: {  	_ =	shalt  }
0x78: {  	_ =	shalt  }
0x79: {  	_ =	shalt  }
0x7a: {  	_ =	shalt  }
0x7b: {  	_ =	shalt  }
0x7c: {  	_ =	shalt  }
0x7d: {  	_ =	shalt  }
0x7e: {  	_ =	shalt  }
0x7f: {  	_ =	shalt  }
0x80: {  	_ =	shalt  }
0x81: {  	_ =	shalt  }
0x82: {  	_ =	shalt  }
0x83: {  	_ =	shalt  }
0x84: {  	_ =	shalt  }
0x85: {  	_ =	shalt  }
0x86: {  	_ =	shalt  }
0x87: {  	_ =	shalt  }
.Lfunc_end0:
.L_simem_size_0:
called_computation.1_lowered:
.L_overlay_start_0:
0x88: {  	s2 =	sld [smem:$0x3FD9]  }
0x89: {  	s3 =	sld [smem:$0x3FFE];
	_ =	sdelay $0x1  }
0x8a: {  	s1 =	srdreg.scid  }
0x8b: {  	s0 =	sand.u32 $0x1, s1  }
0x8c: {  	s17 =	sshll.u32 s0, $0xA;
	s2 =	sadd.s32 s3, s2  }
0x8d: {  	s2 =	sadd.s32 s2, s17  }
0x8e: {  	[smem:$0x3FB8] =	sst s2  }
0x8f: {  	_ = 	snop  }
0x90: {  	(tm) =	ssettm $0x1  }
0x91: {  	s18 =	sld [smem:$0x3FFB];
	_ =	sdelay $0x3  }
0x92: {  	_ =	strace s18  }
0x93: {  	s2 =	sld [smem:$0x3FFC];
	_ =	sdelay $0x3  }
0x94: {  	_ =	strace s2  }
0x95: {  	s2 =	sld [smem:$0x3FFD];
	_ =	sdelay $0x3  }
0x96: {  	_ =	strace s2  }
0x97: {  	_ =	strace $0x8FFFFFFF  }
0x98: {  	s19 =	sld [smem:$0x3FDB];
	_ =	sdelay $0x1  }
0x99: {  	s20 =	simm.s32 $_scs_section_size  }
0x9a: {  	s4 =	simm.s32 $_size__tile_overlayer_lowered;
	s5 =	simm.s32 $_tile_overlayer_lowered  }
0x9b: {  	s6 =	simm.s32 $0x1BFF;
	s21 =	sshll.u32 s5, $0x1;
	s3 =	sadd.s32 s20, s19  }
0x9c: {  	s22 =	simm.s32 $0x0;
	s4 =	sshll.u32 s4, $0x1;
	s5 =	sadd.s32 s21, s3  }
0x9d: {  	[timem:s22], [sflag:s6] =	dma.local [hbm:s5], s4  }
0x9e: {  	_ =	swait.ge [sflag:s6], s4  }
0x9f: {  	s4 =	ssub.s32 $0x0, s4;
	[sflag:s6] =	ssyncset.done $0x0  }
0xa0: {  	[sflag:s6] =	ssyncadd.s32 s4;
	_ =	sdelay $0x1  }
0xa1: {  	s23 =	simm.s32 $0x1B8B  }
0xa2: {  	_ =	swait.ge [sflag:s23], $0x1  }
0xa3: {  	[sflag:s23] =	ssyncset.done $0x0  }
0xa4: {  	[sflag:s23] =	ssyncadd.s32 $0xFFFFFFFF  }
0xa5: {  	s4 =	sld [smem:$0x0]  }
0xa6: {  	s5 =	sand.u32 $0xFFFFFFFE, s1  }
0xa7: {  	p0 =	sne.s32 s1, s5  }
0xa8: {  	s5 =	sshll.u32 @p0 s5, $0xE  }
0xa9: {  	s5 =	sadd.s32 @p0 $0x11B8D, s5;
	s6 =	sshll.u32 @p0 s4, $0x11  }
0xaa: {  	s5 =	sor.u32 @p0 s6, s5  }
0xab: {  	[sflag:s5] =	ssyncadd.remote.s32 @p0 $0x1;
	_ =	sdelay $0x1  }
0xac: {  	s5 =	simm.s32 @p0 $0x1B8D  }
0xad: {  	_ =	swait.eq @p0 [sflag:s5], $0x1  }
0xae: {  	[sflag:s5] =	ssyncadd.s32 @p0 $0xFFFFFFFF  }
0xaf: {  	s6 =	sshll.u32 @!p0 s1, $0xE  }
0xb0: {  	s6 =	sor.u32 @!p0 $0x4000, s6;
	s5 =	simm.s32 @!p0 $0x1B8D  }
0xb1: {  	s4 =	sshll.u32 @!p0 s4, $0x11;
	s6 =	sadd.s32 @!p0 $0x11B8D, s6;
	_ =	swait.eq @!p0 [sflag:s5], $0x1  }
0xb2: {  	s4 =	sor.u32 @!p0 s4, s6;
	[sflag:s5] =	ssyncadd.s32 @!p0 $0xFFFFFFFF  }
0xb3: {  	s25 =	simm.s32 $0x1B8E;
	s24 =	sld [smem:$0x3FFE];
	[sflag:s4] =	ssyncadd.remote.s32 @!p0 $0x1  }
0xb4: {  	s26 =	simm.s32 $execute0_lowered;
	[smem:$0x3FD2] =	sst s25  }
0xb5: {  	s5 =	sshll.u32 s26, $0x1;
	_ =	strace $0x80000049;
	[dreg:$0x1] =	wrdreg $0xFFFFFFFF  }
0xb6: {  	s28 =	simm.s32 $_size_execute0_lowered;
	s3 =	sadd.s32 s3, s5;
	[dreg:$0x0] =	wrdreg $0x0  }
0xb7: {  	s5 =	sshll.u32 s28, $0x1;
	[dreg:$0x2] =	wrdreg s3  }
0xb8: {  	[dreg:$0x3] =	wrdreg s5  }
0xb9: {  	[dreg:$0x4] =	wrdreg $0xC0  }
0xba: {  	_ =	task [dreg:s22], $0x5FFFF  }
0xbb: {  	[dreg:$0x1] =	wrdreg $0xFFFFFFFF  }
0xbc: {  	[dreg:$0x0] =	wrdreg $0x60  }
0xbd: {  	[dreg:$0x2] =	wrdreg s24  }
0xbe: {  	[dreg:$0x3] =	wrdreg $0x41000  }
0xbf: {  	[dreg:$0x4] =	wrdreg $0xA  }
0xc0: {  	_ =	task.clear_ibuf [dreg:s22], $0x5FFFF;
	_ =	strace $0x90000049  }
0xc1: {  	s29 =	simm.s32 $0xA;
	_ =	strace $0x8000004B  }
0xc2: {  	_ =	swait.ge [sflag:s29], $0x1  }
0xc3: {  	[sflag:s29] =	ssyncadd.s32 $0xFFFFFFFF  }
0xc4: {  	_ =	strace $0x9000004B  }
0xc5: {  	_ =	sfence  }
0xc6: {  	s30 =	sld [smem:$0x0];
	_ =	sdelay $0x2  }
0xc7: {  	s31 =	sshll.u32 s1, $0xD;
	s1 =	sshrl.u32 s1, $0x2  }
0xc8: {  	s4 =	sand.u32 $0x4000, s31;
	s1 =	sadd.s32 s1, s30  }
0xc9: {  	s0 =	sor.u32 s4, s0;
	s1 =	sshll.u32 s1, $0x11  }
0xca: {  	s0 =	sor.u32 s1, s0  }
0xcb: {  	s0 =	sadd.s32 $0x8F2B, s0  }
0xcc: {  	[sflag:s0] =	ssyncadd.remote.s32 $0x1  }
0xcd: {  	_ =	sfence.sel $0xFFFF  }
0xce: {  	[dreg:$0x0] =	wrdreg $0xFFFFFFFF;
	(pc) =	sbr.abs _section_cstart, $3  }
0xcf: {  	[dreg:$0x1] =	wrdreg $0xFFFFFFFF  }
0xd0: {  	_ =	task.clear_ibuf [dreg:s22], $0x2FFFF;
	_ =	strace $0x9FFFFFFF  }
0xd1: {  	(tm) =	ssettm $0x7FFFFFFF  }
tec
execute0_lowered:
.L_overlay_start_1:
0x0: {  	(tag) =	ssettag $0x1  }
0x1: {  	s7 =	rddreg [dreg:$0x0]  }
0x2: {  	s1 =	rddreg [dreg:$0x1]  }
0x3: {  	s2 =	simm.s32 $0x0;
	s8 =	srdreg.scid;
	s0 =	stileid.u32  }
0x4: {  	s28 =	simm.s32 $0x0;
	[smem:$0x7FF] =	sst s2;
	s4 =	sadd.s32 $0xC600, s7  }
0x5: {  	s5 =	sadd.s32 $0x64800, s7;
	s6 =	sadd.s32 $0xB4000, s7;
	s23 =	smul.u32 $0x4F000, s0  }
0x6: {  	s15 =	sand.u32 $0x1, s8;
	s18 =	sadd.s32 $0xB4800, s7;
	s11 =	smul.u32 $0x13C00, s0  }
0x7: {  	s29 =	smul.u32 $0x2800, s0;
	_ =	strace $0x8000004A;
	s22 =	ssub.s32 $0x2, s15  }
0x8: {  	s10 =	sshll.u32 s15, $0x4;
	s21 =	smul.u32 $0x13C000, s15;
	s9 =	sshrl.u32 s22, $0x1  }
0x9: {  	s24 =	sshrl.u32 s23, $0x2;
	s25 =	sor.u32 s0, s10;
	s16 =	sadd.s32 $0x4000, s11  }
0xa: {  	s17 =	sadd.s32 $0x8000, s11;
	s20 =	sadd.s32 $0xC000, s11;
	s23 =	smul.u32 $0x28000, s15  }
0xb: {  	s19 =	ssub.s32 s22, s9;
	s7 =	sadd.s32 s24, s1;
	s13 =	smul.u32 $0x2800, s25  }
0xc: {  	s8 =	sadd.s32 s16, s1;
	s9 =	sadd.s32 s17, s1;
	s10 =	sadd.s32 s20, s1  }
0xd: {  	s22 =	sadd.s32 $0x10000, s11;
	s14 =	sadd.s32 s11, s21;
	s16 =	sadd.s32 s21, s16  }
0xe: {  	s17 =	sadd.s32 s21, s17;
	s20 =	sadd.s32 s21, s20;
	s24 =	simm.s32 $0x80  }
0xf: {  	s25 =	simm.s32 $0x2;
	s11 =	sadd.s32 s22, s1;
	s14 =	sshrl.u32 s14, $0x3  }
0x10: {  	s16 =	sshrl.u32 s16, $0x3;
	s26 =	sshrl.u32 s17, $0x3;
	s21 =	sadd.s32 s21, s22  }
0x11: {  	s20 =	sshrl.u32 s20, $0x3;
	s30 =	sadd.s32 s29, s23;
	s19 =	smax.u32 s19, $0x1  }
0x12: {  	s22 =	simm.s32 $0x100;
	s23 =	simm.s32 $0x3;
	s12 =	sshrl.u32 s13, $0x3  }
0x13: {  	s13 =	sadd.s32 $0x2780, s13;
	s14 =	sadd.s32 s18, s14;
	s15 =	sadd.s32 s18, s16  }
0x14: {  	s16 =	sadd.s32 s18, s26;
	s21 =	sshrl.u32 s21, $0x3;
	s17 =	sadd.s32 s18, s20  }
0x15: {  	s31 =	sshrl.u32 s30, $0x3;
	s26 =	simm.s32 $0x1;
	s12 =	sadd.s32 s4, s12  }
0x16: {  	s18 =	sadd.s32 s18, s21;
	s20 =	sadd.s32 s31, s4;
	s21 =	sor.u32 $0x100, s30  }
.LBB2_1:
0x17: {  	[tilespmem:s22], [sflag:$0x3] =	stream.linear.gather [hbm4b:s5+s2], $0x4000, $0x38;
	[tilespmem:$0x17D00] =	vst v63  }
0x18: {  	_ =	swait.ge [sflag:s23], $0x4000  }
0x19: {  	[sflag:s23] =	ssyncset.done $0x0  }
0x1a: {  	[sflag:s23] =	ssyncadd.s32 $0xFFFFC000  }
0x1b: {  	[spmem:s7] =	stream.linear.scatter [tilespmem:s22], [sflag:$0x3], $0x4000, $0x38;
	[tilespmem:$0x17D00] =	vst v63  }
0x1c: {  	_ =	swait.ge [sflag:s23], $0x4000  }
0x1d: {  	[sflag:s23] =	ssyncset.done $0x0  }
0x1e: {  	[sflag:s23] =	ssyncadd.s32 $0xFFFFC000  }
0x1f: {  	[spmem:s8] =	stream.linear.scatter [tilespmem:s22], [sflag:$0x3], $0x4000, $0x38;
	[tilespmem:$0x17D00] =	vst v63  }
0x20: {  	_ =	swait.ge [sflag:s23], $0x4000  }
0x21: {  	[sflag:s23] =	ssyncset.done $0x0  }
0x22: {  	[sflag:s23] =	ssyncadd.s32 $0xFFFFC000  }
0x23: {  	[spmem:s9] =	stream.linear.scatter [tilespmem:s22], [sflag:$0x3], $0x4000, $0x38;
	[tilespmem:$0x17D00] =	vst v63  }
0x24: {  	_ =	swait.ge [sflag:s23], $0x4000  }
0x25: {  	[sflag:s23] =	ssyncset.done $0x0  }
0x26: {  	[sflag:s23] =	ssyncadd.s32 $0xFFFFC000  }
0x27: {  	[spmem:s10] =	stream.linear.scatter [tilespmem:s22], [sflag:$0x3], $0x4000, $0x38;
	[tilespmem:$0x17D00] =	vst v63  }
0x28: {  	_ =	swait.ge [sflag:s23], $0x4000  }
0x29: {  	[sflag:s23] =	ssyncset.done $0x0  }
0x2a: {  	[sflag:s23] =	ssyncadd.s32 $0xFFFFC000  }
0x2b: {  	[spmem:s11] =	stream.linear.scatter [tilespmem:s22], [sflag:$0x3], $0x3C00, $0x38;
	[tilespmem:$0x17D00] =	vst v63  }
0x2c: {  	_ =	swait.ge [sflag:s23], $0x3C00  }
0x2d: {  	[sflag:s23] =	ssyncset.done $0x0  }
0x2e: {  	[sflag:s23] =	ssyncadd.s32 $0xFFFFC400  }
0x2f: {  	[bflag:$0x0] =	sbarrier.arrive $0xFFFF  }
0x30: {  	[tilespmem:s22], [sflag:$0x3] =	stream.linear.gather [hbm4b:s6+s2], $0x4000, $0x38;
	[tilespmem:$0x17D00] =	vst v63  }
0x31: {  	_ =	swait.ge [sflag:s23], $0x4000  }
0x32: {  	[sflag:s23] =	ssyncset.done $0x0  }
0x33: {  	[sflag:s23] =	ssyncadd.s32 $0xFFFFC000  }
0x34: {  	[tilespmem:s2], [sflag:$0x3] =	stream.linear.gather [hbm4b:s12+s2], $0x80, $0x38;
	[tilespmem:$0x17D00] =	vst v63  }
0x35: {  	_ =	swait.ge [sflag:s23], $0x80  }
0x36: {  	[sflag:s23] =	ssyncset.done $0x0  }
0x37: {  	s29 =	sadd.s32 $0x10, s20;
	[sflag:s23] =	ssyncadd.s32 $0xFFFFFF80  }
0x38: {  	[tilespmem:s24], [sflag:$0x2] =	stream.linear.gather [hbm4b:s29+s2], $0x80, $0x38;
	[tilespmem:$0x17D00] =	vst v63  }
0x39: {  	_ = 	snop  }
0x3a: {  	[spmem:s1] =	stream.indirect.scatter.add.f32 [tilespmem:s22], [sflag:$0x3], $0x80, s2, s24, $0xb8;
	[tilespmem:$0x17D00] =	vst v63  }
0x3b: {  	_ =	swait.ge [sflag:s23], $0x4000  }
0x3c: {  	[sflag:s23] =	ssyncset.done $0x0  }
0x3d: {  	p0 =	slt.s32 s21, s13;
	s29 =	smov.u32 s13;
	[sflag:s23] =	ssyncadd.s32 $0xFFFFC000  }
0x3e: {  	s29 =	smov.u32 @p0 s21;
	_ =	swait.ge [sflag:s25], $0x80  }
0x3f: {  	s29 =	sshrl.u32 s29, $0x3;
	[sflag:s25] =	ssyncset.done $0x0  }
0x40: {  	s29 =	sadd.s32 s4, s29;
	[sflag:s25] =	ssyncadd.s32 $0xFFFFFF80  }
0x41: {  	[tilespmem:s2], [sflag:$0x1] =	stream.linear.gather [hbm4b:s29+s2], $0x80, $0x38;
	[tilespmem:$0x17D00] =	vst v63  }
0x42: {  	_ = 	snop  }
0x43: {  	[spmem:s1] =	stream.indirect.scatter.add.f32 [tilespmem:s22], [sflag:$0x3], $0x80, s24, s24, $0xb8;
	[tilespmem:$0x17D00] =	vst v63  }
0x44: {  	_ =	swait.ge [sflag:s23], $0x4000  }
0x45: {  	[sflag:s23] =	ssyncset.done $0x0  }
0x46: {  	[sflag:s23] =	ssyncadd.s32 $0xFFFFC000  }
0x47: {  	s30 =	simm.s32 $0x30;
	_ =	swait.ge [sflag:s26], $0x80  }
0x48: {  	s31 =	simm.s32 $0x50;
	s29 =	sadd.s32 $0x100, s21;
	[sflag:s26] =	ssyncset.done $0x0  }
.LBB2_2:
0x49: {  	s0 =	sadd.s32 s30, s20  }
0x4a: {  	[sflag:s26] =	ssyncadd.s32 $0xFFFFFF80;
	s30 =	smov.u32 s31;
	s3 =	sadd.s32 $0x20, s31  }
0x4b: {  	[tilespmem:s24], [sflag:$0x2] =	stream.linear.gather [hbm4b:s0+s2], $0x80, $0x38;
	[tilespmem:$0x17D00] =	vst v63  }
0x4c: {  	p0 =	sne.s32 s31, $0x4F0  }
0x4d: {  	[spmem:s1] =	stream.indirect.scatter.add.f32 [tilespmem:s22], [sflag:$0x3], $0x80, s2, s24, $0xb8;
	[tilespmem:$0x17D00] =	vst v63  }
0x4e: {  	_ =	swait.ge [sflag:s23], $0x4000  }
0x4f: {  	[sflag:s23] =	ssyncset.done $0x0  }
0x50: {  	p1 =	slt.s32 s29, s13;
	s0 =	smov.u32 s13;
	[sflag:s23] =	ssyncadd.s32 $0xFFFFC000  }
0x51: {  	s0 =	smov.u32 @p1 s29;
	_ =	swait.ge [sflag:s25], $0x80  }
0x52: {  	s0 =	sshrl.u32 s0, $0x3;
	[sflag:s25] =	ssyncset.done $0x0  }
0x53: {  	s0 =	sadd.s32 s4, s0;
	[sflag:s25] =	ssyncadd.s32 $0xFFFFFF80  }
0x54: {  	[tilespmem:s2], [sflag:$0x1] =	stream.linear.gather [hbm4b:s0+s2], $0x80, $0x38;
	[tilespmem:$0x17D00] =	vst v63  }
0x55: {  	_ = 	snop  }
0x56: {  	[spmem:s1] =	stream.indirect.scatter.add.f32 [tilespmem:s22], [sflag:$0x3], $0x80, s24, s24, $0xb8;
	[tilespmem:$0x17D00] =	vst v63  }
.Ltmp0:
0x57: {  	_ =	swait.ge [sflag:s23], $0x4000;
	(pc) =	sbr.rel @p0 .LBB2_2-.Ltmp0, $4  }
0x58: {  	[sflag:s23] =	ssyncset.done $0x0  }
0x59: {  	[sflag:s23] =	ssyncadd.s32 $0xFFFFC000  }
0x5a: {  	_ =	swait.ge [sflag:s26], $0x80  }
0x5b: {  	s31 =	smov.u32 s3;
	s29 =	sadd.s32 $0x100, s29;
	[sflag:s26] =	ssyncset.done $0x0  }
0x5c: {  	s0 =	sadd.s32 s30, s20;
	[sflag:s26] =	ssyncadd.s32 $0xFFFFFF80  }
0x5d: {  	[tilespmem:s24], [sflag:$0x2] =	stream.linear.gather [hbm4b:s0+s2], $0x80, $0x38;
	[tilespmem:$0x17D00] =	vst v63  }
0x5e: {  	_ = 	snop  }
0x5f: {  	[spmem:s1] =	stream.indirect.scatter.add.f32 [tilespmem:s22], [sflag:$0x3], $0x80, s2, s24, $0xb8;
	[tilespmem:$0x17D00] =	vst v63  }
0x60: {  	_ =	swait.ge [sflag:s23], $0x4000  }
0x61: {  	[sflag:s23] =	ssyncset.done $0x0  }
0x62: {  	p0 =	slt.s32 s29, s13;
	s0 =	smov.u32 s13;
	[sflag:s23] =	ssyncadd.s32 $0xFFFFC000  }
0x63: {  	s0 =	smov.u32 @p0 s29;
	_ =	swait.ge [sflag:s25], $0x80  }
0x64: {  	s0 =	sshrl.u32 s0, $0x3;
	[sflag:s25] =	ssyncset.done $0x0  }
0x65: {  	s0 =	sadd.s32 s4, s0;
	[sflag:s25] =	ssyncadd.s32 $0xFFFFFF80  }
0x66: {  	[tilespmem:s2], [sflag:$0x1] =	stream.linear.gather [hbm4b:s0+s2], $0x80, $0x38;
	[tilespmem:$0x17D00] =	vst v63  }
0x67: {  	_ = 	snop  }
0x68: {  	[spmem:s1] =	stream.indirect.scatter.add.f32 [tilespmem:s22], [sflag:$0x3], $0x80, s24, s24, $0xb8;
	[tilespmem:$0x17D00] =	vst v63  }
0x69: {  	_ =	swait.ge [sflag:s23], $0x4000  }
0x6a: {  	[sflag:s23] =	ssyncset.done $0x0  }
0x6b: {  	[sflag:s23] =	ssyncadd.s32 $0xFFFFC000  }
0x6c: {  	_ =	swait.ge [sflag:s26], $0x80  }
0x6d: {  	[sflag:s26] =	ssyncset.done $0x0  }
0x6e: {  	[sflag:s26] =	ssyncadd.s32 $0xFFFFFF80  }
0x6f: {  	[bflag:$0x0] =	sbarrier.arrive $0xFFFF  }
0x70: {  	[tilespmem:s22], [sflag:$0x3] =	stream.linear.gather [spmem:s7], $0x4000, $0x38;
	[tilespmem:$0x17D00] =	vst v63  }
0x71: {  	_ =	swait.ge [sflag:s23], $0x4000  }
0x72: {  	[sflag:s23] =	ssyncset.done $0x0  }
0x73: {  	[sflag:s23] =	ssyncadd.s32 $0xFFFFC000  }
0x74: {  	[hbm4b:s14+s2] =	stream.linear.scatter [tilespmem:s22], [sflag:$0x3], $0x4000, $0x38;
	[tilespmem:$0x17D00] =	vst v63  }
0x75: {  	_ =	swait.ge [sflag:s23], $0x4000  }
0x76: {  	[sflag:s23] =	ssyncset.done $0x0  }
0x77: {  	[sflag:s23] =	ssyncadd.s32 $0xFFFFC000  }
0x78: {  	[tilespmem:s22], [sflag:$0x3] =	stream.linear.gather [spmem:s8], $0x4000, $0x38;
	[tilespmem:$0x17D00] =	vst v63  }
0x79: {  	_ =	swait.ge [sflag:s23], $0x4000  }
0x7a: {  	[sflag:s23] =	ssyncset.done $0x0  }
0x7b: {  	[sflag:s23] =	ssyncadd.s32 $0xFFFFC000  }
0x7c: {  	[hbm4b:s15+s2] =	stream.linear.scatter [tilespmem:s22], [sflag:$0x3], $0x4000, $0x38;
	[tilespmem:$0x17D00] =	vst v63  }
0x7d: {  	_ =	swait.ge [sflag:s23], $0x4000  }
0x7e: {  	[sflag:s23] =	ssyncset.done $0x0  }
0x7f: {  	[sflag:s23] =	ssyncadd.s32 $0xFFFFC000  }
0x80: {  	[tilespmem:s22], [sflag:$0x3] =	stream.linear.gather [spmem:s9], $0x4000, $0x38;
	[tilespmem:$0x17D00] =	vst v63  }
0x81: {  	_ =	swait.ge [sflag:s23], $0x4000  }
0x82: {  	[sflag:s23] =	ssyncset.done $0x0  }
0x83: {  	[sflag:s23] =	ssyncadd.s32 $0xFFFFC000  }
0x84: {  	[hbm4b:s16+s2] =	stream.linear.scatter [tilespmem:s22], [sflag:$0x3], $0x4000, $0x38;
	[tilespmem:$0x17D00] =	vst v63  }
0x85: {  	_ =	swait.ge [sflag:s23], $0x4000  }
0x86: {  	[sflag:s23] =	ssyncset.done $0x0  }
0x87: {  	[sflag:s23] =	ssyncadd.s32 $0xFFFFC000  }
0x88: {  	[tilespmem:s22], [sflag:$0x3] =	stream.linear.gather [spmem:s10], $0x4000, $0x38;
	[tilespmem:$0x17D00] =	vst v63  }
0x89: {  	_ =	swait.ge [sflag:s23], $0x4000  }
0x8a: {  	[sflag:s23] =	ssyncset.done $0x0  }
0x8b: {  	[sflag:s23] =	ssyncadd.s32 $0xFFFFC000  }
0x8c: {  	[hbm4b:s17+s2] =	stream.linear.scatter [tilespmem:s22], [sflag:$0x3], $0x4000, $0x38;
	[tilespmem:$0x17D00] =	vst v63  }
0x8d: {  	_ =	swait.ge [sflag:s23], $0x4000  }
0x8e: {  	[sflag:s23] =	ssyncset.done $0x0  }
0x8f: {  	[sflag:s23] =	ssyncadd.s32 $0xFFFFC000  }
0x90: {  	[tilespmem:s22], [sflag:$0x3] =	stream.linear.gather [spmem:s11], $0x3C00, $0x38;
	[tilespmem:$0x17D00] =	vst v63  }
0x91: {  	s28 =	sadd.s32 $0x1, s28;
	_ =	swait.ge [sflag:s23], $0x3C00  }
0x92: {  	p0 =	sne.s32 s28, s19;
	[sflag:s23] =	ssyncset.done $0x0  }
.Ltmp1:
0x93: {  	[sflag:s23] =	ssyncadd.s32 $0xFFFFC400;
	(pc) =	sbr.rel @p0 .LBB2_1-.Ltmp1, $4  }
0x94: {  	[hbm4b:s18+s2] =	stream.linear.scatter [tilespmem:s22], [sflag:$0x3], $0x3C00, $0x38;
	[tilespmem:$0x17D00] =	vst v63  }
0x95: {  	_ =	swait.ge [sflag:s23], $0x3C00  }
0x96: {  	[sflag:s23] =	ssyncset.done $0x0  }
0x97: {  	[sflag:s23] =	ssyncadd.s32 $0xFFFFC400  }
0x98: {  	_ =	sfence.sel $0x180000  }
0x99: {  	[bflag:$0x0] =	sbarrier.arrive $0xFFFF  }
0x9a: {  	_ =	strace $0x9000004A  }
0x9b: {  	s0 =	stileid.u32;
	[bflag:$0x2] =	sbarrier.arrive $0xFFFF  }
0x9c: {  	p0 =	sne.s32 s0, $0x0;
	s0 =	rddreg [dreg:$0x2]  }
0x9d: {  	s0 =	sadd.s32 @!p0 $0x100000, s0  }
0x9e: {  	[sflag:s0] =	ssyncadd.tile.s32 @!p0 $0x1;
	_ =	shalt  }
.Lfunc_end2:
_tile_overlayer_lowered:
.L_overlay_start_2:
0x9f: {  	(tag) =	ssettag $0x2  }
0xa0: {  	s0 =	rddreg [dreg:$0x0];
	s2 =	stileid.u32  }
0xa1: {  	s1 =	rddreg [dreg:$0x1];
	p0 =	sne.s32 s2, $0x0  }
0xa2: {  	s3 =	rddreg [dreg:$0x2];
	[bflag:$0x3] =	sbarrier.arrive $0xFFFF;
	s2 =	simm.s32 @!p0 $0x1C03  }
0xa3: {  	[timem:s3], [sflag:s2] =	dma.local @!p0 [hbm:s0], s1  }
0xa4: {  	s0 =	simm.s32 @!p0 $0x3  }
0xa5: {  	_ =	swait.ge @!p0 [sflag:s0], s1  }
0xa6: {  	s1 =	ssub.s32 @!p0 $0x0, s1;
	[sflag:s0] =	ssyncset.done @!p0 $0x0  }
0xa7: {  	[sflag:s0] =	ssyncadd.s32 @!p0 s1  }
0xa8: {  	[bflag:$0x3] =	sbarrier.arrive $0xFFFF  }
0xa9: {  	_ =	shalt  }

// kernel: kernel.7.cloned.1.call-start
scs
__scs_entry_jumppad:
0x0: {  	(pc) =	sbr.rel $0x88, $3  }
0x1: {  	(tag) =	ssettag $0x0;
	lr =	simm.s32 $0x1  }
0x2: {  	[smem:$0x3F91] =	sst lr;
	_ =	strace $0xD0000000  }
0x3: {  	_ = 	snop  }
0x4: {  	_ = 	snop  }
0x5: {  	_ = 	snop  }
0x6: {  	_ = 	snop  }
0x7: {  	_ = 	snop  }
__scs_overlays_trampoline_lowered:
0x8: {  	[smem:$0x3FA0] =	sst s0  }
0x9: {  	[smem:$0x3FA1] =	sst s1  }
0xa: {  	[smem:$0x3FA2] =	sst s2  }
0xb: {  	[smem:$0x3FA3] =	sst s3  }
0xc: {  	[smem:$0x3FA4] =	sst s4  }
0xd: {  	[smem:$0x3FA5] =	sst s5  }
0xe: {  	[smem:$0x3FA6] =	sst s6  }
0xf: {  	[smem:$0x3FA7] =	sst s7  }
0x10: {  	[smem:$0x3FA8] =	sst s8  }
0x11: {  	[smem:$0x3FA9] =	sst s9;
	s0 =	simm.s32 @!p0 $0x0  }
0x12: {  	s1 =	sld [smem:$0x3F8F];
	s0 =	simm.s32 @p0 $0x1  }
0x13: {  	[smem:$0x3FAA] =	sst s0;
	s0 =	simm.s32 @!p1 $0x0  }
0x14: {  	s2 =	sld [smem:$0x3F8E];
	s0 =	simm.s32 @p1 $0x1  }
0x15: {  	[smem:$0x3FAB] =	sst s0;
	s0 =	simm.s32 @!p2 $0x0  }
0x16: {  	s3 =	sld [smem:$0x3FDB];
	s0 =	simm.s32 @p2 $0x1  }
0x17: {  	s4 =	simm.s32 $0x1BF5;
	[smem:$0x3FAD] =	sst s0  }
0x18: {  	s0 =	sld [smem:$0x3F90];
	_ =	swait.ge [sflag:s4], $0x0  }
0x19: {  	s7 =	sld [smem:$0x3F91]  }
0x1a: {  	s8 =	sadd.s32 $0xFFFFE003, lr  }
0x1b: {  	s9 =	sadd.s32 $0xFFFFFEF7, lr;
	s5 =	simm.s32 $0xFFFFFFFF;
	p2 =	slt.u32 s8, $0xFFFFF086  }
0x1c: {  	p1 =	slt.u32 s9, $0xF7A;
	s5 =	simm.s32 @!p2 $0x0  }
0x1d: {  	s5 =	simm.s32 @p1 $0x1;
	p0 =	seq.s32 s7, s2  }
0x1e: {  	s7 =	smul.u32 @!p0 $0xF7A, s2;
	p2 =	seq.s32 @!p0 s5, $0x0  }
0x1f: {  	s9 =	smul.u32 $0xF7A, s1;
	s8 =	simm.s32 @!p0 $0x1BF5;
	p2 =	por !p2, p0  }
0x20: {  	[sflag:s8] =	ssyncset.s32 @!p0 $0xFFFFF086;
	s6 =	sadd.s32 @!p0 s3, s7;
	s7 =	simm.s32 @!p0 $0x108  }
0x21: {  	s3 =	sadd.s32 s3, s9;
	s6 =	sadd.s32 @!p0 $0x88, s6;
	s7 =	simm.s32 @p2 $0x1082  }
0x22: {  	[simem:s7], [sflag:s8] =	dma.local @!p0 [hbm:s6], $0xF7A  }
0x23: {  	s9 =	sor.u32 $0xD0000000, s2;
	s6 =	simm.s32 $0x108;
	_ =	swait.ge @!p0 [sflag:s8], $0x0  }
0x24: {  	s3 =	sadd.s32 $0x88, s3;
	s6 =	simm.s32 @!p1 $0x1082;
	[sflag:s4] =	ssyncset.s32 $0xFFFFF086  }
0x25: {  	[simem:s6], [sflag:s4] =	dma.local [hbm:s3], $0xF7A  }
0x26: {  	[smem:$0x3F91] =	sst s1;
	(tag) =	ssettag s2;
	_ =	strace s9  }
0x27: {  	s1 =	sld [smem:$0x3FA1]  }
0x28: {  	s2 =	sld [smem:$0x3FA2]  }
0x29: {  	s4 =	sld [smem:$0x3FA4]  }
0x2a: {  	p0 =	seq.s32 s5, $0x0;
	s5 =	sld [smem:$0x3FA5]  }
0x2b: {  	s6 =	sld [smem:$0x3FA6]  }
0x2c: {  	s7 =	sld [smem:$0x3FA7]  }
0x2d: {  	s3 =	simm.s32 $0x108;
	s8 =	sld [smem:$0x3FA8]  }
0x2e: {  	s3 =	simm.s32 @!p0 $0x1082;
	s9 =	sld [smem:$0x3FA9]  }
0x2f: {  	lr =	sadd.s32 s0, s3;
	s0 =	sld [smem:$0x3FA0]  }
0x30: {  	s3 =	sld [smem:$0x3FA3]  }
0x31: {  	[smem:$0x3FAC] =	sst s10  }
0x32: {  	s10 =	sld [smem:$0x3FAA];
	_ =	sdelay $0x3  }
0x33: {  	p0 =	seq.s32 s10, $0x1;
	s10 =	sld [smem:$0x3FAC];
	_ =	sdelay $0x3  }
0x34: {  	[smem:$0x3FAC] =	sst s10  }
0x35: {  	s10 =	sld [smem:$0x3FAB];
	_ =	sdelay $0x3  }
0x36: {  	p1 =	seq.s32 s10, $0x1;
	s10 =	sld [smem:$0x3FAC];
	_ =	sdelay $0x3  }
0x37: {  	[smem:$0x3FAC] =	sst s10  }
0x38: {  	s10 =	sld [smem:$0x3FAD]  }
0x39: {  	_ = 	snop;
	(pc) =	sbr.ind lr, $3  }
0x3a: {  	_ = 	snop  }
0x3b: {  	_ = 	snop  }
0x3c: {  	p2 =	seq.s32 s10, $0x1;
	s10 =	sld [smem:$0x3FAC]  }
0x3d: {  	_ =	shalt  }
0x3e: {  	_ =	shalt  }
0x3f: {  	_ =	shalt  }
0x40: {  	_ =	shalt  }
0x41: {  	_ =	shalt  }
0x42: {  	_ =	shalt  }
0x43: {  	_ =	shalt  }
0x44: {  	_ =	shalt  }
0x45: {  	_ =	shalt  }
0x46: {  	_ =	shalt  }
0x47: {  	_ =	shalt  }
0x48: {  	_ =	shalt  }
0x49: {  	_ =	shalt  }
0x4a: {  	_ =	shalt  }
0x4b: {  	_ =	shalt  }
0x4c: {  	_ =	shalt  }
0x4d: {  	_ =	shalt  }
0x4e: {  	_ =	shalt  }
0x4f: {  	_ =	shalt  }
0x50: {  	_ =	shalt  }
0x51: {  	_ =	shalt  }
0x52: {  	_ =	shalt  }
0x53: {  	_ =	shalt  }
0x54: {  	_ =	shalt  }
0x55: {  	_ =	shalt  }
0x56: {  	_ =	shalt  }
0x57: {  	_ =	shalt  }
0x58: {  	_ =	shalt  }
0x59: {  	_ =	shalt  }
0x5a: {  	_ =	shalt  }
0x5b: {  	_ =	shalt  }
0x5c: {  	_ =	shalt  }
0x5d: {  	_ =	shalt  }
0x5e: {  	_ =	shalt  }
0x5f: {  	_ =	shalt  }
0x60: {  	_ =	shalt  }
0x61: {  	_ =	shalt  }
0x62: {  	_ =	shalt  }
0x63: {  	_ =	shalt  }
0x64: {  	_ =	shalt  }
0x65: {  	_ =	shalt  }
0x66: {  	_ =	shalt  }
0x67: {  	_ =	shalt  }
0x68: {  	_ =	shalt  }
0x69: {  	_ =	shalt  }
0x6a: {  	_ =	shalt  }
0x6b: {  	_ =	shalt  }
0x6c: {  	_ =	shalt  }
0x6d: {  	_ =	shalt  }
0x6e: {  	_ =	shalt  }
0x6f: {  	_ =	shalt  }
0x70: {  	_ =	shalt  }
0x71: {  	_ =	shalt  }
0x72: {  	_ =	shalt  }
0x73: {  	_ =	shalt  }
0x74: {  	_ =	shalt  }
0x75: {  	_ =	shalt  }
0x76: {  	_ =	shalt  }
0x77: {  	_ =	shalt  }
0x78: {  	_ =	shalt  }
0x79: {  	_ =	shalt  }
0x7a: {  	_ =	shalt  }
0x7b: {  	_ =	shalt  }
0x7c: {  	_ =	shalt  }
0x7d: {  	_ =	shalt  }
0x7e: {  	_ =	shalt  }
0x7f: {  	_ =	shalt  }
0x80: {  	_ =	shalt  }
0x81: {  	_ =	shalt  }
0x82: {  	_ =	shalt  }
0x83: {  	_ =	shalt  }
0x84: {  	_ =	shalt  }
0x85: {  	_ =	shalt  }
0x86: {  	_ =	shalt  }
0x87: {  	_ =	shalt  }
.Lfunc_end0:
.L_simem_size_0:
called_computation_lowered:
.L_overlay_start_0:
0x88: {  	s2 =	sld [smem:$0x3FD9]  }
0x89: {  	s3 =	sld [smem:$0x3FFE];
	_ =	sdelay $0x1  }
0x8a: {  	s1 =	srdreg.scid  }
0x8b: {  	s0 =	sand.u32 $0x1, s1  }
0x8c: {  	s17 =	sshll.u32 s0, $0xA;
	s2 =	sadd.s32 s3, s2  }
0x8d: {  	s2 =	sadd.s32 s2, s17  }
0x8e: {  	[smem:$0x3FB8] =	sst s2  }
0x8f: {  	_ = 	snop  }
0x90: {  	s2 =	sld [smem:$0x3FD0];
	(tm) =	ssettm $0x1  }
0x91: {  	s18 =	sld [smem:$0x3FFB];
	_ =	sdelay $0x3  }
0x92: {  	_ =	strace s18  }
0x93: {  	s3 =	sld [smem:$0x3FFC];
	_ =	sdelay $0x3  }
0x94: {  	_ =	strace s3  }
0x95: {  	s3 =	sld [smem:$0x3FFD];
	_ =	sdelay $0x3  }
0x96: {  	_ =	strace s3  }
0x97: {  	_ =	strace $0x8FFFFFFF  }
0x98: {  	s19 =	sld [smem:$0x3FDB];
	_ =	sdelay $0x1  }
0x99: {  	s4 =	simm.s32 $_scs_section_size  }
0x9a: {  	s5 =	simm.s32 $_size__tile_overlayer_lowered;
	s6 =	simm.s32 $_tile_overlayer_lowered  }
0x9b: {  	s22 =	simm.s32 $0x1BFF;
	s21 =	sshll.u32 s6, $0x1;
	s3 =	sadd.s32 s4, s19  }
0x9c: {  	s7 =	simm.s32 $0x0;
	s20 =	sshll.u32 s5, $0x1;
	s5 =	sadd.s32 s21, s3  }
0x9d: {  	[timem:s7], [sflag:s22] =	dma.local [hbm:s5], s20  }
0x9e: {  	_ =	swait.ge [sflag:s22], s20  }
0x9f: {  	s4 =	ssub.s32 $0x0, s20;
	[sflag:s22] =	ssyncset.done $0x0  }
0xa0: {  	[sflag:s22] =	ssyncadd.s32 s4;
	_ =	sdelay $0x1  }
0xa1: {  	s23 =	simm.s32 $0x1B8B  }
0xa2: {  	_ =	swait.ge [sflag:s23], $0x1  }
0xa3: {  	[sflag:s23] =	ssyncset.done $0x0  }
0xa4: {  	s25 =	simm.s32 $0x1B8E;
	s24 =	sld [smem:$0x3FFE];
	[sflag:s23] =	ssyncadd.s32 $0xFFFFFFFF  }
0xa5: {  	s26 =	simm.s32 $execute0_lowered;
	[smem:$0x3FD2] =	sst s25  }
0xa6: {  	s5 =	sshll.u32 s26, $0x1;
	_ =	strace $0x80000046;
	[dreg:$0x1] =	wrdreg $0xFFFFFFFF  }
0xa7: {  	s28 =	simm.s32 $_size_execute0_lowered;
	s3 =	sadd.s32 s3, s5;
	[dreg:$0x0] =	wrdreg $0x0  }
0xa8: {  	s5 =	sshll.u32 s28, $0x1;
	[dreg:$0x2] =	wrdreg s3  }
0xa9: {  	[dreg:$0x3] =	wrdreg s5  }
0xaa: {  	[dreg:$0x4] =	wrdreg $0xC0  }
0xab: {  	_ =	task [dreg:s7], $0x5FFFF  }
0xac: {  	[dreg:$0x1] =	wrdreg $0xFFFFFFFF  }
0xad: {  	[dreg:$0x0] =	wrdreg $0x60  }
0xae: {  	[dreg:$0x2] =	wrdreg s24  }
0xaf: {  	[dreg:$0x3] =	wrdreg s2  }
0xb0: {  	[dreg:$0x4] =	wrdreg $0x88000  }
0xb1: {  	[dreg:$0x5] =	wrdreg $0x9  }
0xb2: {  	_ =	task.clear_ibuf [dreg:s7], $0x6FFFF;
	_ =	strace $0x90000046  }
0xb3: {  	s29 =	simm.s32 $0x9;
	_ =	strace $0x80000048  }
0xb4: {  	_ =	swait.ge [sflag:s29], $0x1  }
0xb5: {  	[sflag:s29] =	ssyncadd.s32 $0xFFFFFFFF  }
0xb6: {  	_ =	strace $0x90000048  }
0xb7: {  	_ =	sfence  }
0xb8: {  	s30 =	sld [smem:$0x0];
	_ =	sdelay $0x2  }
0xb9: {  	s31 =	sshll.u32 s1, $0xD;
	s1 =	sshrl.u32 s1, $0x2  }
0xba: {  	s3 =	sand.u32 $0x4000, s31;
	s1 =	sadd.s32 s1, s30  }
0xbb: {  	s0 =	sor.u32 s3, s0;
	s1 =	sshll.u32 s1, $0x11  }
0xbc: {  	s0 =	sor.u32 s1, s0  }
0xbd: {  	s0 =	sadd.s32 $0x8F2B, s0  }
0xbe: {  	[sflag:s0] =	ssyncadd.remote.s32 $0x1  }
0xbf: {  	_ =	sfence.sel $0xFFFF  }
0xc0: {  	[dreg:$0x0] =	wrdreg $0xFFFFFFFF;
	(pc) =	sbr.abs _section_cstart, $3  }
0xc1: {  	[dreg:$0x1] =	wrdreg $0xFFFFFFFF  }
0xc2: {  	_ =	task.clear_ibuf [dreg:s7], $0x2FFFF;
	_ =	strace $0x9FFFFFFF  }
0xc3: {  	(tm) =	ssettm $0x7FFFFFFF  }
tec
execute0_lowered:
.L_overlay_start_1:
0x0: {  	(tag) =	ssettag $0x1  }
0x1: {  	s0 =	rddreg [dreg:$0x0]  }
0x2: {  	s3 =	rddreg [dreg:$0x1]  }
0x3: {  	s1 =	rddreg [dreg:$0x2]  }
0x4: {  	s2 =	simm.s32 $0x0;
	s4 =	srdreg.scid;
	s19 =	stileid.u32  }
0x5: {  	s28 =	simm.s32 $0x480;
	s29 =	simm.s32 $0x180;
	s30 =	simm.s32 $0x500  }
0x6: {  	s31 =	simm.s32 $0x200;
	[smem:$0x7FF] =	sst s2;
	s7 =	smul.u32 $0x4F000, s19  }
0x7: {  	s5 =	sand.u32 $0x1, s4;
	s4 =	sadd.s32 $0x16600, s0;
	s11 =	smul.u32 $0x13C00, s19  }
0x8: {  	s9 =	sadd.s32 $0x64800, s0;
	s24 =	smul.u32 $0x500, s19;
	s19 =	simm.s32 $0x800  }
0x9: {  	s6 =	smul.u32 $0x5000, s5;
	_ =	strace $0x80000047;
	s18 =	ssub.s32 $0x2, s5  }
0xa: {  	[dreg:$0x4] =	wrdreg s9;
	s5 =	smul.u32 $0x13C000, s5;
	s10 =	sshrl.u32 s18, $0x1  }
0xb: {  	s7 =	sshrl.u32 s7, $0x2;
	s20 =	sadd.s32 $0x4000, s11;
	s13 =	sadd.s32 $0x8000, s11  }
0xc: {  	s14 =	sadd.s32 $0xC000, s11;
	s15 =	sadd.s32 $0x10000, s11;
	s8 =	sadd.s32 s6, s0  }
0xd: {  	s0 =	sadd.s32 $0x65000, s0;
	s12 =	ssub.s32 s18, s10;
	s9 =	sadd.s32 s7, s1  }
0xe: {  	s10 =	sadd.s32 s20, s1;
	s17 =	sadd.s32 s13, s1;
	s18 =	sadd.s32 s14, s1  }
0xf: {  	s11 =	sadd.s32 s11, s5;
	s16 =	sadd.s32 s15, s1;
	s7 =	sadd.s32 s5, s20  }
0x10: {  	s21 =	sadd.s32 s5, s13;
	s23 =	sadd.s32 s5, s14;
	s5 =	sadd.s32 s5, s15  }
0x11: {  	s3 =	sadd.s32 s6, s3;
	s20 =	simm.s32 $0x3;
	s13 =	simm.s32 $0x380  }
0x12: {  	s14 =	simm.s32 $0x700;
	s15 =	simm.s32 $0x780;
	s6 =	simm.s32 $0x0  }
0x13: {  	s11 =	sshrl.u32 s11, $0x3;
	s7 =	sshrl.u32 s7, $0x3;
	[dreg:$0x10] =	wrdreg s6  }
0x14: {  	s22 =	sshrl.u32 s21, $0x3;
	s5 =	sshrl.u32 s5, $0x3;
	[dreg:$0x5] =	wrdreg s9  }
0x15: {  	s25 =	sadd.s32 s24, s8;
	s8 =	smov.u32 s18;
	[dreg:$0x6] =	wrdreg s10  }
0x16: {  	s26 =	smax.u32 s12, $0x1;
	s18 =	sadd.s32 s24, s3;
	[dreg:$0x9] =	wrdreg s16  }
0x17: {  	s21 =	simm.s32 $0x400;
	s24 =	simm.s32 $0x1;
	[dreg:$0xf] =	wrdreg s26  }
0x18: {  	s3 =	simm.s32 $0x280;
	s11 =	sadd.s32 s0, s11;
	[dreg:$0x8] =	wrdreg s8  }
0x19: {  	s12 =	simm.s32 $0x680;
	s7 =	sadd.s32 s0, s7;
	[dreg:$0xa] =	wrdreg s11  }
0x1a: {  	s26 =	simm.s32 $0x2;
	[dreg:$0xb] =	wrdreg s7;
	s11 =	sshrl.u32 s23, $0x3  }
0x1b: {  	s7 =	sadd.s32 s0, s22;
	s22 =	simm.s32 $0x80;
	s23 =	simm.s32 $0x4800  }
0x1c: {  	[dreg:$0xc] =	wrdreg s7;
	s7 =	smov.u32 s17;
	s11 =	sadd.s32 s0, s11  }
0x1d: {  	s0 =	sadd.s32 s0, s5;
	s17 =	sadd.s32 $0x2600, s25;
	[dreg:$0xd] =	wrdreg s11  }
0x1e: {  	s25 =	simm.s32 $0x100;
	s5 =	simm.s32 $0x600;
	[dreg:$0xe] =	wrdreg s0  }
0x1f: {  	s0 =	simm.s32 $0x580;
	s11 =	simm.s32 $0x300;
	[dreg:$0x7] =	wrdreg s7  }
.LBB2_1:
0x20: {  	s6 =	rddreg [dreg:$0x4]  }
0x21: {  	[tilespmem:s19], [sflag:$0x3] =	stream.linear.gather [hbm4b:s6+s2], $0x4000, $0x38;
	[tilespmem:$0x1C400] =	vst v63  }
0x22: {  	_ =	swait.ge [sflag:s20], $0x4000  }
0x23: {  	[sflag:s20] =	ssyncset.done $0x0  }
0x24: {  	[sflag:s20] =	ssyncadd.s32 $0xFFFFC000  }
0x25: {  	[spmem:s9] =	stream.linear.scatter [tilespmem:s19], [sflag:$0x3], $0x4000, $0x38;
	[tilespmem:$0x1C400] =	vst v63  }
0x26: {  	_ =	swait.ge [sflag:s20], $0x4000  }
0x27: {  	[sflag:s20] =	ssyncset.done $0x0  }
0x28: {  	[sflag:s20] =	ssyncadd.s32 $0xFFFFC000  }
0x29: {  	[spmem:s10] =	stream.linear.scatter [tilespmem:s19], [sflag:$0x3], $0x4000, $0x38;
	[tilespmem:$0x1C400] =	vst v63  }
0x2a: {  	_ =	swait.ge [sflag:s20], $0x4000  }
0x2b: {  	[sflag:s20] =	ssyncset.done $0x0  }
0x2c: {  	[sflag:s20] =	ssyncadd.s32 $0xFFFFC000  }
0x2d: {  	[spmem:s7] =	stream.linear.scatter [tilespmem:s19], [sflag:$0x3], $0x4000, $0x38;
	[tilespmem:$0x1C400] =	vst v63  }
0x2e: {  	_ =	swait.ge [sflag:s20], $0x4000  }
0x2f: {  	[sflag:s20] =	ssyncset.done $0x0  }
0x30: {  	[sflag:s20] =	ssyncadd.s32 $0xFFFFC000  }
0x31: {  	[spmem:s8] =	stream.linear.scatter [tilespmem:s19], [sflag:$0x3], $0x4000, $0x38;
	[tilespmem:$0x1C400] =	vst v63  }
0x32: {  	_ =	swait.ge [sflag:s20], $0x4000  }
0x33: {  	[sflag:s20] =	ssyncset.done $0x0  }
0x34: {  	[sflag:s20] =	ssyncadd.s32 $0xFFFFC000  }
0x35: {  	[spmem:s16] =	stream.linear.scatter [tilespmem:s19], [sflag:$0x3], $0x3C00, $0x38;
	[tilespmem:$0x1C400] =	vst v63  }
0x36: {  	_ =	swait.ge [sflag:s20], $0x3C00  }
0x37: {  	[sflag:s20] =	ssyncset.done $0x0  }
0x38: {  	[sflag:s20] =	ssyncadd.s32 $0xFFFFC400  }
0x39: {  	s10 =	sadd.s32 $0x0, s18;
	[bflag:$0x0] =	sbarrier.arrive $0xFFFF  }
0x3a: {  	[tilespmem:s2], [sflag:$0x3] =	stream.linear.gather [hbm4b:s10+s2], $0x400, $0x38;
	[tilespmem:$0x1C400] =	vst v63  }
0x3b: {  	_ =	swait.ge [sflag:s20], $0x400  }
0x3c: {  	[sflag:s20] =	ssyncset.done $0x0  }
0x3d: {  	s16 =	sadd.s32 $0x0, s17;
	[sflag:s20] =	ssyncadd.s32 $0xFFFFFC00  }
0x3e: {  	[tilespmem:s21], [sflag:$0x3] =	stream.linear.gather [hbm4b:s16+s2], $0x400, $0x38;
	[tilespmem:$0x1C400] =	vst v63  }
0x3f: {  	_ =	swait.ge [sflag:s20], $0x400  }
0x40: {  	[sflag:s20] =	ssyncset.done $0x0  }
0x41: {  	[sflag:s20] =	ssyncadd.s32 $0xFFFFFC00  }
0x42: {  	[tilespmem:s19], [sflag:$0x1] =	stream.indirect.gather [hbm4b:s4+s22], $0x80, s2, s22, $0xb8;
	[tilespmem:$0x1C400] =	vst v63  }
0x43: {  	_ = 	snop  }
0x44: {  	[tilespmem:s23], [sflag:$0x2] =	stream.indirect.gather [hbm4b:s4+s22], $0x80, s22, s22, $0xb8;
	[tilespmem:$0x1C400] =	vst v63  }
0x45: {  	_ =	swait.ge [sflag:s24], $0x4000  }
0x46: {  	[sflag:s24] =	ssyncset.done $0x0  }
0x47: {  	[sflag:s24] =	ssyncadd.s32 $0xFFFFC000  }
0x48: {  	[spmem:s1] =	stream.indirect.scatter.add.f32 [tilespmem:s19], [sflag:$0x3], $0x80, s21, s22, $0xb8;
	[tilespmem:$0x1C400] =	vst v63  }
0x49: {  	_ =	swait.ge [sflag:s20], $0x4000  }
0x4a: {  	[sflag:s20] =	ssyncset.done $0x0  }
0x4b: {  	[sflag:s20] =	ssyncadd.s32 $0xFFFFC000  }
0x4c: {  	[tilespmem:s19], [sflag:$0x1] =	stream.indirect.gather [hbm4b:s4+s22], $0x80, s25, s22, $0xb8;
	[tilespmem:$0x1C400] =	vst v63  }
0x4d: {  	_ =	swait.ge [sflag:s26], $0x4000  }
0x4e: {  	[sflag:s26] =	ssyncset.done $0x0  }
0x4f: {  	[sflag:s26] =	ssyncadd.s32 $0xFFFFC000  }
0x50: {  	[spmem:s1] =	stream.indirect.scatter.add.f32 [tilespmem:s23], [sflag:$0x3], $0x80, s28, s22, $0xb8;
	[tilespmem:$0x1C400] =	vst v63  }
0x51: {  	_ =	swait.ge [sflag:s20], $0x4000  }
0x52: {  	[sflag:s20] =	ssyncset.done $0x0  }
0x53: {  	[sflag:s20] =	ssyncadd.s32 $0xFFFFC000  }
0x54: {  	[tilespmem:s23], [sflag:$0x2] =	stream.indirect.gather [hbm4b:s4+s22], $0x80, s29, s22, $0xb8;
	[tilespmem:$0x1C400] =	vst v63  }
0x55: {  	_ =	swait.ge [sflag:s24], $0x4000  }
0x56: {  	[sflag:s24] =	ssyncset.done $0x0  }
0x57: {  	[sflag:s24] =	ssyncadd.s32 $0xFFFFC000  }
0x58: {  	[spmem:s1] =	stream.indirect.scatter.add.f32 [tilespmem:s19], [sflag:$0x3], $0x80, s30, s22, $0xb8;
	[tilespmem:$0x1C400] =	vst v63  }
0x59: {  	_ =	swait.ge [sflag:s20], $0x4000  }
0x5a: {  	[sflag:s20] =	ssyncset.done $0x0  }
0x5b: {  	[sflag:s20] =	ssyncadd.s32 $0xFFFFC000  }
0x5c: {  	[tilespmem:s19], [sflag:$0x1] =	stream.indirect.gather [hbm4b:s4+s22], $0x80, s31, s22, $0xb8;
	[tilespmem:$0x1C400] =	vst v63  }
0x5d: {  	_ =	swait.ge [sflag:s26], $0x4000  }
0x5e: {  	[sflag:s26] =	ssyncset.done $0x0  }
0x5f: {  	[sflag:s26] =	ssyncadd.s32 $0xFFFFC000  }
0x60: {  	[spmem:s1] =	stream.indirect.scatter.add.f32 [tilespmem:s23], [sflag:$0x3], $0x80, s0, s22, $0xb8;
	[tilespmem:$0x1C400] =	vst v63  }
0x61: {  	_ =	swait.ge [sflag:s20], $0x4000  }
0x62: {  	[sflag:s20] =	ssyncset.done $0x0  }
0x63: {  	[sflag:s20] =	ssyncadd.s32 $0xFFFFC000  }
0x64: {  	[tilespmem:s23], [sflag:$0x2] =	stream.indirect.gather [hbm4b:s4+s22], $0x80, s3, s22, $0xb8;
	[tilespmem:$0x1C400] =	vst v63  }
0x65: {  	_ =	swait.ge [sflag:s24], $0x4000  }
0x66: {  	[sflag:s24] =	ssyncset.done $0x0  }
0x67: {  	[sflag:s24] =	ssyncadd.s32 $0xFFFFC000  }
0x68: {  	[spmem:s1] =	stream.indirect.scatter.add.f32 [tilespmem:s19], [sflag:$0x3], $0x80, s5, s22, $0xb8;
	[tilespmem:$0x1C400] =	vst v63  }
0x69: {  	_ =	swait.ge [sflag:s20], $0x4000  }
0x6a: {  	[sflag:s20] =	ssyncset.done $0x0  }
0x6b: {  	[sflag:s20] =	ssyncadd.s32 $0xFFFFC000  }
0x6c: {  	[tilespmem:s19], [sflag:$0x1] =	stream.indirect.gather [hbm4b:s4+s22], $0x80, s11, s22, $0xb8;
	[tilespmem:$0x1C400] =	vst v63  }
0x6d: {  	_ =	swait.ge [sflag:s26], $0x4000  }
0x6e: {  	[sflag:s26] =	ssyncset.done $0x0  }
0x6f: {  	[sflag:s26] =	ssyncadd.s32 $0xFFFFC000  }
0x70: {  	[spmem:s1] =	stream.indirect.scatter.add.f32 [tilespmem:s23], [sflag:$0x3], $0x80, s12, s22, $0xb8;
	[tilespmem:$0x1C400] =	vst v63  }
0x71: {  	_ =	swait.ge [sflag:s20], $0x4000  }
0x72: {  	[sflag:s20] =	ssyncset.done $0x0  }
0x73: {  	[sflag:s20] =	ssyncadd.s32 $0xFFFFC000  }
0x74: {  	[tilespmem:s23], [sflag:$0x2] =	stream.indirect.gather [hbm4b:s4+s22], $0x80, s13, s22, $0xb8;
	[tilespmem:$0x1C400] =	vst v63  }
0x75: {  	_ =	swait.ge [sflag:s24], $0x4000  }
0x76: {  	[sflag:s24] =	ssyncset.done $0x0  }
0x77: {  	[sflag:s24] =	ssyncadd.s32 $0xFFFFC000  }
0x78: {  	[spmem:s1] =	stream.indirect.scatter.add.f32 [tilespmem:s19], [sflag:$0x3], $0x80, s14, s22, $0xb8;
	[tilespmem:$0x1C400] =	vst v63  }
0x79: {  	_ =	swait.ge [sflag:s20], $0x4000  }
0x7a: {  	[sflag:s20] =	ssyncset.done $0x0  }
0x7b: {  	[sflag:s20] =	ssyncadd.s32 $0xFFFFC000  }
0x7c: {  	_ =	swait.ge [sflag:s26], $0x4000  }
0x7d: {  	[sflag:s26] =	ssyncset.done $0x0  }
0x7e: {  	[sflag:s26] =	ssyncadd.s32 $0xFFFFC000  }
0x7f: {  	[spmem:s1] =	stream.indirect.scatter.add.f32 [tilespmem:s23], [sflag:$0x3], $0x80, s15, s22, $0xb8;
	[tilespmem:$0x1C400] =	vst v63  }
0x80: {  	_ =	swait.ge [sflag:s20], $0x4000  }
0x81: {  	s6 =	simm.s32 $0x80;
	s7 =	simm.s32 $0x100;
	[sflag:s20] =	ssyncset.done $0x0  }
.LBB2_2:
0x82: {  	s9 =	sadd.s32 s6, s18  }
0x83: {  	[sflag:s20] =	ssyncadd.s32 $0xFFFFC000;
	s10 =	smov.u32 s7;
	s8 =	sadd.s32 $0x80, s7  }
0x84: {  	[tilespmem:s2], [sflag:$0x3] =	stream.linear.gather [hbm4b:s9+s2], $0x400, $0x38;
	[tilespmem:$0x1C400] =	vst v63  }
0x85: {  	p0 =	sne.s32 s7, $0x480;
	_ =	swait.ge [sflag:s20], $0x400  }
0x86: {  	[sflag:s20] =	ssyncset.done $0x0  }
0x87: {  	s7 =	sadd.s32 s6, s17;
	s6 =	smov.u32 s10;
	[sflag:s20] =	ssyncadd.s32 $0xFFFFFC00  }
0x88: {  	[tilespmem:s21], [sflag:$0x3] =	stream.linear.gather [hbm4b:s7+s2], $0x400, $0x38;
	[tilespmem:$0x1C400] =	vst v63  }
0x89: {  	_ =	swait.ge [sflag:s20], $0x400  }
0x8a: {  	[sflag:s20] =	ssyncset.done $0x0  }
0x8b: {  	[sflag:s20] =	ssyncadd.s32 $0xFFFFFC00  }
0x8c: {  	[tilespmem:s19], [sflag:$0x1] =	stream.indirect.gather [hbm4b:s4+s22], $0x80, s2, s22, $0xb8;
	[tilespmem:$0x1C400] =	vst v63  }
0x8d: {  	_ = 	snop  }
0x8e: {  	[tilespmem:s23], [sflag:$0x2] =	stream.indirect.gather [hbm4b:s4+s22], $0x80, s22, s22, $0xb8;
	[tilespmem:$0x1C400] =	vst v63  }
0x8f: {  	_ =	swait.ge [sflag:s24], $0x4000  }
0x90: {  	[sflag:s24] =	ssyncset.done $0x0  }
0x91: {  	[sflag:s24] =	ssyncadd.s32 $0xFFFFC000  }
0x92: {  	[spmem:s1] =	stream.indirect.scatter.add.f32 [tilespmem:s19], [sflag:$0x3], $0x80, s21, s22, $0xb8;
	[tilespmem:$0x1C400] =	vst v63  }
0x93: {  	_ =	swait.ge [sflag:s20], $0x4000  }
0x94: {  	[sflag:s20] =	ssyncset.done $0x0  }
0x95: {  	[sflag:s20] =	ssyncadd.s32 $0xFFFFC000  }
0x96: {  	[tilespmem:s19], [sflag:$0x1] =	stream.indirect.gather [hbm4b:s4+s22], $0x80, s25, s22, $0xb8;
	[tilespmem:$0x1C400] =	vst v63  }
0x97: {  	_ =	swait.ge [sflag:s26], $0x4000  }
0x98: {  	[sflag:s26] =	ssyncset.done $0x0  }
0x99: {  	[sflag:s26] =	ssyncadd.s32 $0xFFFFC000  }
0x9a: {  	[spmem:s1] =	stream.indirect.scatter.add.f32 [tilespmem:s23], [sflag:$0x3], $0x80, s28, s22, $0xb8;
	[tilespmem:$0x1C400] =	vst v63  }
0x9b: {  	_ =	swait.ge [sflag:s20], $0x4000  }
0x9c: {  	[sflag:s20] =	ssyncset.done $0x0  }
0x9d: {  	[sflag:s20] =	ssyncadd.s32 $0xFFFFC000  }
0x9e: {  	[tilespmem:s23], [sflag:$0x2] =	stream.indirect.gather [hbm4b:s4+s22], $0x80, s29, s22, $0xb8;
	[tilespmem:$0x1C400] =	vst v63  }
0x9f: {  	_ =	swait.ge [sflag:s24], $0x4000  }
0xa0: {  	[sflag:s24] =	ssyncset.done $0x0  }
0xa1: {  	[sflag:s24] =	ssyncadd.s32 $0xFFFFC000  }
0xa2: {  	[spmem:s1] =	stream.indirect.scatter.add.f32 [tilespmem:s19], [sflag:$0x3], $0x80, s30, s22, $0xb8;
	[tilespmem:$0x1C400] =	vst v63  }
0xa3: {  	_ =	swait.ge [sflag:s20], $0x4000  }
0xa4: {  	[sflag:s20] =	ssyncset.done $0x0  }
0xa5: {  	[sflag:s20] =	ssyncadd.s32 $0xFFFFC000  }
0xa6: {  	[tilespmem:s19], [sflag:$0x1] =	stream.indirect.gather [hbm4b:s4+s22], $0x80, s31, s22, $0xb8;
	[tilespmem:$0x1C400] =	vst v63  }
0xa7: {  	_ =	swait.ge [sflag:s26], $0x4000  }
0xa8: {  	[sflag:s26] =	ssyncset.done $0x0  }
0xa9: {  	[sflag:s26] =	ssyncadd.s32 $0xFFFFC000  }
0xaa: {  	[spmem:s1] =	stream.indirect.scatter.add.f32 [tilespmem:s23], [sflag:$0x3], $0x80, s0, s22, $0xb8;
	[tilespmem:$0x1C400] =	vst v63  }
0xab: {  	_ =	swait.ge [sflag:s20], $0x4000  }
0xac: {  	[sflag:s20] =	ssyncset.done $0x0  }
0xad: {  	[sflag:s20] =	ssyncadd.s32 $0xFFFFC000  }
0xae: {  	[tilespmem:s23], [sflag:$0x2] =	stream.indirect.gather [hbm4b:s4+s22], $0x80, s3, s22, $0xb8;
	[tilespmem:$0x1C400] =	vst v63  }
0xaf: {  	_ =	swait.ge [sflag:s24], $0x4000  }
0xb0: {  	[sflag:s24] =	ssyncset.done $0x0  }
0xb1: {  	[sflag:s24] =	ssyncadd.s32 $0xFFFFC000  }
0xb2: {  	[spmem:s1] =	stream.indirect.scatter.add.f32 [tilespmem:s19], [sflag:$0x3], $0x80, s5, s22, $0xb8;
	[tilespmem:$0x1C400] =	vst v63  }
0xb3: {  	_ =	swait.ge [sflag:s20], $0x4000  }
0xb4: {  	[sflag:s20] =	ssyncset.done $0x0  }
0xb5: {  	[sflag:s20] =	ssyncadd.s32 $0xFFFFC000  }
0xb6: {  	[tilespmem:s19], [sflag:$0x1] =	stream.indirect.gather [hbm4b:s4+s22], $0x80, s11, s22, $0xb8;
	[tilespmem:$0x1C400] =	vst v63  }
0xb7: {  	_ =	swait.ge [sflag:s26], $0x4000  }
0xb8: {  	[sflag:s26] =	ssyncset.done $0x0  }
0xb9: {  	[sflag:s26] =	ssyncadd.s32 $0xFFFFC000  }
0xba: {  	[spmem:s1] =	stream.indirect.scatter.add.f32 [tilespmem:s23], [sflag:$0x3], $0x80, s12, s22, $0xb8;
	[tilespmem:$0x1C400] =	vst v63  }
0xbb: {  	_ =	swait.ge [sflag:s20], $0x4000  }
0xbc: {  	[sflag:s20] =	ssyncset.done $0x0  }
0xbd: {  	[sflag:s20] =	ssyncadd.s32 $0xFFFFC000  }
0xbe: {  	[tilespmem:s23], [sflag:$0x2] =	stream.indirect.gather [hbm4b:s4+s22], $0x80, s13, s22, $0xb8;
	[tilespmem:$0x1C400] =	vst v63  }
0xbf: {  	_ =	swait.ge [sflag:s24], $0x4000  }
0xc0: {  	[sflag:s24] =	ssyncset.done $0x0  }
0xc1: {  	[sflag:s24] =	ssyncadd.s32 $0xFFFFC000  }
0xc2: {  	[spmem:s1] =	stream.indirect.scatter.add.f32 [tilespmem:s19], [sflag:$0x3], $0x80, s14, s22, $0xb8;
	[tilespmem:$0x1C400] =	vst v63  }
0xc3: {  	_ =	swait.ge [sflag:s20], $0x4000  }
0xc4: {  	[sflag:s20] =	ssyncset.done $0x0  }
0xc5: {  	[sflag:s20] =	ssyncadd.s32 $0xFFFFC000  }
0xc6: {  	_ =	swait.ge [sflag:s26], $0x4000  }
.Ltmp0:
0xc7: {  	[sflag:s26] =	ssyncset.done $0x0;
	(pc) =	sbr.rel @p0 .LBB2_2-.Ltmp0, $4  }
0xc8: {  	[sflag:s26] =	ssyncadd.s32 $0xFFFFC000  }
0xc9: {  	[spmem:s1] =	stream.indirect.scatter.add.f32 [tilespmem:s23], [sflag:$0x3], $0x80, s15, s22, $0xb8;
	[tilespmem:$0x1C400] =	vst v63  }
0xca: {  	_ =	swait.ge [sflag:s20], $0x4000  }
0xcb: {  	s7 =	smov.u32 s8;
	[sflag:s20] =	ssyncset.done $0x0  }
0xcc: {  	s7 =	sadd.s32 s6, s18;
	[sflag:s20] =	ssyncadd.s32 $0xFFFFC000  }
0xcd: {  	[tilespmem:s2], [sflag:$0x3] =	stream.linear.gather [hbm4b:s7+s2], $0x400, $0x38;
	[tilespmem:$0x1C400] =	vst v63  }
0xce: {  	_ =	swait.ge [sflag:s20], $0x400  }
0xcf: {  	[sflag:s20] =	ssyncset.done $0x0  }
0xd0: {  	s10 =	sadd.s32 s6, s17;
	[sflag:s20] =	ssyncadd.s32 $0xFFFFFC00  }
0xd1: {  	[tilespmem:s21], [sflag:$0x3] =	stream.linear.gather [hbm4b:s10+s2], $0x400, $0x38;
	[tilespmem:$0x1C400] =	vst v63  }
0xd2: {  	_ =	swait.ge [sflag:s20], $0x400  }
0xd3: {  	[sflag:s20] =	ssyncset.done $0x0  }
0xd4: {  	[sflag:s20] =	ssyncadd.s32 $0xFFFFFC00  }
0xd5: {  	[tilespmem:s19], [sflag:$0x1] =	stream.indirect.gather [hbm4b:s4+s22], $0x80, s2, s22, $0xb8;
	[tilespmem:$0x1C400] =	vst v63  }
0xd6: {  	_ = 	snop  }
0xd7: {  	[tilespmem:s23], [sflag:$0x2] =	stream.indirect.gather [hbm4b:s4+s22], $0x80, s22, s22, $0xb8;
	[tilespmem:$0x1C400] =	vst v63  }
0xd8: {  	_ =	swait.ge [sflag:s24], $0x4000  }
0xd9: {  	[sflag:s24] =	ssyncset.done $0x0  }
0xda: {  	[sflag:s24] =	ssyncadd.s32 $0xFFFFC000  }
0xdb: {  	[spmem:s1] =	stream.indirect.scatter.add.f32 [tilespmem:s19], [sflag:$0x3], $0x80, s21, s22, $0xb8;
	[tilespmem:$0x1C400] =	vst v63  }
0xdc: {  	_ =	swait.ge [sflag:s20], $0x4000  }
0xdd: {  	[sflag:s20] =	ssyncset.done $0x0  }
0xde: {  	[sflag:s20] =	ssyncadd.s32 $0xFFFFC000  }
0xdf: {  	[tilespmem:s19], [sflag:$0x1] =	stream.indirect.gather [hbm4b:s4+s22], $0x80, s25, s22, $0xb8;
	[tilespmem:$0x1C400] =	vst v63  }
0xe0: {  	_ =	swait.ge [sflag:s26], $0x4000  }
0xe1: {  	[sflag:s26] =	ssyncset.done $0x0  }
0xe2: {  	[sflag:s26] =	ssyncadd.s32 $0xFFFFC000  }
0xe3: {  	[spmem:s1] =	stream.indirect.scatter.add.f32 [tilespmem:s23], [sflag:$0x3], $0x80, s28, s22, $0xb8;
	[tilespmem:$0x1C400] =	vst v63  }
0xe4: {  	_ =	swait.ge [sflag:s20], $0x4000  }
0xe5: {  	[sflag:s20] =	ssyncset.done $0x0  }
0xe6: {  	[sflag:s20] =	ssyncadd.s32 $0xFFFFC000  }
0xe7: {  	[tilespmem:s23], [sflag:$0x2] =	stream.indirect.gather [hbm4b:s4+s22], $0x80, s29, s22, $0xb8;
	[tilespmem:$0x1C400] =	vst v63  }
0xe8: {  	_ =	swait.ge [sflag:s24], $0x4000  }
0xe9: {  	[sflag:s24] =	ssyncset.done $0x0  }
0xea: {  	[sflag:s24] =	ssyncadd.s32 $0xFFFFC000  }
0xeb: {  	[spmem:s1] =	stream.indirect.scatter.add.f32 [tilespmem:s19], [sflag:$0x3], $0x80, s30, s22, $0xb8;
	[tilespmem:$0x1C400] =	vst v63  }
0xec: {  	_ =	swait.ge [sflag:s20], $0x4000  }
0xed: {  	[sflag:s20] =	ssyncset.done $0x0  }
0xee: {  	[sflag:s20] =	ssyncadd.s32 $0xFFFFC000  }
0xef: {  	[tilespmem:s19], [sflag:$0x1] =	stream.indirect.gather [hbm4b:s4+s22], $0x80, s31, s22, $0xb8;
	[tilespmem:$0x1C400] =	vst v63  }
0xf0: {  	_ =	swait.ge [sflag:s26], $0x4000  }
0xf1: {  	[sflag:s26] =	ssyncset.done $0x0  }
0xf2: {  	[sflag:s26] =	ssyncadd.s32 $0xFFFFC000  }
0xf3: {  	[spmem:s1] =	stream.indirect.scatter.add.f32 [tilespmem:s23], [sflag:$0x3], $0x80, s0, s22, $0xb8;
	[tilespmem:$0x1C400] =	vst v63  }
0xf4: {  	_ =	swait.ge [sflag:s20], $0x4000  }
0xf5: {  	[sflag:s20] =	ssyncset.done $0x0  }
0xf6: {  	[sflag:s20] =	ssyncadd.s32 $0xFFFFC000  }
0xf7: {  	[tilespmem:s23], [sflag:$0x2] =	stream.indirect.gather [hbm4b:s4+s22], $0x80, s3, s22, $0xb8;
	[tilespmem:$0x1C400] =	vst v63  }
0xf8: {  	_ =	swait.ge [sflag:s24], $0x4000  }
0xf9: {  	[sflag:s24] =	ssyncset.done $0x0  }
0xfa: {  	[sflag:s24] =	ssyncadd.s32 $0xFFFFC000  }
0xfb: {  	[spmem:s1] =	stream.indirect.scatter.add.f32 [tilespmem:s19], [sflag:$0x3], $0x80, s5, s22, $0xb8;
	[tilespmem:$0x1C400] =	vst v63  }
0xfc: {  	_ =	swait.ge [sflag:s20], $0x4000  }
0xfd: {  	[sflag:s20] =	ssyncset.done $0x0  }
0xfe: {  	[sflag:s20] =	ssyncadd.s32 $0xFFFFC000  }
0xff: {  	[tilespmem:s19], [sflag:$0x1] =	stream.indirect.gather [hbm4b:s4+s22], $0x80, s11, s22, $0xb8;
	[tilespmem:$0x1C400] =	vst v63  }
0x100: {  	_ =	swait.ge [sflag:s26], $0x4000  }
0x101: {  	[sflag:s26] =	ssyncset.done $0x0  }
0x102: {  	[sflag:s26] =	ssyncadd.s32 $0xFFFFC000  }
0x103: {  	[spmem:s1] =	stream.indirect.scatter.add.f32 [tilespmem:s23], [sflag:$0x3], $0x80, s12, s22, $0xb8;
	[tilespmem:$0x1C400] =	vst v63  }
0x104: {  	_ =	swait.ge [sflag:s20], $0x4000  }
0x105: {  	[sflag:s20] =	ssyncset.done $0x0  }
0x106: {  	[sflag:s20] =	ssyncadd.s32 $0xFFFFC000  }
0x107: {  	[tilespmem:s23], [sflag:$0x2] =	stream.indirect.gather [hbm4b:s4+s22], $0x80, s13, s22, $0xb8;
	[tilespmem:$0x1C400] =	vst v63  }
0x108: {  	_ =	swait.ge [sflag:s24], $0x4000  }
0x109: {  	[sflag:s24] =	ssyncset.done $0x0  }
0x10a: {  	[sflag:s24] =	ssyncadd.s32 $0xFFFFC000  }
0x10b: {  	[spmem:s1] =	stream.indirect.scatter.add.f32 [tilespmem:s19], [sflag:$0x3], $0x80, s14, s22, $0xb8;
	[tilespmem:$0x1C400] =	vst v63  }
0x10c: {  	_ =	swait.ge [sflag:s20], $0x4000  }
0x10d: {  	[sflag:s20] =	ssyncset.done $0x0  }
0x10e: {  	[sflag:s20] =	ssyncadd.s32 $0xFFFFC000  }
0x10f: {  	_ =	swait.ge [sflag:s26], $0x4000  }
0x110: {  	[sflag:s26] =	ssyncset.done $0x0  }
0x111: {  	[sflag:s26] =	ssyncadd.s32 $0xFFFFC000  }
0x112: {  	[spmem:s1] =	stream.indirect.scatter.add.f32 [tilespmem:s23], [sflag:$0x3], $0x80, s15, s22, $0xb8;
	[tilespmem:$0x1C400] =	vst v63  }
0x113: {  	_ =	swait.ge [sflag:s20], $0x4000  }
0x114: {  	[sflag:s20] =	ssyncset.done $0x0  }
0x115: {  	[sflag:s20] =	ssyncadd.s32 $0xFFFFC000  }
0x116: {  	[bflag:$0x0] =	sbarrier.arrive $0xFFFF  }
0x117: {  	s16 =	rddreg [dreg:$0x5]  }
0x118: {  	[tilespmem:s19], [sflag:$0x3] =	stream.linear.gather [spmem:s16], $0x4000, $0x38;
	[tilespmem:$0x1C400] =	vst v63  }
0x119: {  	_ =	swait.ge [sflag:s20], $0x4000  }
0x11a: {  	[sflag:s20] =	ssyncset.done $0x0  }
0x11b: {  	s7 =	rddreg [dreg:$0xa];
	[sflag:s20] =	ssyncadd.s32 $0xFFFFC000  }
0x11c: {  	[hbm4b:s7+s2] =	stream.linear.scatter [tilespmem:s19], [sflag:$0x3], $0x4000, $0x38;
	[tilespmem:$0x1C400] =	vst v63  }
0x11d: {  	_ =	swait.ge [sflag:s20], $0x4000  }
0x11e: {  	[sflag:s20] =	ssyncset.done $0x0  }
0x11f: {  	s10 =	rddreg [dreg:$0x6];
	[sflag:s20] =	ssyncadd.s32 $0xFFFFC000  }
0x120: {  	[tilespmem:s19], [sflag:$0x3] =	stream.linear.gather [spmem:s10], $0x4000, $0x38;
	[tilespmem:$0x1C400] =	vst v63  }
0x121: {  	_ =	swait.ge [sflag:s20], $0x4000  }
0x122: {  	[sflag:s20] =	ssyncset.done $0x0  }
0x123: {  	s8 =	rddreg [dreg:$0xb];
	[sflag:s20] =	ssyncadd.s32 $0xFFFFC000  }
0x124: {  	[hbm4b:s8+s2] =	stream.linear.scatter [tilespmem:s19], [sflag:$0x3], $0x4000, $0x38;
	[tilespmem:$0x1C400] =	vst v63  }
0x125: {  	_ =	swait.ge [sflag:s20], $0x4000  }
0x126: {  	[sflag:s20] =	ssyncset.done $0x0  }
0x127: {  	s7 =	rddreg [dreg:$0x7];
	[sflag:s20] =	ssyncadd.s32 $0xFFFFC000  }
0x128: {  	[tilespmem:s19], [sflag:$0x3] =	stream.linear.gather [spmem:s7], $0x4000, $0x38;
	[tilespmem:$0x1C400] =	vst v63  }
0x129: {  	_ =	swait.ge [sflag:s20], $0x4000  }
0x12a: {  	[sflag:s20] =	ssyncset.done $0x0  }
0x12b: {  	s9 =	rddreg [dreg:$0xc];
	[sflag:s20] =	ssyncadd.s32 $0xFFFFC000  }
0x12c: {  	[hbm4b:s9+s2] =	stream.linear.scatter [tilespmem:s19], [sflag:$0x3], $0x4000, $0x38;
	[tilespmem:$0x1C400] =	vst v63  }
0x12d: {  	_ =	swait.ge [sflag:s20], $0x4000  }
0x12e: {  	[sflag:s20] =	ssyncset.done $0x0  }
0x12f: {  	s8 =	rddreg [dreg:$0x8];
	[sflag:s20] =	ssyncadd.s32 $0xFFFFC000  }
0x130: {  	[tilespmem:s19], [sflag:$0x3] =	stream.linear.gather [spmem:s8], $0x4000, $0x38;
	[tilespmem:$0x1C400] =	vst v63  }
0x131: {  	_ =	swait.ge [sflag:s20], $0x4000  }
0x132: {  	[sflag:s20] =	ssyncset.done $0x0  }
0x133: {  	s16 =	rddreg [dreg:$0xd];
	[sflag:s20] =	ssyncadd.s32 $0xFFFFC000  }
0x134: {  	[hbm4b:s16+s2] =	stream.linear.scatter [tilespmem:s19], [sflag:$0x3], $0x4000, $0x38;
	[tilespmem:$0x1C400] =	vst v63  }
0x135: {  	_ =	swait.ge [sflag:s20], $0x4000  }
0x136: {  	[sflag:s20] =	ssyncset.done $0x0  }
0x137: {  	s16 =	rddreg [dreg:$0x9];
	[sflag:s20] =	ssyncadd.s32 $0xFFFFC000  }
0x138: {  	[tilespmem:s19], [sflag:$0x3] =	stream.linear.gather [spmem:s16], $0x3C00, $0x38;
	[tilespmem:$0x1C400] =	vst v63  }
0x139: {  	_ =	swait.ge [sflag:s20], $0x3C00  }
0x13a: {  	[sflag:s20] =	ssyncset.done $0x0  }
0x13b: {  	s9 =	rddreg [dreg:$0xe];
	[sflag:s20] =	ssyncadd.s32 $0xFFFFC400  }
0x13c: {  	[hbm4b:s9+s2] =	stream.linear.scatter [tilespmem:s19], [sflag:$0x3], $0x3C00, $0x38;
	[tilespmem:$0x1C400] =	vst v63  }
0x13d: {  	_ =	swait.ge [sflag:s20], $0x3C00  }
0x13e: {  	s9 =	rddreg [dreg:$0x10]  }
0x13f: {  	s6 =	rddreg [dreg:$0xf];
	s9 =	sadd.s32 $0x1, s9  }
0x140: {  	p0 =	sne.s32 s9, s6  }
.Ltmp1:
0x141: {  	_ = 	snop;
	(pc) =	sbr.rel @p0 .LBB2_1-.Ltmp1, $3  }
0x142: {  	_ =	sdelay $0x1  }
0x143: {  	[sflag:s20] =	ssyncset.done $0x0;
	[dreg:$0x10] =	wrdreg s9  }
0x144: {  	[sflag:s20] =	ssyncadd.s32 $0xFFFFC400;
	s9 =	rddreg [dreg:$0x5]  }
0x145: {  	_ =	sfence.sel $0x180000  }
0x146: {  	[bflag:$0x0] =	sbarrier.arrive $0xFFFF  }
0x147: {  	_ =	strace $0x90000047  }
0x148: {  	s0 =	stileid.u32;
	[bflag:$0x2] =	sbarrier.arrive $0xFFFF  }
0x149: {  	p0 =	sne.s32 s0, $0x0;
	s0 =	rddreg [dreg:$0x3]  }
0x14a: {  	s0 =	sadd.s32 @!p0 $0x100000, s0  }
0x14b: {  	[sflag:s0] =	ssyncadd.tile.s32 @!p0 $0x1;
	_ =	shalt  }
.Lfunc_end2:
_tile_overlayer_lowered:
.L_overlay_start_2:
0x14c: {  	(tag) =	ssettag $0x2  }
0x14d: {  	s0 =	rddreg [dreg:$0x0];
	s2 =	stileid.u32  }
0x14e: {  	s1 =	rddreg [dreg:$0x1];
	p0 =	sne.s32 s2, $0x0  }
0x14f: {  	s3 =	rddreg [dreg:$0x2];
	[bflag:$0x3] =	sbarrier.arrive $0xFFFF;
	s2 =	simm.s32 @!p0 $0x1C03  }
0x150: {  	[timem:s3], [sflag:s2] =	dma.local @!p0 [hbm:s0], s1  }
0x151: {  	s0 =	simm.s32 @!p0 $0x3  }
0x152: {  	_ =	swait.ge @!p0 [sflag:s0], s1  }
0x153: {  	s1 =	ssub.s32 @!p0 $0x0, s1;
	[sflag:s0] =	ssyncset.done @!p0 $0x0  }
0x154: {  	[sflag:s0] =	ssyncadd.s32 @!p0 s1  }
0x155: {  	[bflag:$0x3] =	sbarrier.arrive $0xFFFF  }
0x156: {  	_ =	shalt  }

</sc_bundles>
